<compile_context>
chip_gen: v7x
topology: tpu7x:2x2x1
jax: 0.10.2.dev20260603
libtpu: 0.0.44.dev20260713+nightly
codegen_flags: <defaults>
</compile_context>

<pallas_src>
import jax
import jax.numpy as jnp
from jax import lax
from jax.experimental import pallas as pl
from jax.experimental.pallas import tpu as pltpu
from jax.experimental.pallas import tpu_sc as plsc

N = 10000
E = 320000
P = 320000
D = 128
H = 128
DEC = 256
EPS = 1e-5

NC, NS = 2, 16
NW = NC * NS
CHUNK = 128
CPT = 79
EPAD = NW * CPT * CHUNK
NP = N + 8
ZR = 640
ZLAST = NP - ZR

BP = 3200
GD = P // BP

_mesh_cache = []


def _mesh():
    if not _mesh_cache:
        _mesh_cache.append(plsc.VectorSubcoreMesh(
            core_axis_name="c", subcore_axis_name="s",
            num_cores=NC, num_subcores=NS))
    return _mesh_cache[0]



IPT = CPT * CHUNK
VSTEPS = IPT // 16


def _deg_body(ones_hbm, dst_hbm, out_hbm, idx_v, ones_v, acc_sh, sem):
    c = lax.axis_index("c")
    s = lax.axis_index("s")
    wid = s * NC + c
    zoff = jnp.minimum(s * ZR, ZLAST)

    pltpu.sync_copy(ones_hbm.at[pl.ds(0, 16)], ones_v)
    pltpu.sync_copy(ones_hbm.at[pl.ds(zoff, ZR)], acc_sh.at[pl.ds(zoff, ZR)])
    pltpu.sync_copy(dst_hbm.at[wid], idx_v)
    plsc.subcore_barrier()

    def step(t, _):
        dvec = idx_v[0, pl.ds(16 * t, 16)]
        pltpu.sync_copy(ones_v, acc_sh.at[dvec], add=True)
        return 0
    lax.fori_loop(0, VSTEPS, step, 0)

    plsc.subcore_barrier()
    pltpu.sync_copy(acc_sh.at[pl.ds(zoff, ZR)], out_hbm.at[c, pl.ds(zoff, ZR)])


def _sc_deg(ones, dst3d):
    return pl.kernel(
        _deg_body,
        out_type=jax.ShapeDtypeStruct((NC, NP, H), jnp.float32),
        mesh=_mesh(),
        scratch_types=[
            pltpu.VMEM((1, IPT), jnp.int32),
            pltpu.VMEM((16, H), jnp.float32),
            pltpu.VMEM_SHARED((NP, H), jnp.float32),
            pltpu.SemaphoreType.DMA,
        ],
    )(ones, dst3d)


def _conv_body(tbl_hbm, src_hbm, dst_hbm, out_hbm,
               rows0, rows1, sb0, sb1, db0, db1, acc_sh, gs0, gs1):
    c = lax.axis_index("c")
    s = lax.axis_index("s")
    wid = s * NC + c
    zoff = jnp.minimum(s * ZR, ZLAST)
    rows = (rows0, rows1)
    sb = (sb0, sb1)
    db = (db0, db1)
    gs = (gs0, gs1)

    pltpu.sync_copy(tbl_hbm.at[pl.ds(zoff, ZR)], acc_sh.at[pl.ds(zoff, ZR)])
    plsc.subcore_barrier()

    def issue(t, b):
        pltpu.sync_copy(src_hbm.at[wid, 0, pl.ds(t * CHUNK, CHUNK)], sb[b])
        pltpu.sync_copy(dst_hbm.at[wid, 0, pl.ds(t * CHUNK, CHUNK)], db[b])
        pltpu.async_copy(tbl_hbm.at[sb[b]], rows[b], gs[b])

    def wait_rows(b):
        pltpu.make_async_copy(tbl_hbm.at[pl.ds(0, CHUNK)], rows[b],
                              gs[b]).wait()

    def scatter(b):
        pltpu.sync_copy(rows[b], acc_sh.at[db[b]], add=True)

    issue(0, 0)

    def group(g, _):
        t = 2 * g
        wait_rows(0)
        issue(t + 1, 1)
        scatter(0)
        wait_rows(1)
        issue(t + 2, 0)
        scatter(1)
        return 0
    lax.fori_loop(0, (CPT - 1) // 2, group, 0)
    wait_rows(0)
    scatter(0)

    plsc.subcore_barrier()
    pltpu.sync_copy(acc_sh.at[pl.ds(zoff, ZR)], out_hbm.at[c, pl.ds(zoff, ZR)])


def _sc_conv(tbl, src3d, dst3d):
    return pl.kernel(
        _conv_body,
        out_type=jax.ShapeDtypeStruct((NC, NP, H), jnp.float32),
        mesh=_mesh(),
        scratch_types=[
            pltpu.VMEM((CHUNK, H), jnp.float32),
            pltpu.VMEM((CHUNK, H), jnp.float32),
            pltpu.VMEM((CHUNK,), jnp.int32),
            pltpu.VMEM((CHUNK,), jnp.int32),
            pltpu.VMEM((CHUNK,), jnp.int32),
            pltpu.VMEM((CHUNK,), jnp.int32),
            pltpu.VMEM_SHARED((NP, H), jnp.float32),
            pltpu.SemaphoreType.DMA,
            pltpu.SemaphoreType.DMA,
        ],
    )(tbl, src3d, dst3d)


def _pair_body(z_hbm, s_hbm, d_hbm, u_hbm, v_hbm,
               ub0, ub1, vb0, vb1, sb0, sb1, db0, db1, gsu0, gsu1, gsv0, gsv1):
    c = lax.axis_index("c")
    s = lax.axis_index("s")
    wid = s * NC + c
    ub = (ub0, ub1)
    vb = (vb0, vb1)
    sb = (sb0, sb1)
    db = (db0, db1)
    gsu = (gsu0, gsu1)
    gsv = (gsv0, gsv1)

    def issue(t, b):
        pltpu.sync_copy(s_hbm.at[wid, 0, pl.ds(t * CHUNK, CHUNK)], sb[b])
        pltpu.sync_copy(d_hbm.at[wid, 0, pl.ds(t * CHUNK, CHUNK)], db[b])
        pltpu.async_copy(z_hbm.at[sb[b]], ub[b], gsu[b])
        pltpu.async_copy(z_hbm.at[db[b]], vb[b], gsv[b])

    def wait_uv(b):
        pltpu.make_async_copy(z_hbm.at[pl.ds(0, CHUNK)], ub[b], gsu[b]).wait()
        pltpu.make_async_copy(z_hbm.at[pl.ds(0, CHUNK)], vb[b], gsv[b]).wait()

    def store(t, b):
        base = wid * IPT + t * CHUNK
        pltpu.sync_copy(ub[b], u_hbm.at[pl.ds(base, CHUNK)])
        pltpu.sync_copy(vb[b], v_hbm.at[pl.ds(base, CHUNK)])

    issue(0, 0)

    def group(g, _):
        t = 2 * g
        wait_uv(0)
        issue(t + 1, 1)
        store(t, 0)
        wait_uv(1)
        issue(t + 2, 0)
        store(t + 1, 1)
        return 0
    lax.fori_loop(0, (CPT - 1) // 2, group, 0)
    wait_uv(0)
    store(CPT - 1, 0)


def _sc_pair(z, s3d, d3d):
    return pl.kernel(
        _pair_body,
        out_type=(jax.ShapeDtypeStruct((EPAD, H), jnp.float32),
                  jax.ShapeDtypeStruct((EPAD, H), jnp.float32)),
        mesh=_mesh(),
        scratch_types=[
            pltpu.VMEM((CHUNK, H), jnp.float32),
            pltpu.VMEM((CHUNK, H), jnp.float32),
            pltpu.VMEM((CHUNK, H), jnp.float32),
            pltpu.VMEM((CHUNK, H), jnp.float32),
            pltpu.VMEM((CHUNK,), jnp.int32),
            pltpu.VMEM((CHUNK,), jnp.int32),
            pltpu.VMEM((CHUNK,), jnp.int32),
            pltpu.VMEM((CHUNK,), jnp.int32),
            pltpu.SemaphoreType.DMA,
            pltpu.SemaphoreType.DMA,
            pltpu.SemaphoreType.DMA,
            pltpu.SemaphoreType.DMA,
        ],
    )(z, s3d, d3d)



def _prep_body(degp_ref, x_ref, W0_ref, Wp_ref, hs0_ref, xp_ref, dinv_ref):
    deg = degp_ref[0, :N, 0:1] + degp_ref[1, :N, 0:1] - 1.0
    dinv = lax.rsqrt(deg)
    x = x_ref[...]
    hs0_ref[...] = jnp.dot(x, W0_ref[...],
                           preferred_element_type=jnp.float32) * dinv
    xp_ref[...] = jnp.dot(x, Wp_ref[...], preferred_element_type=jnp.float32)
    dinv_ref[...] = dinv


def _tc_prep(degp, x, W0, Wp):
    return pl.pallas_call(
        _prep_body,
        out_shape=(jax.ShapeDtypeStruct((N, H), jnp.float32),
                   jax.ShapeDtypeStruct((N, H), jnp.float32),
                   jax.ShapeDtypeStruct((N, 1), jnp.float32)),
    )(degp, x, W0, Wp)


def _enc1_body(S_ref, hs_ref, dinv_ref, xp_ref, b_ref, g_ref, be_ref, W1_ref,
               h_ref, hs1_ref):
    S = S_ref[0, :N] + S_ref[1, :N] - hs_ref[...]
    dinv = dinv_ref[...]
    pre = S * dinv + b_ref[...]
    mu = jnp.mean(pre, axis=0, keepdims=True)
    var = jnp.mean((pre - mu) ** 2, axis=0, keepdims=True)
    hb = g_ref[...] * (pre - mu) * lax.rsqrt(var + EPS) + be_ref[...]
    h = jnp.maximum(hb, 0.0) + xp_ref[...]
    h_ref[...] = h
    hs1_ref[...] = jnp.dot(h, W1_ref[...],
                           preferred_element_type=jnp.float32) * dinv


def _tc_enc1(S0, hs0, dinv, xp, b0, g0, be0, W1):
    return pl.pallas_call(
        _enc1_body,
        out_shape=(jax.ShapeDtypeStruct((N, H), jnp.float32),
                   jax.ShapeDtypeStruct((N, H), jnp.float32)),
    )(S0, hs0, dinv, xp, b0, g0, be0, W1)


def _enc2_body(S_ref, hs1_ref, dinv_ref, h_ref, b_ref, g_ref, be_ref, z_ref):
    S = S_ref[0, :N] + S_ref[1, :N] - hs1_ref[...]
    pre = S * dinv_ref[...] + b_ref[...]
    mu = jnp.mean(pre, axis=0, keepdims=True)
    var = jnp.mean((pre - mu) ** 2, axis=0, keepdims=True)
    hb = g_ref[...] * (pre - mu) * lax.rsqrt(var + EPS) + be_ref[...]
    z_ref[...] = jnp.maximum(hb, 0.0) + h_ref[...]


def _tc_enc2(S1, hs1, dinv, h, b1, g1, be1):
    return pl.pallas_call(
        _enc2_body,
        out_shape=jax.ShapeDtypeStruct((N, H), jnp.float32),
    )(S1, hs1, dinv, h, b1, g1, be1)


def _dec1_body(u_ref, v_ref, W_ref, b_ref, o_ref, st_ref):
    bf = jnp.bfloat16
    u = u_ref[...]
    v = v_ref[...]
    o = (jnp.dot(u.astype(bf), W_ref[0], preferred_element_type=jnp.float32)
         + jnp.dot(v.astype(bf), W_ref[1], preferred_element_type=jnp.float32)
         + jnp.dot((u * v).astype(bf), W_ref[2],
                   preferred_element_type=jnp.float32)
         + jnp.dot(jnp.abs(u - v).astype(bf), W_ref[3],
                   preferred_element_type=jnp.float32)
         + b_ref[...])
    o_ref[...] = o.astype(bf)
    st = jnp.concatenate(
        [jnp.sum(o, axis=0, keepdims=True),
         jnp.sum(o * o, axis=0, keepdims=True),
         jnp.zeros((6, o.shape[1]), jnp.float32)], axis=0)

    @pl.when(pl.program_id(0) == 0)
    def _():
        st_ref[...] = st

    @pl.when(pl.program_id(0) > 0)
    def _():
        st_ref[...] += st


def _tc_dec1(u, v, W4, b):
    return pl.pallas_call(
        _dec1_body,
        grid=(GD,),
        in_specs=[
            pl.BlockSpec((BP, H), lambda i: (i, 0)),
            pl.BlockSpec((BP, H), lambda i: (i, 0)),
            pl.BlockSpec((4, H, DEC), lambda i: (0, 0, 0)),
            pl.BlockSpec((1, DEC), lambda i: (0, 0)),
        ],
        out_specs=(pl.BlockSpec((BP, DEC), lambda i: (i, 0)),
                   pl.BlockSpec((8, DEC), lambda i: (0, 0))),
        out_shape=(jax.ShapeDtypeStruct((P, DEC), jnp.bfloat16),
                   jax.ShapeDtypeStruct((8, DEC), jnp.float32)),
    )(u, v, W4, b)


def _dec2_body(o1_ref, st_ref, g_ref, be_ref, W_ref, b_ref, o2_ref, st2_ref):
    mu = st_ref[0:1] * (1.0 / P)
    var = st_ref[1:2] * (1.0 / P) - mu * mu
    a = g_ref[...] * lax.rsqrt(var + EPS)
    y = jnp.maximum(a * (o1_ref[...].astype(jnp.float32) - mu) + be_ref[...],
                    0.0)
    o2 = jnp.dot(y.astype(jnp.bfloat16), W_ref[...],
                 preferred_element_type=jnp.float32) + b_ref[...]
    o2_ref[...] = o2.astype(jnp.bfloat16)
    st = jnp.concatenate(
        [jnp.sum(o2, axis=0, keepdims=True),
         jnp.sum(o2 * o2, axis=0, keepdims=True),
         jnp.zeros((6, o2.shape[1]), jnp.float32)], axis=0)

    @pl.when(pl.program_id(0) == 0)
    def _():
        st2_ref[...] = st

    @pl.when(pl.program_id(0) > 0)
    def _():
        st2_ref[...] += st


def _tc_dec2(o1, st1, g, be, W, b):
    return pl.pallas_call(
        _dec2_body,
        grid=(GD,),
        in_specs=[
            pl.BlockSpec((BP, DEC), lambda i: (i, 0)),
            pl.BlockSpec((8, DEC), lambda i: (0, 0)),
            pl.BlockSpec((1, DEC), lambda i: (0, 0)),
            pl.BlockSpec((1, DEC), lambda i: (0, 0)),
            pl.BlockSpec((DEC, DEC // 2), lambda i: (0, 0)),
            pl.BlockSpec((1, DEC // 2), lambda i: (0, 0)),
        ],
        out_specs=(pl.BlockSpec((BP, DEC // 2), lambda i: (i, 0)),
                   pl.BlockSpec((8, DEC // 2), lambda i: (0, 0))),
        out_shape=(jax.ShapeDtypeStruct((P, DEC // 2), jnp.bfloat16),
                   jax.ShapeDtypeStruct((8, DEC // 2), jnp.float32)),
    )(o1, st1, g, be, W, b)


def _dec3_body(o2_ref, st_ref, g_ref, be_ref, w_ref, b_ref, out_ref):
    mu = st_ref[0:1] * (1.0 / P)
    var = st_ref[1:2] * (1.0 / P) - mu * mu
    a = g_ref[...] * lax.rsqrt(var + EPS)
    y = jnp.maximum(a * (o2_ref[...].astype(jnp.float32) - mu) + be_ref[...],
                    0.0)
    out_ref[...] = (jnp.sum(y * w_ref[...], axis=1)
                    + b_ref[0, 0]).reshape(8, BP // 8)


def _tc_dec3(o2, st2, g, be, w_row, b):
    return pl.pallas_call(
        _dec3_body,
        grid=(GD,),
        in_specs=[
            pl.BlockSpec((BP, DEC // 2), lambda i: (i, 0)),
            pl.BlockSpec((8, DEC // 2), lambda i: (0, 0)),
            pl.BlockSpec((1, DEC // 2), lambda i: (0, 0)),
            pl.BlockSpec((1, DEC // 2), lambda i: (0, 0)),
            pl.BlockSpec((1, DEC // 2), lambda i: (0, 0)),
            pl.BlockSpec((1, 1), lambda i: (0, 0)),
        ],
        out_specs=pl.BlockSpec((8, BP // 8), lambda i: (i, 0)),
        out_shape=jax.ShapeDtypeStruct((GD * 8, BP // 8), jnp.float32),
    )(o2, st2, g, be, w_row, b)





def _pad_idx(a, n_total):
    pad = jnp.full((n_total - a.shape[0],), N, dtype=a.dtype)
    return jnp.concatenate([a, pad]).reshape(NW, 1, CPT * CHUNK)


def _pad_rows(t):
    return jnp.pad(t, ((0, NP - t.shape[0]), (0, 0)))


def kernel(x, edge_index, edge_pairs, W0, b0, g0, be0, W1, b1, g1, be1, Wp,
           d1W, d1b, d1g, d1be, d2W, d2b, d2g, d2be, d3W, d3b):
    src = _pad_idx(edge_index[0], EPAD)
    dst = _pad_idx(edge_index[1], EPAD)
    ps = _pad_idx(edge_pairs[:, 0], EPAD)
    pd = _pad_idx(edge_pairs[:, 1], EPAD)

    degp = _sc_deg(jnp.ones((NP, H), jnp.float32), dst)
    hs0, xp, dinv = _tc_prep(degp, x, W0, Wp)
    S0 = _sc_conv(_pad_rows(hs0), src, dst)
    h, hs1 = _tc_enc1(S0, hs0, dinv, xp, b0.reshape(1, H), g0.reshape(1, H),
                      be0.reshape(1, H), W1)
    S1 = _sc_conv(_pad_rows(hs1), src, dst)
    z = _tc_enc2(S1, hs1, dinv, h, b1.reshape(1, H), g1.reshape(1, H),
                 be1.reshape(1, H))
    u, v = _sc_pair(_pad_rows(z), ps, pd)
    o1, st1 = _tc_dec1(u, v, d1W.reshape(4, H, DEC).astype(jnp.bfloat16),
                       d1b.reshape(1, DEC))
    o2, st2 = _tc_dec2(o1, st1, d1g.reshape(1, DEC), d1be.reshape(1, DEC),
                       d2W.astype(jnp.bfloat16), d2b.reshape(1, DEC // 2))
    out = _tc_dec3(o2, st2, d2g.reshape(1, DEC // 2), d2be.reshape(1, DEC // 2),
                   d3W.reshape(1, DEC // 2), d3b.reshape(1, 1))
    return out.reshape(P)

# --- scband reference (transcript-rebuilt; emitter-appended) ---
"""Pipeline reference for scband-link-predictor-60790967107704 (READ-ONLY COPY).

The authoritative reference and input builder live on the scoring server;
editing this copy changes nothing except your own understanding.
"""

import jax, jax.numpy as jnp
import numpy as np

N = 10000
E = 320000
P = 320000
D = 128
H = 128
DEC = 256


def setup_inputs(seed: int = 0) -> dict:
    key = jax.random.key(seed)
    ks = jax.random.split(key, 24)
    inp = {}
    inp["x"] = jax.random.normal(ks[0], (N, D), dtype=jnp.float32)
    inp["edge_index"] = jax.random.randint(ks[1], (2, E), 0, N, dtype=jnp.int32)
    inp["edge_pairs"] = jax.random.randint(ks[2], (P, 2), 0, N, dtype=jnp.int32)
    # GCN encoder layer 0
    inp["W0"] = jax.random.normal(ks[3], (D, H), dtype=jnp.float32) * 0.05
    inp["b0"] = jnp.zeros((H,), dtype=jnp.float32)
    inp["g0"] = jnp.ones((H,), dtype=jnp.float32)
    inp["be0"] = jnp.zeros((H,), dtype=jnp.float32)
    # GCN encoder layer 1
    inp["W1"] = jax.random.normal(ks[4], (H, H), dtype=jnp.float32) * 0.05
    inp["b1"] = jnp.zeros((H,), dtype=jnp.float32)
    inp["g1"] = jnp.ones((H,), dtype=jnp.float32)
    inp["be1"] = jnp.zeros((H,), dtype=jnp.float32)
    # input projection (bias=False)
    inp["Wp"] = jax.random.normal(ks[5], (D, H), dtype=jnp.float32) * 0.05
    # decoder MLP: Linear(4H, DEC) -> BN -> ReLU -> Linear(DEC, DEC//2) -> BN -> ReLU -> Linear(DEC//2, 1)
    inp["d1W"] = jax.random.normal(ks[6], (4 * H, DEC), dtype=jnp.float32) * 0.05
    inp["d1b"] = jnp.zeros((DEC,), dtype=jnp.float32)
    inp["d1g"] = jnp.ones((DEC,), dtype=jnp.float32)
    inp["d1be"] = jnp.zeros((DEC,), dtype=jnp.float32)
    inp["d2W"] = jax.random.normal(ks[7], (DEC, DEC // 2), dtype=jnp.float32) * 0.05
    inp["d2b"] = jnp.zeros((DEC // 2,), dtype=jnp.float32)
    inp["d2g"] = jnp.ones((DEC // 2,), dtype=jnp.float32)
    inp["d2be"] = jnp.zeros((DEC // 2,), dtype=jnp.float32)
    inp["d3W"] = jax.random.normal(ks[8], (DEC // 2, 1), dtype=jnp.float32) * 0.05
    inp["d3b"] = jnp.zeros((1,), dtype=jnp.float32)
    return inp


def _bn(x, g, b, eps=1e-5):
    # BatchNorm1d in training mode: batch statistics
    mu = jnp.mean(x, axis=0)
    var = jnp.var(x, axis=0)
    return g * (x - mu) / jnp.sqrt(var + eps) + b


def _gcn_conv(x, edge_index, W, b):
    n = x.shape[0]
    src = edge_index[0]
    dst = edge_index[1]
    loop = jnp.arange(n, dtype=src.dtype)
    src = jnp.concatenate([src, loop])
    dst = jnp.concatenate([dst, loop])
    deg = jnp.zeros((n,), dtype=x.dtype).at[dst].add(1.0)
    dinv = jnp.where(deg > 0, jax.lax.rsqrt(jnp.maximum(deg, 1e-12)), 0.0)
    norm = dinv[src] * dinv[dst]
    h = x @ W
    msg = h[src] * norm[:, None]
    out = jnp.zeros((n, W.shape[1]), dtype=x.dtype).at[dst].add(msg)
    return out + b


def reference(x, edge_index, edge_pairs, W0, b0, g0, be0, W1, b1, g1, be1, Wp,
              d1W, d1b, d1g, d1be, d2W, d2b, d2g, d2be, d3W, d3b):
    # encoder layer 0: conv -> bn -> relu -> residual(input_proj) -> dropout(p=0, identity)
    h = _gcn_conv(x, edge_index, W0, b0)
    h = _bn(h, g0, be0)
    h = jax.nn.relu(h)
    h = h + x @ Wp
    # encoder layer 1: conv -> bn -> relu -> residual
    h1 = _gcn_conv(h, edge_index, W1, b1)
    h1 = _bn(h1, g1, be1)
    h1 = jax.nn.relu(h1)
    z = h1 + h
    # decode
    s = edge_pairs[:, 0]
    d = edge_pairs[:, 1]
    u = z[s]
    v = z[d]
    hc = jnp.concatenate([u, v, u * v, jnp.abs(u - v)], axis=1)
    o = hc @ d1W + d1b
    o = _bn(o, d1g, d1be)
    o = jax.nn.relu(o)
    o = o @ d2W + d2b
    o = _bn(o, d2g, d2be)
    o = jax.nn.relu(o)
    o = o @ d3W + d3b
    return o[:, 0]

if __name__ == "__main__":
    import jax
    _d = setup_inputs()
    print(jax.jit(kernel)(*tuple(_d.values())))

</pallas_src>

<mosaic_0001>
#map = affine_map<(d0, d1) -> (0, 0)>
#map1 = affine_map<(d0, d1) -> (0, 0, 0)>
module attributes {stable_mosaic.version = 14 : i64} {
  func.func @_conv_body(%arg0: i32, %arg1: i32, %arg2: memref<10008x128xf32, #tpu.memory_space<hbm>>, %arg3: memref<32x1x10112xi32, #tpu.memory_space<hbm>>, %arg4: memref<32x1x10112xi32, #tpu.memory_space<hbm>>, %arg5: memref<2x10008x128xf32, #tpu.memory_space<hbm>>, %arg6: memref<128x128xf32, #tpu.memory_space<vmem>>, %arg7: memref<128x128xf32, #tpu.memory_space<vmem>>, %arg8: memref<128xi32, #tpu.memory_space<vmem>>, %arg9: memref<128xi32, #tpu.memory_space<vmem>>, %arg10: memref<128xi32, #tpu.memory_space<vmem>>, %arg11: memref<128xi32, #tpu.memory_space<vmem>>, %arg12: memref<10008x128xf32, #tpu.memory_space<vmem_shared>>, %arg13: memref<!tpu.dma_semaphore, #tpu.memory_space<semaphore_mem>>, %arg14: memref<!tpu.dma_semaphore, #tpu.memory_space<semaphore_mem>>) attributes {dimension_semantics = [#tpu.dimension_semantics<core_parallel>, #tpu.dimension_semantics<subcore_parallel>], iteration_bounds = array<i64: 2, 16>, scalar_prefetch = 0 : i64, scratch_operands = 9 : i64, tpu.core_type = #tpu.core_type<sc_vector_subcore>, window_params = [{transform_indices = #map}, {transform_indices = #map1}, {transform_indices = #map1}, {transform_indices = #map1}]} {
    %mul3A = arith.constant 2 : i32
    %mul3A_0 = arith.muli %arg1, %mul3A : i32
    %add3A = arith.addi %mul3A_0, %arg0 : i32
    %mul3A_1 = arith.constant 640 : i32
    %mul3A_2 = arith.muli %arg1, %mul3A_1 : i32
    %min3A = arith.constant 9368 : i32
    %min3A_3 = arith.minsi %mul3A_2, %min3A : i32
    "tpu.region"() ({
      %run_scoped3A_19 = tpu.sem_alloc : memref<!tpu.dma_semaphore, #tpu.memory_space<semaphore_mem>>
      %dma_start3A_20 = arith.constant 0 : i32
      %dma_start3A_21 = tpu.memref_slice %arg12[%min3A_3, %dma_start3A_20] : memref<10008x128xf32, #tpu.memory_space<vmem_shared>> -> memref<640x128xf32, #tpu.memory_space<vmem_shared>>
      %dma_start3A_22 = arith.constant 0 : i32
      %dma_start3A_23 = tpu.memref_slice %arg2[%min3A_3, %dma_start3A_22] : memref<10008x128xf32, #tpu.memory_space<hbm>> -> memref<640x128xf32, #tpu.memory_space<hbm>>
      tpu.enqueue_dma source(%dma_start3A_23 : memref<640x128xf32, #tpu.memory_space<hbm>>) target(%dma_start3A_21 : memref<640x128xf32, #tpu.memory_space<vmem_shared>>) target_semaphore(%run_scoped3A_19 : memref<!tpu.dma_semaphore, #tpu.memory_space<semaphore_mem>>)
      %dma_wait3A_24 = arith.constant 0 : i32
      %dma_wait3A_25 = tpu.memref_slice %arg12[%min3A_3, %dma_wait3A_24] : memref<10008x128xf32, #tpu.memory_space<vmem_shared>> -> memref<640x128xf32, #tpu.memory_space<vmem_shared>>
      %dma_wait3A_26 = arith.constant 0 : i32
      %dma_wait3A_27 = tpu.memref_slice %arg2[%min3A_3, %dma_wait3A_26] : memref<10008x128xf32, #tpu.memory_space<hbm>> -> memref<640x128xf32, #tpu.memory_space<hbm>>
      tpu.wait_dma2 semaphore(%run_scoped3A_19 : memref<!tpu.dma_semaphore, #tpu.memory_space<semaphore_mem>>) src(%dma_wait3A_27 : memref<640x128xf32, #tpu.memory_space<hbm>>) dst(%dma_wait3A_25 : memref<640x128xf32, #tpu.memory_space<vmem_shared>>)
      tpu.yield
    }) : () -> ()
    %barrier3A = arith.constant 0 : index
    tpu.barrier barrier_id(%barrier3A)
    %run_scoped3A = arith.constant 0 : i32
    "tpu.region"() ({
      %run_scoped3A_19 = tpu.sem_alloc : memref<!tpu.dma_semaphore, #tpu.memory_space<semaphore_mem>>
      %dma_start3A_20 = arith.constant 0 : i32
      %dma_start3A_21 = tpu.memref_slice %arg3[%add3A, %run_scoped3A, %dma_start3A_20] : memref<32x1x10112xi32, #tpu.memory_space<hbm>> -> memref<1x1x128xi32, #tpu.memory_space<hbm>>
      %dma_start3A_22 = tpu.memref_squeeze %dma_start3A_21 : memref<1x1x128xi32, #tpu.memory_space<hbm>> -> memref<128xi32, #tpu.memory_space<hbm>>
      %dma_start3A_23 = arith.constant 0 : i32
      %dma_start3A_24 = tpu.memref_slice %arg3[%add3A, %run_scoped3A, %dma_start3A_23] : memref<32x1x10112xi32, #tpu.memory_space<hbm>> -> memref<1x1x128xi32, #tpu.memory_space<hbm>>
      %dma_start3A_25 = tpu.memref_squeeze %dma_start3A_24 : memref<1x1x128xi32, #tpu.memory_space<hbm>> -> memref<128xi32, #tpu.memory_space<hbm>>
      tpu.enqueue_dma source(%dma_start3A_25 : memref<128xi32, #tpu.memory_space<hbm>>) target(%arg8 : memref<128xi32, #tpu.memory_space<vmem>>) target_semaphore(%run_scoped3A_19 : memref<!tpu.dma_semaphore, #tpu.memory_space<semaphore_mem>>)
      %dma_wait3A_26 = arith.constant 0 : i32
      %dma_wait3A_27 = tpu.memref_slice %arg3[%add3A, %run_scoped3A, %dma_wait3A_26] : memref<32x1x10112xi32, #tpu.memory_space<hbm>> -> memref<1x1x128xi32, #tpu.memory_space<hbm>>
      %dma_wait3A_28 = tpu.memref_squeeze %dma_wait3A_27 : memref<1x1x128xi32, #tpu.memory_space<hbm>> -> memref<128xi32, #tpu.memory_space<hbm>>
      %dma_wait3A_29 = arith.constant 0 : i32
      %dma_wait3A_30 = tpu.memref_slice %arg3[%add3A, %run_scoped3A, %dma_wait3A_29] : memref<32x1x10112xi32, #tpu.memory_space<hbm>> -> memref<1x1x128xi32, #tpu.memory_space<hbm>>
      %dma_wait3A_31 = tpu.memref_squeeze %dma_wait3A_30 : memref<1x1x128xi32, #tpu.memory_space<hbm>> -> memref<128xi32, #tpu.memory_space<hbm>>
      tpu.wait_dma2 semaphore(%run_scoped3A_19 : memref<!tpu.dma_semaphore, #tpu.memory_space<semaphore_mem>>) src(%dma_wait3A_31 : memref<128xi32, #tpu.memory_space<hbm>>) dst(%arg8 : memref<128xi32, #tpu.memory_space<vmem>>)
      tpu.yield
    }) : () -> ()
    %run_scoped3A_4 = arith.constant 0 : i32
    "tpu.region"() ({
      %run_scoped3A_19 = tpu.sem_alloc : memref<!tpu.dma_semaphore, #tpu.memory_space<semaphore_mem>>
      %dma_start3A_20 = arith.constant 0 : i32
      %dma_start3A_21 = tpu.memref_slice %arg4[%add3A, %run_scoped3A_4, %dma_start3A_20] : memref<32x1x10112xi32, #tpu.memory_space<hbm>> -> memref<1x1x128xi32, #tpu.memory_space<hbm>>
      %dma_start3A_22 = tpu.memref_squeeze %dma_start3A_21 : memref<1x1x128xi32, #tpu.memory_space<hbm>> -> memref<128xi32, #tpu.memory_space<hbm>>
      %dma_start3A_23 = arith.constant 0 : i32
      %dma_start3A_24 = tpu.memref_slice %arg4[%add3A, %run_scoped3A_4, %dma_start3A_23] : memref<32x1x10112xi32, #tpu.memory_space<hbm>> -> memref<1x1x128xi32, #tpu.memory_space<hbm>>
      %dma_start3A_25 = tpu.memref_squeeze %dma_start3A_24 : memref<1x1x128xi32, #tpu.memory_space<hbm>> -> memref<128xi32, #tpu.memory_space<hbm>>
      tpu.enqueue_dma source(%dma_start3A_25 : memref<128xi32, #tpu.memory_space<hbm>>) target(%arg10 : memref<128xi32, #tpu.memory_space<vmem>>) target_semaphore(%run_scoped3A_19 : memref<!tpu.dma_semaphore, #tpu.memory_space<semaphore_mem>>)
      %dma_wait3A_26 = arith.constant 0 : i32
      %dma_wait3A_27 = tpu.memref_slice %arg4[%add3A, %run_scoped3A_4, %dma_wait3A_26] : memref<32x1x10112xi32, #tpu.memory_space<hbm>> -> memref<1x1x128xi32, #tpu.memory_space<hbm>>
      %dma_wait3A_28 = tpu.memref_squeeze %dma_wait3A_27 : memref<1x1x128xi32, #tpu.memory_space<hbm>> -> memref<128xi32, #tpu.memory_space<hbm>>
      %dma_wait3A_29 = arith.constant 0 : i32
      %dma_wait3A_30 = tpu.memref_slice %arg4[%add3A, %run_scoped3A_4, %dma_wait3A_29] : memref<32x1x10112xi32, #tpu.memory_space<hbm>> -> memref<1x1x128xi32, #tpu.memory_space<hbm>>
      %dma_wait3A_31 = tpu.memref_squeeze %dma_wait3A_30 : memref<1x1x128xi32, #tpu.memory_space<hbm>> -> memref<128xi32, #tpu.memory_space<hbm>>
      tpu.wait_dma2 semaphore(%run_scoped3A_19 : memref<!tpu.dma_semaphore, #tpu.memory_space<semaphore_mem>>) src(%dma_wait3A_31 : memref<128xi32, #tpu.memory_space<hbm>>) dst(%arg10 : memref<128xi32, #tpu.memory_space<vmem>>)
      tpu.yield
    }) : () -> ()
    %dma_start3A = arith.constant 0 : i32
    %dma_start3A_5 = arith.constant 0 : i32
    %dma_start3A_6 = tpu.memref_slice %arg2[%dma_start3A, %dma_start3A_5] : memref<10008x128xf32, #tpu.memory_space<hbm>> -> memref<10008x128xf32, #tpu.memory_space<hbm>>
    tpu.enqueue_indirect_dma source(%dma_start3A_6 : memref<10008x128xf32, #tpu.memory_space<hbm>>) target(%arg6 : memref<128x128xf32, #tpu.memory_space<vmem>>) offsets(%arg8 : memref<128xi32, #tpu.memory_space<vmem>>) semaphore(%arg13 : memref<!tpu.dma_semaphore, #tpu.memory_space<semaphore_mem>>)
    %scan3A = arith.constant 0 : i32
    %scan3A_7 = arith.constant 0 : i32
    %scan3A_8 = arith.constant 39 : i32
    %scan3A_9 = arith.addi %scan3A_7, %scan3A_8 : i32
    %scan3A_10 = arith.constant 1 : i32
    %scan3A_11 = scf.for %scan3A_19 = %scan3A_7 to %scan3A_9 step %scan3A_10 iter_args(%scan3A_20 = %scan3A) -> (i32)  : i32 {
      %mul3A_21 = arith.constant 2 : i32
      %mul3A_22 = arith.muli %mul3A_21, %scan3A_19 : i32
      %dma_wait3A_23 = arith.constant 0 : i32
      %dma_wait3A_24 = arith.constant 0 : i32
      %dma_wait3A_25 = tpu.memref_slice %arg2[%dma_wait3A_23, %dma_wait3A_24] : memref<10008x128xf32, #tpu.memory_space<hbm>> -> memref<128x128xf32, #tpu.memory_space<hbm>>
      %dma_wait3A_26 = arith.constant 0 : i32
      %dma_wait3A_27 = arith.constant 0 : i32
      %dma_wait3A_28 = tpu.memref_slice %arg2[%dma_wait3A_26, %dma_wait3A_27] : memref<10008x128xf32, #tpu.memory_space<hbm>> -> memref<128x128xf32, #tpu.memory_space<hbm>>
      tpu.wait_dma2 semaphore(%arg13 : memref<!tpu.dma_semaphore, #tpu.memory_space<semaphore_mem>>) src(%dma_wait3A_28 : memref<128x128xf32, #tpu.memory_space<hbm>>) dst(%arg6 : memref<128x128xf32, #tpu.memory_space<vmem>>)
      %add3A_29 = arith.constant 1 : i32
      %add3A_30 = arith.addi %mul3A_22, %add3A_29 : i32
      %mul3A_31 = arith.constant 128 : i32
      %mul3A_32 = arith.muli %add3A_30, %mul3A_31 : i32
      %run_scoped3A_33 = arith.constant 0 : i32
      "tpu.region"() ({
        %run_scoped3A_58 = tpu.sem_alloc : memref<!tpu.dma_semaphore, #tpu.memory_space<semaphore_mem>>
        %dma_start3A_59 = tpu.memref_slice %arg3[%add3A, %run_scoped3A_33, %mul3A_32] : memref<32x1x10112xi32, #tpu.memory_space<hbm>> -> memref<1x1x128xi32, #tpu.memory_space<hbm>>
        %dma_start3A_60 = tpu.memref_squeeze %dma_start3A_59 : memref<1x1x128xi32, #tpu.memory_space<hbm>> -> memref<128xi32, #tpu.memory_space<hbm>>
        %dma_start3A_61 = tpu.memref_slice %arg3[%add3A, %run_scoped3A_33, %mul3A_32] : memref<32x1x10112xi32, #tpu.memory_space<hbm>> -> memref<1x1x128xi32, #tpu.memory_space<hbm>>
        %dma_start3A_62 = tpu.memref_squeeze %dma_start3A_61 : memref<1x1x128xi32, #tpu.memory_space<hbm>> -> memref<128xi32, #tpu.memory_space<hbm>>
        tpu.enqueue_dma source(%dma_start3A_62 : memref<128xi32, #tpu.memory_space<hbm>>) target(%arg9 : memref<128xi32, #tpu.memory_space<vmem>>) target_semaphore(%run_scoped3A_58 : memref<!tpu.dma_semaphore, #tpu.memory_space<semaphore_mem>>)
        %dma_wait3A_63 = tpu.memref_slice %arg3[%add3A, %run_scoped3A_33, %mul3A_32] : memref<32x1x10112xi32, #tpu.memory_space<hbm>> -> memref<1x1x128xi32, #tpu.memory_space<hbm>>
        %dma_wait3A_64 = tpu.memref_squeeze %dma_wait3A_63 : memref<1x1x128xi32, #tpu.memory_space<hbm>> -> memref<128xi32, #tpu.memory_space<hbm>>
        %dma_wait3A_65 = tpu.memref_slice %arg3[%add3A, %run_scoped3A_33, %mul3A_32] : memref<32x1x10112xi32, #tpu.memory_space<hbm>> -> memref<1x1x128xi32, #tpu.memory_space<hbm>>
        %dma_wait3A_66 = tpu.memref_squeeze %dma_wait3A_65 : memref<1x1x128xi32, #tpu.memory_space<hbm>> -> memref<128xi32, #tpu.memory_space<hbm>>
        tpu.wait_dma2 semaphore(%run_scoped3A_58 : memref<!tpu.dma_semaphore, #tpu.memory_space<semaphore_mem>>) src(%dma_wait3A_66 : memref<128xi32, #tpu.memory_space<hbm>>) dst(%arg9 : memref<128xi32, #tpu.memory_space<vmem>>)
        tpu.yield
      }) : () -> ()
      %mul3A_34 = arith.constant 128 : i32
      %mul3A_35 = arith.muli %add3A_30, %mul3A_34 : i32
      %run_scoped3A_36 = arith.constant 0 : i32
      "tpu.region"() ({
        %run_scoped3A_58 = tpu.sem_alloc : memref<!tpu.dma_semaphore, #tpu.memory_space<semaphore_mem>>
        %dma_start3A_59 = tpu.memref_slice %arg4[%add3A, %run_scoped3A_36, %mul3A_35] : memref<32x1x10112xi32, #tpu.memory_space<hbm>> -> memref<1x1x128xi32, #tpu.memory_space<hbm>>
        %dma_start3A_60 = tpu.memref_squeeze %dma_start3A_59 : memref<1x1x128xi32, #tpu.memory_space<hbm>> -> memref<128xi32, #tpu.memory_space<hbm>>
        %dma_start3A_61 = tpu.memref_slice %arg4[%add3A, %run_scoped3A_36, %mul3A_35] : memref<32x1x10112xi32, #tpu.memory_space<hbm>> -> memref<1x1x128xi32, #tpu.memory_space<hbm>>
        %dma_start3A_62 = tpu.memref_squeeze %dma_start3A_61 : memref<1x1x128xi32, #tpu.memory_space<hbm>> -> memref<128xi32, #tpu.memory_space<hbm>>
        tpu.enqueue_dma source(%dma_start3A_62 : memref<128xi32, #tpu.memory_space<hbm>>) target(%arg11 : memref<128xi32, #tpu.memory_space<vmem>>) target_semaphore(%run_scoped3A_58 : memref<!tpu.dma_semaphore, #tpu.memory_space<semaphore_mem>>)
        %dma_wait3A_63 = tpu.memref_slice %arg4[%add3A, %run_scoped3A_36, %mul3A_35] : memref<32x1x10112xi32, #tpu.memory_space<hbm>> -> memref<1x1x128xi32, #tpu.memory_space<hbm>>
        %dma_wait3A_64 = tpu.memref_squeeze %dma_wait3A_63 : memref<1x1x128xi32, #tpu.memory_space<hbm>> -> memref<128xi32, #tpu.memory_space<hbm>>
        %dma_wait3A_65 = tpu.memref_slice %arg4[%add3A, %run_scoped3A_36, %mul3A_35] : memref<32x1x10112xi32, #tpu.memory_space<hbm>> -> memref<1x1x128xi32, #tpu.memory_space<hbm>>
        %dma_wait3A_66 = tpu.memref_squeeze %dma_wait3A_65 : memref<1x1x128xi32, #tpu.memory_space<hbm>> -> memref<128xi32, #tpu.memory_space<hbm>>
        tpu.wait_dma2 semaphore(%run_scoped3A_58 : memref<!tpu.dma_semaphore, #tpu.memory_space<semaphore_mem>>) src(%dma_wait3A_66 : memref<128xi32, #tpu.memory_space<hbm>>) dst(%arg11 : memref<128xi32, #tpu.memory_space<vmem>>)
        tpu.yield
      }) : () -> ()
      %dma_start3A_37 = arith.constant 0 : i32
      %dma_start3A_38 = arith.constant 0 : i32
      %dma_start3A_39 = tpu.memref_slice %arg2[%dma_start3A_37, %dma_start3A_38] : memref<10008x128xf32, #tpu.memory_space<hbm>> -> memref<10008x128xf32, #tpu.memory_space<hbm>>
      tpu.enqueue_indirect_dma source(%dma_start3A_39 : memref<10008x128xf32, #tpu.memory_space<hbm>>) target(%arg7 : memref<128x128xf32, #tpu.memory_space<vmem>>) offsets(%arg9 : memref<128xi32, #tpu.memory_space<vmem>>) semaphore(%arg14 : memref<!tpu.dma_semaphore, #tpu.memory_space<semaphore_mem>>)
      "tpu.region"() ({
        %run_scoped3A_58 = tpu.sem_alloc : memref<!tpu.dma_semaphore, #tpu.memory_space<semaphore_mem>>
        %dma_start3A_59 = arith.constant 0 : i32
        %dma_start3A_60 = arith.constant 0 : i32
        %dma_start3A_61 = tpu.memref_slice %arg12[%dma_start3A_59, %dma_start3A_60] : memref<10008x128xf32, #tpu.memory_space<vmem_shared>> -> memref<10008x128xf32, #tpu.memory_space<vmem_shared>>
        tpu.enqueue_indirect_dma source(%arg6 : memref<128x128xf32, #tpu.memory_space<vmem>>) target(%dma_start3A_61 : memref<10008x128xf32, #tpu.memory_space<vmem_shared>>) offsets(%arg10 : memref<128xi32, #tpu.memory_space<vmem>>) semaphore(%run_scoped3A_58 : memref<!tpu.dma_semaphore, #tpu.memory_space<semaphore_mem>>) {add = true}
        %dma_wait3A_62 = arith.constant 0 : i32
        %dma_wait3A_63 = arith.constant 0 : i32
        %dma_wait3A_64 = tpu.memref_slice %arg12[%dma_wait3A_62, %dma_wait3A_63] : memref<10008x128xf32, #tpu.memory_space<vmem_shared>> -> memref<10008x128xf32, #tpu.memory_space<vmem_shared>>
        tpu.wait_indirect_dma semaphore(%run_scoped3A_58 : memref<!tpu.dma_semaphore, #tpu.memory_space<semaphore_mem>>) src(%arg6 : memref<128x128xf32, #tpu.memory_space<vmem>>) dst(%dma_wait3A_64 : memref<10008x128xf32, #tpu.memory_space<vmem_shared>>)
        tpu.yield
      }) : () -> ()
      %dma_wait3A_40 = arith.constant 0 : i32
      %dma_wait3A_41 = arith.constant 0 : i32
      %dma_wait3A_42 = tpu.memref_slice %arg2[%dma_wait3A_40, %dma_wait3A_41] : memref<10008x128xf32, #tpu.memory_space<hbm>> -> memref<128x128xf32, #tpu.memory_space<hbm>>
      %dma_wait3A_43 = arith.constant 0 : i32
      %dma_wait3A_44 = arith.constant 0 : i32
      %dma_wait3A_45 = tpu.memref_slice %arg2[%dma_wait3A_43, %dma_wait3A_44] : memref<10008x128xf32, #tpu.memory_space<hbm>> -> memref<128x128xf32, #tpu.memory_space<hbm>>
      tpu.wait_dma2 semaphore(%arg14 : memref<!tpu.dma_semaphore, #tpu.memory_space<semaphore_mem>>) src(%dma_wait3A_45 : memref<128x128xf32, #tpu.memory_space<hbm>>) dst(%arg7 : memref<128x128xf32, #tpu.memory_space<vmem>>)
      %add3A_46 = arith.constant 2 : i32
      %add3A_47 = arith.addi %mul3A_22, %add3A_46 : i32
      %mul3A_48 = arith.constant 128 : i32
      %mul3A_49 = arith.muli %add3A_47, %mul3A_48 : i32
      %run_scoped3A_50 = arith.constant 0 : i32
      "tpu.region"() ({
        %run_scoped3A_58 = tpu.sem_alloc : memref<!tpu.dma_semaphore, #tpu.memory_space<semaphore_mem>>
        %dma_start3A_59 = tpu.memref_slice %arg3[%add3A, %run_scoped3A_50, %mul3A_49] : memref<32x1x10112xi32, #tpu.memory_space<hbm>> -> memref<1x1x128xi32, #tpu.memory_space<hbm>>
        %dma_start3A_60 = tpu.memref_squeeze %dma_start3A_59 : memref<1x1x128xi32, #tpu.memory_space<hbm>> -> memref<128xi32, #tpu.memory_space<hbm>>
        %dma_start3A_61 = tpu.memref_slice %arg3[%add3A, %run_scoped3A_50, %mul3A_49] : memref<32x1x10112xi32, #tpu.memory_space<hbm>> -> memref<1x1x128xi32, #tpu.memory_space<hbm>>
        %dma_start3A_62 = tpu.memref_squeeze %dma_start3A_61 : memref<1x1x128xi32, #tpu.memory_space<hbm>> -> memref<128xi32, #tpu.memory_space<hbm>>
        tpu.enqueue_dma source(%dma_start3A_62 : memref<128xi32, #tpu.memory_space<hbm>>) target(%arg8 : memref<128xi32, #tpu.memory_space<vmem>>) target_semaphore(%run_scoped3A_58 : memref<!tpu.dma_semaphore, #tpu.memory_space<semaphore_mem>>)
        %dma_wait3A_63 = tpu.memref_slice %arg3[%add3A, %run_scoped3A_50, %mul3A_49] : memref<32x1x10112xi32, #tpu.memory_space<hbm>> -> memref<1x1x128xi32, #tpu.memory_space<hbm>>
        %dma_wait3A_64 = tpu.memref_squeeze %dma_wait3A_63 : memref<1x1x128xi32, #tpu.memory_space<hbm>> -> memref<128xi32, #tpu.memory_space<hbm>>
        %dma_wait3A_65 = tpu.memref_slice %arg3[%add3A, %run_scoped3A_50, %mul3A_49] : memref<32x1x10112xi32, #tpu.memory_space<hbm>> -> memref<1x1x128xi32, #tpu.memory_space<hbm>>
        %dma_wait3A_66 = tpu.memref_squeeze %dma_wait3A_65 : memref<1x1x128xi32, #tpu.memory_space<hbm>> -> memref<128xi32, #tpu.memory_space<hbm>>
        tpu.wait_dma2 semaphore(%run_scoped3A_58 : memref<!tpu.dma_semaphore, #tpu.memory_space<semaphore_mem>>) src(%dma_wait3A_66 : memref<128xi32, #tpu.memory_space<hbm>>) dst(%arg8 : memref<128xi32, #tpu.memory_space<vmem>>)
        tpu.yield
      }) : () -> ()
      %mul3A_51 = arith.constant 128 : i32
      %mul3A_52 = arith.muli %add3A_47, %mul3A_51 : i32
      %run_scoped3A_53 = arith.constant 0 : i32
      "tpu.region"() ({
        %run_scoped3A_58 = tpu.sem_alloc : memref<!tpu.dma_semaphore, #tpu.memory_space<semaphore_mem>>
        %dma_start3A_59 = tpu.memref_slice %arg4[%add3A, %run_scoped3A_53, %mul3A_52] : memref<32x1x10112xi32, #tpu.memory_space<hbm>> -> memref<1x1x128xi32, #tpu.memory_space<hbm>>
        %dma_start3A_60 = tpu.memref_squeeze %dma_start3A_59 : memref<1x1x128xi32, #tpu.memory_space<hbm>> -> memref<128xi32, #tpu.memory_space<hbm>>
        %dma_start3A_61 = tpu.memref_slice %arg4[%add3A, %run_scoped3A_53, %mul3A_52] : memref<32x1x10112xi32, #tpu.memory_space<hbm>> -> memref<1x1x128xi32, #tpu.memory_space<hbm>>
        %dma_start3A_62 = tpu.memref_squeeze %dma_start3A_61 : memref<1x1x128xi32, #tpu.memory_space<hbm>> -> memref<128xi32, #tpu.memory_space<hbm>>
        tpu.enqueue_dma source(%dma_start3A_62 : memref<128xi32, #tpu.memory_space<hbm>>) target(%arg10 : memref<128xi32, #tpu.memory_space<vmem>>) target_semaphore(%run_scoped3A_58 : memref<!tpu.dma_semaphore, #tpu.memory_space<semaphore_mem>>)
        %dma_wait3A_63 = tpu.memref_slice %arg4[%add3A, %run_scoped3A_53, %mul3A_52] : memref<32x1x10112xi32, #tpu.memory_space<hbm>> -> memref<1x1x128xi32, #tpu.memory_space<hbm>>
        %dma_wait3A_64 = tpu.memref_squeeze %dma_wait3A_63 : memref<1x1x128xi32, #tpu.memory_space<hbm>> -> memref<128xi32, #tpu.memory_space<hbm>>
        %dma_wait3A_65 = tpu.memref_slice %arg4[%add3A, %run_scoped3A_53, %mul3A_52] : memref<32x1x10112xi32, #tpu.memory_space<hbm>> -> memref<1x1x128xi32, #tpu.memory_space<hbm>>
        %dma_wait3A_66 = tpu.memref_squeeze %dma_wait3A_65 : memref<1x1x128xi32, #tpu.memory_space<hbm>> -> memref<128xi32, #tpu.memory_space<hbm>>
        tpu.wait_dma2 semaphore(%run_scoped3A_58 : memref<!tpu.dma_semaphore, #tpu.memory_space<semaphore_mem>>) src(%dma_wait3A_66 : memref<128xi32, #tpu.memory_space<hbm>>) dst(%arg10 : memref<128xi32, #tpu.memory_space<vmem>>)
        tpu.yield
      }) : () -> ()
      %dma_start3A_54 = arith.constant 0 : i32
      %dma_start3A_55 = arith.constant 0 : i32
      %dma_start3A_56 = tpu.memref_slice %arg2[%dma_start3A_54, %dma_start3A_55] : memref<10008x128xf32, #tpu.memory_space<hbm>> -> memref<10008x128xf32, #tpu.memory_space<hbm>>
      tpu.enqueue_indirect_dma source(%dma_start3A_56 : memref<10008x128xf32, #tpu.memory_space<hbm>>) target(%arg6 : memref<128x128xf32, #tpu.memory_space<vmem>>) offsets(%arg8 : memref<128xi32, #tpu.memory_space<vmem>>) semaphore(%arg13 : memref<!tpu.dma_semaphore, #tpu.memory_space<semaphore_mem>>)
      "tpu.region"() ({
        %run_scoped3A_58 = tpu.sem_alloc : memref<!tpu.dma_semaphore, #tpu.memory_space<semaphore_mem>>
        %dma_start3A_59 = arith.constant 0 : i32
        %dma_start3A_60 = arith.constant 0 : i32
        %dma_start3A_61 = tpu.memref_slice %arg12[%dma_start3A_59, %dma_start3A_60] : memref<10008x128xf32, #tpu.memory_space<vmem_shared>> -> memref<10008x128xf32, #tpu.memory_space<vmem_shared>>
        tpu.enqueue_indirect_dma source(%arg7 : memref<128x128xf32, #tpu.memory_space<vmem>>) target(%dma_start3A_61 : memref<10008x128xf32, #tpu.memory_space<vmem_shared>>) offsets(%arg11 : memref<128xi32, #tpu.memory_space<vmem>>) semaphore(%run_scoped3A_58 : memref<!tpu.dma_semaphore, #tpu.memory_space<semaphore_mem>>) {add = true}
        %dma_wait3A_62 = arith.constant 0 : i32
        %dma_wait3A_63 = arith.constant 0 : i32
        %dma_wait3A_64 = tpu.memref_slice %arg12[%dma_wait3A_62, %dma_wait3A_63] : memref<10008x128xf32, #tpu.memory_space<vmem_shared>> -> memref<10008x128xf32, #tpu.memory_space<vmem_shared>>
        tpu.wait_indirect_dma semaphore(%run_scoped3A_58 : memref<!tpu.dma_semaphore, #tpu.memory_space<semaphore_mem>>) src(%arg7 : memref<128x128xf32, #tpu.memory_space<vmem>>) dst(%dma_wait3A_64 : memref<10008x128xf32, #tpu.memory_space<vmem_shared>>)
        tpu.yield
      }) : () -> ()
      %scan3A_57 = arith.constant 0 : i32
      scf.yield %scan3A_57 : i32
    }
    %scan3A_12 = arith.constant 39 : i32
    %dma_wait3A = arith.constant 0 : i32
    %dma_wait3A_13 = arith.constant 0 : i32
    %dma_wait3A_14 = tpu.memref_slice %arg2[%dma_wait3A, %dma_wait3A_13] : memref<10008x128xf32, #tpu.memory_space<hbm>> -> memref<128x128xf32, #tpu.memory_space<hbm>>
    %dma_wait3A_15 = arith.constant 0 : i32
    %dma_wait3A_16 = arith.constant 0 : i32
    %dma_wait3A_17 = tpu.memref_slice %arg2[%dma_wait3A_15, %dma_wait3A_16] : memref<10008x128xf32, #tpu.memory_space<hbm>> -> memref<128x128xf32, #tpu.memory_space<hbm>>
    tpu.wait_dma2 semaphore(%arg13 : memref<!tpu.dma_semaphore, #tpu.memory_space<semaphore_mem>>) src(%dma_wait3A_17 : memref<128x128xf32, #tpu.memory_space<hbm>>) dst(%arg6 : memref<128x128xf32, #tpu.memory_space<vmem>>)
    "tpu.region"() ({
      %run_scoped3A_19 = tpu.sem_alloc : memref<!tpu.dma_semaphore, #tpu.memory_space<semaphore_mem>>
      %dma_start3A_20 = arith.constant 0 : i32
      %dma_start3A_21 = arith.constant 0 : i32
      %dma_start3A_22 = tpu.memref_slice %arg12[%dma_start3A_20, %dma_start3A_21] : memref<10008x128xf32, #tpu.memory_space<vmem_shared>> -> memref<10008x128xf32, #tpu.memory_space<vmem_shared>>
      tpu.enqueue_indirect_dma source(%arg6 : memref<128x128xf32, #tpu.memory_space<vmem>>) target(%dma_start3A_22 : memref<10008x128xf32, #tpu.memory_space<vmem_shared>>) offsets(%arg10 : memref<128xi32, #tpu.memory_space<vmem>>) semaphore(%run_scoped3A_19 : memref<!tpu.dma_semaphore, #tpu.memory_space<semaphore_mem>>) {add = true}
      %dma_wait3A_23 = arith.constant 0 : i32
      %dma_wait3A_24 = arith.constant 0 : i32
      %dma_wait3A_25 = tpu.memref_slice %arg12[%dma_wait3A_23, %dma_wait3A_24] : memref<10008x128xf32, #tpu.memory_space<vmem_shared>> -> memref<10008x128xf32, #tpu.memory_space<vmem_shared>>
      tpu.wait_indirect_dma semaphore(%run_scoped3A_19 : memref<!tpu.dma_semaphore, #tpu.memory_space<semaphore_mem>>) src(%arg6 : memref<128x128xf32, #tpu.memory_space<vmem>>) dst(%dma_wait3A_25 : memref<10008x128xf32, #tpu.memory_space<vmem_shared>>)
      tpu.yield
    }) : () -> ()
    %barrier3A_18 = arith.constant 0 : index
    tpu.barrier barrier_id(%barrier3A_18)
    "tpu.region"() ({
      %run_scoped3A_19 = tpu.sem_alloc : memref<!tpu.dma_semaphore, #tpu.memory_space<semaphore_mem>>
      %dma_start3A_20 = arith.constant 0 : i32
      %dma_start3A_21 = tpu.memref_slice %arg5[%arg0, %min3A_3, %dma_start3A_20] : memref<2x10008x128xf32, #tpu.memory_space<hbm>> -> memref<1x640x128xf32, #tpu.memory_space<hbm>>
      %dma_start3A_22 = tpu.memref_squeeze %dma_start3A_21 : memref<1x640x128xf32, #tpu.memory_space<hbm>> -> memref<640x128xf32, #tpu.memory_space<hbm>>
      %dma_start3A_23 = arith.constant 0 : i32
      %dma_start3A_24 = tpu.memref_slice %arg12[%min3A_3, %dma_start3A_23] : memref<10008x128xf32, #tpu.memory_space<vmem_shared>> -> memref<640x128xf32, #tpu.memory_space<vmem_shared>>
      tpu.enqueue_dma source(%dma_start3A_24 : memref<640x128xf32, #tpu.memory_space<vmem_shared>>) target(%dma_start3A_22 : memref<640x128xf32, #tpu.memory_space<hbm>>) target_semaphore(%run_scoped3A_19 : memref<!tpu.dma_semaphore, #tpu.memory_space<semaphore_mem>>)
      %dma_wait3A_25 = arith.constant 0 : i32
      %dma_wait3A_26 = tpu.memref_slice %arg5[%arg0, %min3A_3, %dma_wait3A_25] : memref<2x10008x128xf32, #tpu.memory_space<hbm>> -> memref<1x640x128xf32, #tpu.memory_space<hbm>>
      %dma_wait3A_27 = tpu.memref_squeeze %dma_wait3A_26 : memref<1x640x128xf32, #tpu.memory_space<hbm>> -> memref<640x128xf32, #tpu.memory_space<hbm>>
      %dma_wait3A_28 = arith.constant 0 : i32
      %dma_wait3A_29 = tpu.memref_slice %arg12[%min3A_3, %dma_wait3A_28] : memref<10008x128xf32, #tpu.memory_space<vmem_shared>> -> memref<640x128xf32, #tpu.memory_space<vmem_shared>>
      tpu.wait_dma2 semaphore(%run_scoped3A_19 : memref<!tpu.dma_semaphore, #tpu.memory_space<semaphore_mem>>) src(%dma_wait3A_29 : memref<640x128xf32, #tpu.memory_space<vmem_shared>>) dst(%dma_wait3A_27 : memref<640x128xf32, #tpu.memory_space<hbm>>)
      tpu.yield
    }) : () -> ()
    return
  }
}

#map = affine_map<(d0, d1) -> (0, 0)>
#map1 = affine_map<(d0, d1) -> (0, 0, 0)>
module attributes {stable_mosaic.version = 14 : i64} {
  func.func @_deg_body(%arg0: i32, %arg1: i32, %arg2: memref<10008x128xf32, #tpu.memory_space<hbm>>, %arg3: memref<32x1x10112xi32, #tpu.memory_space<hbm>>, %arg4: memref<2x10008x128xf32, #tpu.memory_space<hbm>>, %arg5: memref<1x10112xi32, #tpu.memory_space<vmem>>, %arg6: memref<16x128xf32, #tpu.memory_space<vmem>>, %arg7: memref<10008x128xf32, #tpu.memory_space<vmem_shared>>, %arg8: memref<!tpu.dma_semaphore, #tpu.memory_space<semaphore_mem>>) attributes {dimension_semantics = [#tpu.dimension_semantics<core_parallel>, #tpu.dimension_semantics<subcore_parallel>], iteration_bounds = array<i64: 2, 16>, scalar_prefetch = 0 : i64, scratch_operands = 4 : i64, tpu.core_type = #tpu.core_type<sc_vector_subcore>, window_params = [{transform_indices = #map}, {transform_indices = #map1}, {transform_indices = #map1}]} {
    %mul3A = arith.constant 2 : i32
    %mul3A_0 = arith.muli %arg1, %mul3A : i32
    %add3A = arith.addi %mul3A_0, %arg0 : i32
    %mul3A_1 = arith.constant 640 : i32
    %mul3A_2 = arith.muli %arg1, %mul3A_1 : i32
    %min3A = arith.constant 9368 : i32
    %min3A_3 = arith.minsi %mul3A_2, %min3A : i32
    "tpu.region"() ({
      %run_scoped3A = tpu.sem_alloc : memref<!tpu.dma_semaphore, #tpu.memory_space<semaphore_mem>>
      %dma_start3A = arith.constant 0 : i32
      %dma_start3A_11 = arith.constant 0 : i32
      %dma_start3A_12 = tpu.memref_slice %arg2[%dma_start3A, %dma_start3A_11] : memref<10008x128xf32, #tpu.memory_space<hbm>> -> memref<16x128xf32, #tpu.memory_space<hbm>>
      %dma_start3A_13 = arith.constant 0 : i32
      %dma_start3A_14 = arith.constant 0 : i32
      %dma_start3A_15 = tpu.memref_slice %arg2[%dma_start3A_13, %dma_start3A_14] : memref<10008x128xf32, #tpu.memory_space<hbm>> -> memref<16x128xf32, #tpu.memory_space<hbm>>
      tpu.enqueue_dma source(%dma_start3A_15 : memref<16x128xf32, #tpu.memory_space<hbm>>) target(%arg6 : memref<16x128xf32, #tpu.memory_space<vmem>>) target_semaphore(%run_scoped3A : memref<!tpu.dma_semaphore, #tpu.memory_space<semaphore_mem>>)
      %dma_wait3A = arith.constant 0 : i32
      %dma_wait3A_16 = arith.constant 0 : i32
      %dma_wait3A_17 = tpu.memref_slice %arg2[%dma_wait3A, %dma_wait3A_16] : memref<10008x128xf32, #tpu.memory_space<hbm>> -> memref<16x128xf32, #tpu.memory_space<hbm>>
      %dma_wait3A_18 = arith.constant 0 : i32
      %dma_wait3A_19 = arith.constant 0 : i32
      %dma_wait3A_20 = tpu.memref_slice %arg2[%dma_wait3A_18, %dma_wait3A_19] : memref<10008x128xf32, #tpu.memory_space<hbm>> -> memref<16x128xf32, #tpu.memory_space<hbm>>
      tpu.wait_dma2 semaphore(%run_scoped3A : memref<!tpu.dma_semaphore, #tpu.memory_space<semaphore_mem>>) src(%dma_wait3A_20 : memref<16x128xf32, #tpu.memory_space<hbm>>) dst(%arg6 : memref<16x128xf32, #tpu.memory_space<vmem>>)
      tpu.yield
    }) : () -> ()
    "tpu.region"() ({
      %run_scoped3A = tpu.sem_alloc : memref<!tpu.dma_semaphore, #tpu.memory_space<semaphore_mem>>
      %dma_start3A = arith.constant 0 : i32
      %dma_start3A_11 = tpu.memref_slice %arg7[%min3A_3, %dma_start3A] : memref<10008x128xf32, #tpu.memory_space<vmem_shared>> -> memref<640x128xf32, #tpu.memory_space<vmem_shared>>
      %dma_start3A_12 = arith.constant 0 : i32
      %dma_start3A_13 = tpu.memref_slice %arg2[%min3A_3, %dma_start3A_12] : memref<10008x128xf32, #tpu.memory_space<hbm>> -> memref<640x128xf32, #tpu.memory_space<hbm>>
      tpu.enqueue_dma source(%dma_start3A_13 : memref<640x128xf32, #tpu.memory_space<hbm>>) target(%dma_start3A_11 : memref<640x128xf32, #tpu.memory_space<vmem_shared>>) target_semaphore(%run_scoped3A : memref<!tpu.dma_semaphore, #tpu.memory_space<semaphore_mem>>)
      %dma_wait3A = arith.constant 0 : i32
      %dma_wait3A_14 = tpu.memref_slice %arg7[%min3A_3, %dma_wait3A] : memref<10008x128xf32, #tpu.memory_space<vmem_shared>> -> memref<640x128xf32, #tpu.memory_space<vmem_shared>>
      %dma_wait3A_15 = arith.constant 0 : i32
      %dma_wait3A_16 = tpu.memref_slice %arg2[%min3A_3, %dma_wait3A_15] : memref<10008x128xf32, #tpu.memory_space<hbm>> -> memref<640x128xf32, #tpu.memory_space<hbm>>
      tpu.wait_dma2 semaphore(%run_scoped3A : memref<!tpu.dma_semaphore, #tpu.memory_space<semaphore_mem>>) src(%dma_wait3A_16 : memref<640x128xf32, #tpu.memory_space<hbm>>) dst(%dma_wait3A_14 : memref<640x128xf32, #tpu.memory_space<vmem_shared>>)
      tpu.yield
    }) : () -> ()
    "tpu.region"() ({
      %run_scoped3A = tpu.sem_alloc : memref<!tpu.dma_semaphore, #tpu.memory_space<semaphore_mem>>
      %dma_start3A = arith.constant 0 : i32
      %dma_start3A_11 = arith.constant 0 : i32
      %dma_start3A_12 = tpu.memref_slice %arg3[%add3A, %dma_start3A, %dma_start3A_11] : memref<32x1x10112xi32, #tpu.memory_space<hbm>> -> memref<1x1x10112xi32, #tpu.memory_space<hbm>>
      %dma_start3A_13 = tpu.memref_squeeze %dma_start3A_12 : memref<1x1x10112xi32, #tpu.memory_space<hbm>> -> memref<1x10112xi32, #tpu.memory_space<hbm>>
      %dma_start3A_14 = arith.constant 0 : i32
      %dma_start3A_15 = arith.constant 0 : i32
      %dma_start3A_16 = tpu.memref_slice %arg3[%add3A, %dma_start3A_14, %dma_start3A_15] : memref<32x1x10112xi32, #tpu.memory_space<hbm>> -> memref<1x1x10112xi32, #tpu.memory_space<hbm>>
      %dma_start3A_17 = tpu.memref_squeeze %dma_start3A_16 : memref<1x1x10112xi32, #tpu.memory_space<hbm>> -> memref<1x10112xi32, #tpu.memory_space<hbm>>
      tpu.enqueue_dma source(%dma_start3A_17 : memref<1x10112xi32, #tpu.memory_space<hbm>>) target(%arg5 : memref<1x10112xi32, #tpu.memory_space<vmem>>) target_semaphore(%run_scoped3A : memref<!tpu.dma_semaphore, #tpu.memory_space<semaphore_mem>>)
      %dma_wait3A = arith.constant 0 : i32
      %dma_wait3A_18 = arith.constant 0 : i32
      %dma_wait3A_19 = tpu.memref_slice %arg3[%add3A, %dma_wait3A, %dma_wait3A_18] : memref<32x1x10112xi32, #tpu.memory_space<hbm>> -> memref<1x1x10112xi32, #tpu.memory_space<hbm>>
      %dma_wait3A_20 = tpu.memref_squeeze %dma_wait3A_19 : memref<1x1x10112xi32, #tpu.memory_space<hbm>> -> memref<1x10112xi32, #tpu.memory_space<hbm>>
      %dma_wait3A_21 = arith.constant 0 : i32
      %dma_wait3A_22 = arith.constant 0 : i32
      %dma_wait3A_23 = tpu.memref_slice %arg3[%add3A, %dma_wait3A_21, %dma_wait3A_22] : memref<32x1x10112xi32, #tpu.memory_space<hbm>> -> memref<1x1x10112xi32, #tpu.memory_space<hbm>>
      %dma_wait3A_24 = tpu.memref_squeeze %dma_wait3A_23 : memref<1x1x10112xi32, #tpu.memory_space<hbm>> -> memref<1x10112xi32, #tpu.memory_space<hbm>>
      tpu.wait_dma2 semaphore(%run_scoped3A : memref<!tpu.dma_semaphore, #tpu.memory_space<semaphore_mem>>) src(%dma_wait3A_24 : memref<1x10112xi32, #tpu.memory_space<hbm>>) dst(%arg5 : memref<1x10112xi32, #tpu.memory_space<vmem>>)
      tpu.yield
    }) : () -> ()
    %barrier3A = arith.constant 0 : index
    tpu.barrier barrier_id(%barrier3A)
    %scan3A = arith.constant 0 : i32
    %scan3A_4 = arith.constant 0 : i32
    %scan3A_5 = arith.constant 632 : i32
    %scan3A_6 = arith.addi %scan3A_4, %scan3A_5 : i32
    %scan3A_7 = arith.constant 1 : i32
    %scan3A_8 = scf.for %scan3A_11 = %scan3A_4 to %scan3A_6 step %scan3A_7 iter_args(%scan3A_12 = %scan3A) -> (i32)  : i32 {
      %mul3A_13 = arith.constant 16 : i32
      %mul3A_14 = arith.muli %mul3A_13, %scan3A_11 : i32
      %get3A = arith.constant 0 : i32
      %get3A_15 = arith.index_cast %get3A : i32 to index
      %get3A_16 = arith.index_cast %mul3A_14 : i32 to index
      %get3A_17 = tpu.vector_load %arg5[%get3A_15, %get3A_16] {strides = array<i32>} : memref<1x10112xi32, #tpu.memory_space<vmem>>, vector<1x16xi32>,
      %get3A_18 = vector.shape_cast %get3A_17 : vector<1x16xi32> to vector<16xi32>
      "tpu.region"() ({
        %run_scoped3A = tpu.sem_alloc : memref<!tpu.dma_semaphore, #tpu.memory_space<semaphore_mem>>
        %dma_start3A = arith.constant 0 : i32
        %dma_start3A_20 = arith.constant 0 : i32
        %dma_start3A_21 = tpu.memref_slice %arg7[%dma_start3A, %dma_start3A_20] : memref<10008x128xf32, #tpu.memory_space<vmem_shared>> -> memref<10008x128xf32, #tpu.memory_space<vmem_shared>>
        tpu.enqueue_indirect_dma source(%arg6 : memref<16x128xf32, #tpu.memory_space<vmem>>) target(%dma_start3A_21 : memref<10008x128xf32, #tpu.memory_space<vmem_shared>>) offsets(%get3A_18 : vector<16xi32>) semaphore(%run_scoped3A : memref<!tpu.dma_semaphore, #tpu.memory_space<semaphore_mem>>) {add = true}
        %dma_wait3A = arith.constant 0 : i32
        %dma_wait3A_22 = arith.constant 0 : i32
        %dma_wait3A_23 = tpu.memref_slice %arg7[%dma_wait3A, %dma_wait3A_22] : memref<10008x128xf32, #tpu.memory_space<vmem_shared>> -> memref<10008x128xf32, #tpu.memory_space<vmem_shared>>
        tpu.wait_indirect_dma semaphore(%run_scoped3A : memref<!tpu.dma_semaphore, #tpu.memory_space<semaphore_mem>>) src(%arg6 : memref<16x128xf32, #tpu.memory_space<vmem>>) dst(%dma_wait3A_23 : memref<10008x128xf32, #tpu.memory_space<vmem_shared>>)
        tpu.yield
      }) : () -> ()
      %scan3A_19 = arith.constant 0 : i32
      scf.yield %scan3A_19 : i32
    }
    %scan3A_9 = arith.constant 632 : i32
    %barrier3A_10 = arith.constant 0 : index
    tpu.barrier barrier_id(%barrier3A_10)
    "tpu.region"() ({
      %run_scoped3A = tpu.sem_alloc : memref<!tpu.dma_semaphore, #tpu.memory_space<semaphore_mem>>
      %dma_start3A = arith.constant 0 : i32
      %dma_start3A_11 = tpu.memref_slice %arg4[%arg0, %min3A_3, %dma_start3A] : memref<2x10008x128xf32, #tpu.memory_space<hbm>> -> memref<1x640x128xf32, #tpu.memory_space<hbm>>
      %dma_start3A_12 = tpu.memref_squeeze %dma_start3A_11 : memref<1x640x128xf32, #tpu.memory_space<hbm>> -> memref<640x128xf32, #tpu.memory_space<hbm>>
      %dma_start3A_13 = arith.constant 0 : i32
      %dma_start3A_14 = tpu.memref_slice %arg7[%min3A_3, %dma_start3A_13] : memref<10008x128xf32, #tpu.memory_space<vmem_shared>> -> memref<640x128xf32, #tpu.memory_space<vmem_shared>>
      tpu.enqueue_dma source(%dma_start3A_14 : memref<640x128xf32, #tpu.memory_space<vmem_shared>>) target(%dma_start3A_12 : memref<640x128xf32, #tpu.memory_space<hbm>>) target_semaphore(%run_scoped3A : memref<!tpu.dma_semaphore, #tpu.memory_space<semaphore_mem>>)
      %dma_wait3A = arith.constant 0 : i32
      %dma_wait3A_15 = tpu.memref_slice %arg4[%arg0, %min3A_3, %dma_wait3A] : memref<2x10008x128xf32, #tpu.memory_space<hbm>> -> memref<1x640x128xf32, #tpu.memory_space<hbm>>
      %dma_wait3A_16 = tpu.memref_squeeze %dma_wait3A_15 : memref<1x640x128xf32, #tpu.memory_space<hbm>> -> memref<640x128xf32, #tpu.memory_space<hbm>>
      %dma_wait3A_17 = arith.constant 0 : i32
      %dma_wait3A_18 = tpu.memref_slice %arg7[%min3A_3, %dma_wait3A_17] : memref<10008x128xf32, #tpu.memory_space<vmem_shared>> -> memref<640x128xf32, #tpu.memory_space<vmem_shared>>
      tpu.wait_dma2 semaphore(%run_scoped3A : memref<!tpu.dma_semaphore, #tpu.memory_space<semaphore_mem>>) src(%dma_wait3A_18 : memref<640x128xf32, #tpu.memory_space<vmem_shared>>) dst(%dma_wait3A_16 : memref<640x128xf32, #tpu.memory_space<hbm>>)
      tpu.yield
    }) : () -> ()
    return
  }
}

#map = affine_map<(d0, d1) -> (0, 0)>
#map1 = affine_map<(d0, d1) -> (0, 0, 0)>
module attributes {stable_mosaic.version = 14 : i64} {
  func.func @_pair_body(%arg0: i32, %arg1: i32, %arg2: memref<10008x128xf32, #tpu.memory_space<hbm>>, %arg3: memref<32x1x10112xi32, #tpu.memory_space<hbm>>, %arg4: memref<32x1x10112xi32, #tpu.memory_space<hbm>>, %arg5: memref<323584x128xf32, #tpu.memory_space<hbm>>, %arg6: memref<323584x128xf32, #tpu.memory_space<hbm>>, %arg7: memref<128x128xf32, #tpu.memory_space<vmem>>, %arg8: memref<128x128xf32, #tpu.memory_space<vmem>>, %arg9: memref<128x128xf32, #tpu.memory_space<vmem>>, %arg10: memref<128x128xf32, #tpu.memory_space<vmem>>, %arg11: memref<128xi32, #tpu.memory_space<vmem>>, %arg12: memref<128xi32, #tpu.memory_space<vmem>>, %arg13: memref<128xi32, #tpu.memory_space<vmem>>, %arg14: memref<128xi32, #tpu.memory_space<vmem>>, %arg15: memref<!tpu.dma_semaphore, #tpu.memory_space<semaphore_mem>>, %arg16: memref<!tpu.dma_semaphore, #tpu.memory_space<semaphore_mem>>, %arg17: memref<!tpu.dma_semaphore, #tpu.memory_space<semaphore_mem>>, %arg18: memref<!tpu.dma_semaphore, #tpu.memory_space<semaphore_mem>>) attributes {dimension_semantics = [#tpu.dimension_semantics<core_parallel>, #tpu.dimension_semantics<subcore_parallel>], iteration_bounds = array<i64: 2, 16>, scalar_prefetch = 0 : i64, scratch_operands = 12 : i64, tpu.core_type = #tpu.core_type<sc_vector_subcore>, window_params = [{transform_indices = #map}, {transform_indices = #map1}, {transform_indices = #map1}, {transform_indices = #map}, {transform_indices = #map}]} {
    %mul3A = arith.constant 2 : i32
    %mul3A_0 = arith.muli %arg1, %mul3A : i32
    %add3A = arith.addi %mul3A_0, %arg0 : i32
    %run_scoped3A = arith.constant 0 : i32
    "tpu.region"() ({
      %run_scoped3A_28 = tpu.sem_alloc : memref<!tpu.dma_semaphore, #tpu.memory_space<semaphore_mem>>
      %dma_start3A_29 = arith.constant 0 : i32
      %dma_start3A_30 = tpu.memref_slice %arg3[%add3A, %run_scoped3A, %dma_start3A_29] : memref<32x1x10112xi32, #tpu.memory_space<hbm>> -> memref<1x1x128xi32, #tpu.memory_space<hbm>>
      %dma_start3A_31 = tpu.memref_squeeze %dma_start3A_30 : memref<1x1x128xi32, #tpu.memory_space<hbm>> -> memref<128xi32, #tpu.memory_space<hbm>>
      %dma_start3A_32 = arith.constant 0 : i32
      %dma_start3A_33 = tpu.memref_slice %arg3[%add3A, %run_scoped3A, %dma_start3A_32] : memref<32x1x10112xi32, #tpu.memory_space<hbm>> -> memref<1x1x128xi32, #tpu.memory_space<hbm>>
      %dma_start3A_34 = tpu.memref_squeeze %dma_start3A_33 : memref<1x1x128xi32, #tpu.memory_space<hbm>> -> memref<128xi32, #tpu.memory_space<hbm>>
      tpu.enqueue_dma source(%dma_start3A_34 : memref<128xi32, #tpu.memory_space<hbm>>) target(%arg11 : memref<128xi32, #tpu.memory_space<vmem>>) target_semaphore(%run_scoped3A_28 : memref<!tpu.dma_semaphore, #tpu.memory_space<semaphore_mem>>)
      %dma_wait3A_35 = arith.constant 0 : i32
      %dma_wait3A_36 = tpu.memref_slice %arg3[%add3A, %run_scoped3A, %dma_wait3A_35] : memref<32x1x10112xi32, #tpu.memory_space<hbm>> -> memref<1x1x128xi32, #tpu.memory_space<hbm>>
      %dma_wait3A_37 = tpu.memref_squeeze %dma_wait3A_36 : memref<1x1x128xi32, #tpu.memory_space<hbm>> -> memref<128xi32, #tpu.memory_space<hbm>>
      %dma_wait3A_38 = arith.constant 0 : i32
      %dma_wait3A_39 = tpu.memref_slice %arg3[%add3A, %run_scoped3A, %dma_wait3A_38] : memref<32x1x10112xi32, #tpu.memory_space<hbm>> -> memref<1x1x128xi32, #tpu.memory_space<hbm>>
      %dma_wait3A_40 = tpu.memref_squeeze %dma_wait3A_39 : memref<1x1x128xi32, #tpu.memory_space<hbm>> -> memref<128xi32, #tpu.memory_space<hbm>>
      tpu.wait_dma2 semaphore(%run_scoped3A_28 : memref<!tpu.dma_semaphore, #tpu.memory_space<semaphore_mem>>) src(%dma_wait3A_40 : memref<128xi32, #tpu.memory_space<hbm>>) dst(%arg11 : memref<128xi32, #tpu.memory_space<vmem>>)
      tpu.yield
    }) : () -> ()
    %run_scoped3A_1 = arith.constant 0 : i32
    "tpu.region"() ({
      %run_scoped3A_28 = tpu.sem_alloc : memref<!tpu.dma_semaphore, #tpu.memory_space<semaphore_mem>>
      %dma_start3A_29 = arith.constant 0 : i32
      %dma_start3A_30 = tpu.memref_slice %arg4[%add3A, %run_scoped3A_1, %dma_start3A_29] : memref<32x1x10112xi32, #tpu.memory_space<hbm>> -> memref<1x1x128xi32, #tpu.memory_space<hbm>>
      %dma_start3A_31 = tpu.memref_squeeze %dma_start3A_30 : memref<1x1x128xi32, #tpu.memory_space<hbm>> -> memref<128xi32, #tpu.memory_space<hbm>>
      %dma_start3A_32 = arith.constant 0 : i32
      %dma_start3A_33 = tpu.memref_slice %arg4[%add3A, %run_scoped3A_1, %dma_start3A_32] : memref<32x1x10112xi32, #tpu.memory_space<hbm>> -> memref<1x1x128xi32, #tpu.memory_space<hbm>>
      %dma_start3A_34 = tpu.memref_squeeze %dma_start3A_33 : memref<1x1x128xi32, #tpu.memory_space<hbm>> -> memref<128xi32, #tpu.memory_space<hbm>>
      tpu.enqueue_dma source(%dma_start3A_34 : memref<128xi32, #tpu.memory_space<hbm>>) target(%arg13 : memref<128xi32, #tpu.memory_space<vmem>>) target_semaphore(%run_scoped3A_28 : memref<!tpu.dma_semaphore, #tpu.memory_space<semaphore_mem>>)
      %dma_wait3A_35 = arith.constant 0 : i32
      %dma_wait3A_36 = tpu.memref_slice %arg4[%add3A, %run_scoped3A_1, %dma_wait3A_35] : memref<32x1x10112xi32, #tpu.memory_space<hbm>> -> memref<1x1x128xi32, #tpu.memory_space<hbm>>
      %dma_wait3A_37 = tpu.memref_squeeze %dma_wait3A_36 : memref<1x1x128xi32, #tpu.memory_space<hbm>> -> memref<128xi32, #tpu.memory_space<hbm>>
      %dma_wait3A_38 = arith.constant 0 : i32
      %dma_wait3A_39 = tpu.memref_slice %arg4[%add3A, %run_scoped3A_1, %dma_wait3A_38] : memref<32x1x10112xi32, #tpu.memory_space<hbm>> -> memref<1x1x128xi32, #tpu.memory_space<hbm>>
      %dma_wait3A_40 = tpu.memref_squeeze %dma_wait3A_39 : memref<1x1x128xi32, #tpu.memory_space<hbm>> -> memref<128xi32, #tpu.memory_space<hbm>>
      tpu.wait_dma2 semaphore(%run_scoped3A_28 : memref<!tpu.dma_semaphore, #tpu.memory_space<semaphore_mem>>) src(%dma_wait3A_40 : memref<128xi32, #tpu.memory_space<hbm>>) dst(%arg13 : memref<128xi32, #tpu.memory_space<vmem>>)
      tpu.yield
    }) : () -> ()
    %dma_start3A = arith.constant 0 : i32
    %dma_start3A_2 = arith.constant 0 : i32
    %dma_start3A_3 = tpu.memref_slice %arg2[%dma_start3A, %dma_start3A_2] : memref<10008x128xf32, #tpu.memory_space<hbm>> -> memref<10008x128xf32, #tpu.memory_space<hbm>>
    tpu.enqueue_indirect_dma source(%dma_start3A_3 : memref<10008x128xf32, #tpu.memory_space<hbm>>) target(%arg7 : memref<128x128xf32, #tpu.memory_space<vmem>>) offsets(%arg11 : memref<128xi32, #tpu.memory_space<vmem>>) semaphore(%arg15 : memref<!tpu.dma_semaphore, #tpu.memory_space<semaphore_mem>>)
    %dma_start3A_4 = arith.constant 0 : i32
    %dma_start3A_5 = arith.constant 0 : i32
    %dma_start3A_6 = tpu.memref_slice %arg2[%dma_start3A_4, %dma_start3A_5] : memref<10008x128xf32, #tpu.memory_space<hbm>> -> memref<10008x128xf32, #tpu.memory_space<hbm>>
    tpu.enqueue_indirect_dma source(%dma_start3A_6 : memref<10008x128xf32, #tpu.memory_space<hbm>>) target(%arg9 : memref<128x128xf32, #tpu.memory_space<vmem>>) offsets(%arg13 : memref<128xi32, #tpu.memory_space<vmem>>) semaphore(%arg17 : memref<!tpu.dma_semaphore, #tpu.memory_space<semaphore_mem>>)
    %scan3A = arith.constant 0 : i32
    %scan3A_7 = arith.constant 0 : i32
    %scan3A_8 = arith.constant 39 : i32
    %scan3A_9 = arith.addi %scan3A_7, %scan3A_8 : i32
    %scan3A_10 = arith.constant 1 : i32
    %scan3A_11 = scf.for %scan3A_28 = %scan3A_7 to %scan3A_9 step %scan3A_10 iter_args(%scan3A_29 = %scan3A) -> (i32)  : i32 {
      %mul3A_30 = arith.constant 2 : i32
      %mul3A_31 = arith.muli %mul3A_30, %scan3A_28 : i32
      %dma_wait3A_32 = arith.constant 0 : i32
      %dma_wait3A_33 = arith.constant 0 : i32
      %dma_wait3A_34 = tpu.memref_slice %arg2[%dma_wait3A_32, %dma_wait3A_33] : memref<10008x128xf32, #tpu.memory_space<hbm>> -> memref<128x128xf32, #tpu.memory_space<hbm>>
      %dma_wait3A_35 = arith.constant 0 : i32
      %dma_wait3A_36 = arith.constant 0 : i32
      %dma_wait3A_37 = tpu.memref_slice %arg2[%dma_wait3A_35, %dma_wait3A_36] : memref<10008x128xf32, #tpu.memory_space<hbm>> -> memref<128x128xf32, #tpu.memory_space<hbm>>
      tpu.wait_dma2 semaphore(%arg15 : memref<!tpu.dma_semaphore, #tpu.memory_space<semaphore_mem>>) src(%dma_wait3A_37 : memref<128x128xf32, #tpu.memory_space<hbm>>) dst(%arg7 : memref<128x128xf32, #tpu.memory_space<vmem>>)
      %dma_wait3A_38 = arith.constant 0 : i32
      %dma_wait3A_39 = arith.constant 0 : i32
      %dma_wait3A_40 = tpu.memref_slice %arg2[%dma_wait3A_38, %dma_wait3A_39] : memref<10008x128xf32, #tpu.memory_space<hbm>> -> memref<128x128xf32, #tpu.memory_space<hbm>>
      %dma_wait3A_41 = arith.constant 0 : i32
      %dma_wait3A_42 = arith.constant 0 : i32
      %dma_wait3A_43 = tpu.memref_slice %arg2[%dma_wait3A_41, %dma_wait3A_42] : memref<10008x128xf32, #tpu.memory_space<hbm>> -> memref<128x128xf32, #tpu.memory_space<hbm>>
      tpu.wait_dma2 semaphore(%arg17 : memref<!tpu.dma_semaphore, #tpu.memory_space<semaphore_mem>>) src(%dma_wait3A_43 : memref<128x128xf32, #tpu.memory_space<hbm>>) dst(%arg9 : memref<128x128xf32, #tpu.memory_space<vmem>>)
      %add3A_44 = arith.constant 1 : i32
      %add3A_45 = arith.addi %mul3A_31, %add3A_44 : i32
      %mul3A_46 = arith.constant 128 : i32
      %mul3A_47 = arith.muli %add3A_45, %mul3A_46 : i32
      %run_scoped3A_48 = arith.constant 0 : i32
      "tpu.region"() ({
        %run_scoped3A_97 = tpu.sem_alloc : memref<!tpu.dma_semaphore, #tpu.memory_space<semaphore_mem>>
        %dma_start3A_98 = tpu.memref_slice %arg3[%add3A, %run_scoped3A_48, %mul3A_47] : memref<32x1x10112xi32, #tpu.memory_space<hbm>> -> memref<1x1x128xi32, #tpu.memory_space<hbm>>
        %dma_start3A_99 = tpu.memref_squeeze %dma_start3A_98 : memref<1x1x128xi32, #tpu.memory_space<hbm>> -> memref<128xi32, #tpu.memory_space<hbm>>
        %dma_start3A_100 = tpu.memref_slice %arg3[%add3A, %run_scoped3A_48, %mul3A_47] : memref<32x1x10112xi32, #tpu.memory_space<hbm>> -> memref<1x1x128xi32, #tpu.memory_space<hbm>>
        %dma_start3A_101 = tpu.memref_squeeze %dma_start3A_100 : memref<1x1x128xi32, #tpu.memory_space<hbm>> -> memref<128xi32, #tpu.memory_space<hbm>>
        tpu.enqueue_dma source(%dma_start3A_101 : memref<128xi32, #tpu.memory_space<hbm>>) target(%arg12 : memref<128xi32, #tpu.memory_space<vmem>>) target_semaphore(%run_scoped3A_97 : memref<!tpu.dma_semaphore, #tpu.memory_space<semaphore_mem>>)
        %dma_wait3A_102 = tpu.memref_slice %arg3[%add3A, %run_scoped3A_48, %mul3A_47] : memref<32x1x10112xi32, #tpu.memory_space<hbm>> -> memref<1x1x128xi32, #tpu.memory_space<hbm>>
        %dma_wait3A_103 = tpu.memref_squeeze %dma_wait3A_102 : memref<1x1x128xi32, #tpu.memory_space<hbm>> -> memref<128xi32, #tpu.memory_space<hbm>>
        %dma_wait3A_104 = tpu.memref_slice %arg3[%add3A, %run_scoped3A_48, %mul3A_47] : memref<32x1x10112xi32, #tpu.memory_space<hbm>> -> memref<1x1x128xi32, #tpu.memory_space<hbm>>
        %dma_wait3A_105 = tpu.memref_squeeze %dma_wait3A_104 : memref<1x1x128xi32, #tpu.memory_space<hbm>> -> memref<128xi32, #tpu.memory_space<hbm>>
        tpu.wait_dma2 semaphore(%run_scoped3A_97 : memref<!tpu.dma_semaphore, #tpu.memory_space<semaphore_mem>>) src(%dma_wait3A_105 : memref<128xi32, #tpu.memory_space<hbm>>) dst(%arg12 : memref<128xi32, #tpu.memory_space<vmem>>)
        tpu.yield
      }) : () -> ()
      %mul3A_49 = arith.constant 128 : i32
      %mul3A_50 = arith.muli %add3A_45, %mul3A_49 : i32
      %run_scoped3A_51 = arith.constant 0 : i32
      "tpu.region"() ({
        %run_scoped3A_97 = tpu.sem_alloc : memref<!tpu.dma_semaphore, #tpu.memory_space<semaphore_mem>>
        %dma_start3A_98 = tpu.memref_slice %arg4[%add3A, %run_scoped3A_51, %mul3A_50] : memref<32x1x10112xi32, #tpu.memory_space<hbm>> -> memref<1x1x128xi32, #tpu.memory_space<hbm>>
        %dma_start3A_99 = tpu.memref_squeeze %dma_start3A_98 : memref<1x1x128xi32, #tpu.memory_space<hbm>> -> memref<128xi32, #tpu.memory_space<hbm>>
        %dma_start3A_100 = tpu.memref_slice %arg4[%add3A, %run_scoped3A_51, %mul3A_50] : memref<32x1x10112xi32, #tpu.memory_space<hbm>> -> memref<1x1x128xi32, #tpu.memory_space<hbm>>
        %dma_start3A_101 = tpu.memref_squeeze %dma_start3A_100 : memref<1x1x128xi32, #tpu.memory_space<hbm>> -> memref<128xi32, #tpu.memory_space<hbm>>
        tpu.enqueue_dma source(%dma_start3A_101 : memref<128xi32, #tpu.memory_space<hbm>>) target(%arg14 : memref<128xi32, #tpu.memory_space<vmem>>) target_semaphore(%run_scoped3A_97 : memref<!tpu.dma_semaphore, #tpu.memory_space<semaphore_mem>>)
        %dma_wait3A_102 = tpu.memref_slice %arg4[%add3A, %run_scoped3A_51, %mul3A_50] : memref<32x1x10112xi32, #tpu.memory_space<hbm>> -> memref<1x1x128xi32, #tpu.memory_space<hbm>>
        %dma_wait3A_103 = tpu.memref_squeeze %dma_wait3A_102 : memref<1x1x128xi32, #tpu.memory_space<hbm>> -> memref<128xi32, #tpu.memory_space<hbm>>
        %dma_wait3A_104 = tpu.memref_slice %arg4[%add3A, %run_scoped3A_51, %mul3A_50] : memref<32x1x10112xi32, #tpu.memory_space<hbm>> -> memref<1x1x128xi32, #tpu.memory_space<hbm>>
        %dma_wait3A_105 = tpu.memref_squeeze %dma_wait3A_104 : memref<1x1x128xi32, #tpu.memory_space<hbm>> -> memref<128xi32, #tpu.memory_space<hbm>>
        tpu.wait_dma2 semaphore(%run_scoped3A_97 : memref<!tpu.dma_semaphore, #tpu.memory_space<semaphore_mem>>) src(%dma_wait3A_105 : memref<128xi32, #tpu.memory_space<hbm>>) dst(%arg14 : memref<128xi32, #tpu.memory_space<vmem>>)
        tpu.yield
      }) : () -> ()
      %dma_start3A_52 = arith.constant 0 : i32
      %dma_start3A_53 = arith.constant 0 : i32
      %dma_start3A_54 = tpu.memref_slice %arg2[%dma_start3A_52, %dma_start3A_53] : memref<10008x128xf32, #tpu.memory_space<hbm>> -> memref<10008x128xf32, #tpu.memory_space<hbm>>
      tpu.enqueue_indirect_dma source(%dma_start3A_54 : memref<10008x128xf32, #tpu.memory_space<hbm>>) target(%arg8 : memref<128x128xf32, #tpu.memory_space<vmem>>) offsets(%arg12 : memref<128xi32, #tpu.memory_space<vmem>>) semaphore(%arg16 : memref<!tpu.dma_semaphore, #tpu.memory_space<semaphore_mem>>)
      %dma_start3A_55 = arith.constant 0 : i32
      %dma_start3A_56 = arith.constant 0 : i32
      %dma_start3A_57 = tpu.memref_slice %arg2[%dma_start3A_55, %dma_start3A_56] : memref<10008x128xf32, #tpu.memory_space<hbm>> -> memref<10008x128xf32, #tpu.memory_space<hbm>>
      tpu.enqueue_indirect_dma source(%dma_start3A_57 : memref<10008x128xf32, #tpu.memory_space<hbm>>) target(%arg10 : memref<128x128xf32, #tpu.memory_space<vmem>>) offsets(%arg14 : memref<128xi32, #tpu.memory_space<vmem>>) semaphore(%arg18 : memref<!tpu.dma_semaphore, #tpu.memory_space<semaphore_mem>>)
      %mul3A_58 = arith.constant 10112 : i32
      %mul3A_59 = arith.muli %add3A, %mul3A_58 : i32
      %mul3A_60 = arith.constant 128 : i32
      %mul3A_61 = arith.muli %mul3A_31, %mul3A_60 : i32
      %add3A_62 = arith.addi %mul3A_59, %mul3A_61 : i32
      "tpu.region"() ({
        %run_scoped3A_97 = tpu.sem_alloc : memref<!tpu.dma_semaphore, #tpu.memory_space<semaphore_mem>>
        %dma_start3A_98 = arith.constant 0 : i32
        %dma_start3A_99 = tpu.memref_slice %arg5[%add3A_62, %dma_start3A_98] : memref<323584x128xf32, #tpu.memory_space<hbm>> -> memref<128x128xf32, #tpu.memory_space<hbm>>
        %dma_start3A_100 = arith.constant 0 : i32
        %dma_start3A_101 = tpu.memref_slice %arg5[%add3A_62, %dma_start3A_100] : memref<323584x128xf32, #tpu.memory_space<hbm>> -> memref<128x128xf32, #tpu.memory_space<hbm>>
        tpu.enqueue_dma source(%arg7 : memref<128x128xf32, #tpu.memory_space<vmem>>) target(%dma_start3A_101 : memref<128x128xf32, #tpu.memory_space<hbm>>) target_semaphore(%run_scoped3A_97 : memref<!tpu.dma_semaphore, #tpu.memory_space<semaphore_mem>>)
        %dma_wait3A_102 = arith.constant 0 : i32
        %dma_wait3A_103 = tpu.memref_slice %arg5[%add3A_62, %dma_wait3A_102] : memref<323584x128xf32, #tpu.memory_space<hbm>> -> memref<128x128xf32, #tpu.memory_space<hbm>>
        %dma_wait3A_104 = arith.constant 0 : i32
        %dma_wait3A_105 = tpu.memref_slice %arg5[%add3A_62, %dma_wait3A_104] : memref<323584x128xf32, #tpu.memory_space<hbm>> -> memref<128x128xf32, #tpu.memory_space<hbm>>
        tpu.wait_dma2 semaphore(%run_scoped3A_97 : memref<!tpu.dma_semaphore, #tpu.memory_space<semaphore_mem>>) src(%arg7 : memref<128x128xf32, #tpu.memory_space<vmem>>) dst(%dma_wait3A_105 : memref<128x128xf32, #tpu.memory_space<hbm>>)
        tpu.yield
      }) : () -> ()
      "tpu.region"() ({
        %run_scoped3A_97 = tpu.sem_alloc : memref<!tpu.dma_semaphore, #tpu.memory_space<semaphore_mem>>
        %dma_start3A_98 = arith.constant 0 : i32
        %dma_start3A_99 = tpu.memref_slice %arg6[%add3A_62, %dma_start3A_98] : memref<323584x128xf32, #tpu.memory_space<hbm>> -> memref<128x128xf32, #tpu.memory_space<hbm>>
        %dma_start3A_100 = arith.constant 0 : i32
        %dma_start3A_101 = tpu.memref_slice %arg6[%add3A_62, %dma_start3A_100] : memref<323584x128xf32, #tpu.memory_space<hbm>> -> memref<128x128xf32, #tpu.memory_space<hbm>>
        tpu.enqueue_dma source(%arg9 : memref<128x128xf32, #tpu.memory_space<vmem>>) target(%dma_start3A_101 : memref<128x128xf32, #tpu.memory_space<hbm>>) target_semaphore(%run_scoped3A_97 : memref<!tpu.dma_semaphore, #tpu.memory_space<semaphore_mem>>)
        %dma_wait3A_102 = arith.constant 0 : i32
        %dma_wait3A_103 = tpu.memref_slice %arg6[%add3A_62, %dma_wait3A_102] : memref<323584x128xf32, #tpu.memory_space<hbm>> -> memref<128x128xf32, #tpu.memory_space<hbm>>
        %dma_wait3A_104 = arith.constant 0 : i32
        %dma_wait3A_105 = tpu.memref_slice %arg6[%add3A_62, %dma_wait3A_104] : memref<323584x128xf32, #tpu.memory_space<hbm>> -> memref<128x128xf32, #tpu.memory_space<hbm>>
        tpu.wait_dma2 semaphore(%run_scoped3A_97 : memref<!tpu.dma_semaphore, #tpu.memory_space<semaphore_mem>>) src(%arg9 : memref<128x128xf32, #tpu.memory_space<vmem>>) dst(%dma_wait3A_105 : memref<128x128xf32, #tpu.memory_space<hbm>>)
        tpu.yield
      }) : () -> ()
      %dma_wait3A_63 = arith.constant 0 : i32
      %dma_wait3A_64 = arith.constant 0 : i32
      %dma_wait3A_65 = tpu.memref_slice %arg2[%dma_wait3A_63, %dma_wait3A_64] : memref<10008x128xf32, #tpu.memory_space<hbm>> -> memref<128x128xf32, #tpu.memory_space<hbm>>
      %dma_wait3A_66 = arith.constant 0 : i32
      %dma_wait3A_67 = arith.constant 0 : i32
      %dma_wait3A_68 = tpu.memref_slice %arg2[%dma_wait3A_66, %dma_wait3A_67] : memref<10008x128xf32, #tpu.memory_space<hbm>> -> memref<128x128xf32, #tpu.memory_space<hbm>>
      tpu.wait_dma2 semaphore(%arg16 : memref<!tpu.dma_semaphore, #tpu.memory_space<semaphore_mem>>) src(%dma_wait3A_68 : memref<128x128xf32, #tpu.memory_space<hbm>>) dst(%arg8 : memref<128x128xf32, #tpu.memory_space<vmem>>)
      %dma_wait3A_69 = arith.constant 0 : i32
      %dma_wait3A_70 = arith.constant 0 : i32
      %dma_wait3A_71 = tpu.memref_slice %arg2[%dma_wait3A_69, %dma_wait3A_70] : memref<10008x128xf32, #tpu.memory_space<hbm>> -> memref<128x128xf32, #tpu.memory_space<hbm>>
      %dma_wait3A_72 = arith.constant 0 : i32
      %dma_wait3A_73 = arith.constant 0 : i32
      %dma_wait3A_74 = tpu.memref_slice %arg2[%dma_wait3A_72, %dma_wait3A_73] : memref<10008x128xf32, #tpu.memory_space<hbm>> -> memref<128x128xf32, #tpu.memory_space<hbm>>
      tpu.wait_dma2 semaphore(%arg18 : memref<!tpu.dma_semaphore, #tpu.memory_space<semaphore_mem>>) src(%dma_wait3A_74 : memref<128x128xf32, #tpu.memory_space<hbm>>) dst(%arg10 : memref<128x128xf32, #tpu.memory_space<vmem>>)
      %add3A_75 = arith.constant 2 : i32
      %add3A_76 = arith.addi %mul3A_31, %add3A_75 : i32
      %mul3A_77 = arith.constant 128 : i32
      %mul3A_78 = arith.muli %add3A_76, %mul3A_77 : i32
      %run_scoped3A_79 = arith.constant 0 : i32
      "tpu.region"() ({
        %run_scoped3A_97 = tpu.sem_alloc : memref<!tpu.dma_semaphore, #tpu.memory_space<semaphore_mem>>
        %dma_start3A_98 = tpu.memref_slice %arg3[%add3A, %run_scoped3A_79, %mul3A_78] : memref<32x1x10112xi32, #tpu.memory_space<hbm>> -> memref<1x1x128xi32, #tpu.memory_space<hbm>>
        %dma_start3A_99 = tpu.memref_squeeze %dma_start3A_98 : memref<1x1x128xi32, #tpu.memory_space<hbm>> -> memref<128xi32, #tpu.memory_space<hbm>>
        %dma_start3A_100 = tpu.memref_slice %arg3[%add3A, %run_scoped3A_79, %mul3A_78] : memref<32x1x10112xi32, #tpu.memory_space<hbm>> -> memref<1x1x128xi32, #tpu.memory_space<hbm>>
        %dma_start3A_101 = tpu.memref_squeeze %dma_start3A_100 : memref<1x1x128xi32, #tpu.memory_space<hbm>> -> memref<128xi32, #tpu.memory_space<hbm>>
        tpu.enqueue_dma source(%dma_start3A_101 : memref<128xi32, #tpu.memory_space<hbm>>) target(%arg11 : memref<128xi32, #tpu.memory_space<vmem>>) target_semaphore(%run_scoped3A_97 : memref<!tpu.dma_semaphore, #tpu.memory_space<semaphore_mem>>)
        %dma_wait3A_102 = tpu.memref_slice %arg3[%add3A, %run_scoped3A_79, %mul3A_78] : memref<32x1x10112xi32, #tpu.memory_space<hbm>> -> memref<1x1x128xi32, #tpu.memory_space<hbm>>
        %dma_wait3A_103 = tpu.memref_squeeze %dma_wait3A_102 : memref<1x1x128xi32, #tpu.memory_space<hbm>> -> memref<128xi32, #tpu.memory_space<hbm>>
        %dma_wait3A_104 = tpu.memref_slice %arg3[%add3A, %run_scoped3A_79, %mul3A_78] : memref<32x1x10112xi32, #tpu.memory_space<hbm>> -> memref<1x1x128xi32, #tpu.memory_space<hbm>>
        %dma_wait3A_105 = tpu.memref_squeeze %dma_wait3A_104 : memref<1x1x128xi32, #tpu.memory_space<hbm>> -> memref<128xi32, #tpu.memory_space<hbm>>
        tpu.wait_dma2 semaphore(%run_scoped3A_97 : memref<!tpu.dma_semaphore, #tpu.memory_space<semaphore_mem>>) src(%dma_wait3A_105 : memref<128xi32, #tpu.memory_space<hbm>>) dst(%arg11 : memref<128xi32, #tpu.memory_space<vmem>>)
        tpu.yield
      }) : () -> ()
      %mul3A_80 = arith.constant 128 : i32
      %mul3A_81 = arith.muli %add3A_76, %mul3A_80 : i32
      %run_scoped3A_82 = arith.constant 0 : i32
      "tpu.region"() ({
        %run_scoped3A_97 = tpu.sem_alloc : memref<!tpu.dma_semaphore, #tpu.memory_space<semaphore_mem>>
        %dma_start3A_98 = tpu.memref_slice %arg4[%add3A, %run_scoped3A_82, %mul3A_81] : memref<32x1x10112xi32, #tpu.memory_space<hbm>> -> memref<1x1x128xi32, #tpu.memory_space<hbm>>
        %dma_start3A_99 = tpu.memref_squeeze %dma_start3A_98 : memref<1x1x128xi32, #tpu.memory_space<hbm>> -> memref<128xi32, #tpu.memory_space<hbm>>
        %dma_start3A_100 = tpu.memref_slice %arg4[%add3A, %run_scoped3A_82, %mul3A_81] : memref<32x1x10112xi32, #tpu.memory_space<hbm>> -> memref<1x1x128xi32, #tpu.memory_space<hbm>>
        %dma_start3A_101 = tpu.memref_squeeze %dma_start3A_100 : memref<1x1x128xi32, #tpu.memory_space<hbm>> -> memref<128xi32, #tpu.memory_space<hbm>>
        tpu.enqueue_dma source(%dma_start3A_101 : memref<128xi32, #tpu.memory_space<hbm>>) target(%arg13 : memref<128xi32, #tpu.memory_space<vmem>>) target_semaphore(%run_scoped3A_97 : memref<!tpu.dma_semaphore, #tpu.memory_space<semaphore_mem>>)
        %dma_wait3A_102 = tpu.memref_slice %arg4[%add3A, %run_scoped3A_82, %mul3A_81] : memref<32x1x10112xi32, #tpu.memory_space<hbm>> -> memref<1x1x128xi32, #tpu.memory_space<hbm>>
        %dma_wait3A_103 = tpu.memref_squeeze %dma_wait3A_102 : memref<1x1x128xi32, #tpu.memory_space<hbm>> -> memref<128xi32, #tpu.memory_space<hbm>>
        %dma_wait3A_104 = tpu.memref_slice %arg4[%add3A, %run_scoped3A_82, %mul3A_81] : memref<32x1x10112xi32, #tpu.memory_space<hbm>> -> memref<1x1x128xi32, #tpu.memory_space<hbm>>
        %dma_wait3A_105 = tpu.memref_squeeze %dma_wait3A_104 : memref<1x1x128xi32, #tpu.memory_space<hbm>> -> memref<128xi32, #tpu.memory_space<hbm>>
        tpu.wait_dma2 semaphore(%run_scoped3A_97 : memref<!tpu.dma_semaphore, #tpu.memory_space<semaphore_mem>>) src(%dma_wait3A_105 : memref<128xi32, #tpu.memory_space<hbm>>) dst(%arg13 : memref<128xi32, #tpu.memory_space<vmem>>)
        tpu.yield
      }) : () -> ()
      %dma_start3A_83 = arith.constant 0 : i32
      %dma_start3A_84 = arith.constant 0 : i32
      %dma_start3A_85 = tpu.memref_slice %arg2[%dma_start3A_83, %dma_start3A_84] : memref<10008x128xf32, #tpu.memory_space<hbm>> -> memref<10008x128xf32, #tpu.memory_space<hbm>>
      tpu.enqueue_indirect_dma source(%dma_start3A_85 : memref<10008x128xf32, #tpu.memory_space<hbm>>) target(%arg7 : memref<128x128xf32, #tpu.memory_space<vmem>>) offsets(%arg11 : memref<128xi32, #tpu.memory_space<vmem>>) semaphore(%arg15 : memref<!tpu.dma_semaphore, #tpu.memory_space<semaphore_mem>>)
      %dma_start3A_86 = arith.constant 0 : i32
      %dma_start3A_87 = arith.constant 0 : i32
      %dma_start3A_88 = tpu.memref_slice %arg2[%dma_start3A_86, %dma_start3A_87] : memref<10008x128xf32, #tpu.memory_space<hbm>> -> memref<10008x128xf32, #tpu.memory_space<hbm>>
      tpu.enqueue_indirect_dma source(%dma_start3A_88 : memref<10008x128xf32, #tpu.memory_space<hbm>>) target(%arg9 : memref<128x128xf32, #tpu.memory_space<vmem>>) offsets(%arg13 : memref<128xi32, #tpu.memory_space<vmem>>) semaphore(%arg17 : memref<!tpu.dma_semaphore, #tpu.memory_space<semaphore_mem>>)
      %add3A_89 = arith.constant 1 : i32
      %add3A_90 = arith.addi %mul3A_31, %add3A_89 : i32
      %mul3A_91 = arith.constant 10112 : i32
      %mul3A_92 = arith.muli %add3A, %mul3A_91 : i32
      %mul3A_93 = arith.constant 128 : i32
      %mul3A_94 = arith.muli %add3A_90, %mul3A_93 : i32
      %add3A_95 = arith.addi %mul3A_92, %mul3A_94 : i32
      "tpu.region"() ({
        %run_scoped3A_97 = tpu.sem_alloc : memref<!tpu.dma_semaphore, #tpu.memory_space<semaphore_mem>>
        %dma_start3A_98 = arith.constant 0 : i32
        %dma_start3A_99 = tpu.memref_slice %arg5[%add3A_95, %dma_start3A_98] : memref<323584x128xf32, #tpu.memory_space<hbm>> -> memref<128x128xf32, #tpu.memory_space<hbm>>
        %dma_start3A_100 = arith.constant 0 : i32
        %dma_start3A_101 = tpu.memref_slice %arg5[%add3A_95, %dma_start3A_100] : memref<323584x128xf32, #tpu.memory_space<hbm>> -> memref<128x128xf32, #tpu.memory_space<hbm>>
        tpu.enqueue_dma source(%arg8 : memref<128x128xf32, #tpu.memory_space<vmem>>) target(%dma_start3A_101 : memref<128x128xf32, #tpu.memory_space<hbm>>) target_semaphore(%run_scoped3A_97 : memref<!tpu.dma_semaphore, #tpu.memory_space<semaphore_mem>>)
        %dma_wait3A_102 = arith.constant 0 : i32
        %dma_wait3A_103 = tpu.memref_slice %arg5[%add3A_95, %dma_wait3A_102] : memref<323584x128xf32, #tpu.memory_space<hbm>> -> memref<128x128xf32, #tpu.memory_space<hbm>>
        %dma_wait3A_104 = arith.constant 0 : i32
        %dma_wait3A_105 = tpu.memref_slice %arg5[%add3A_95, %dma_wait3A_104] : memref<323584x128xf32, #tpu.memory_space<hbm>> -> memref<128x128xf32, #tpu.memory_space<hbm>>
        tpu.wait_dma2 semaphore(%run_scoped3A_97 : memref<!tpu.dma_semaphore, #tpu.memory_space<semaphore_mem>>) src(%arg8 : memref<128x128xf32, #tpu.memory_space<vmem>>) dst(%dma_wait3A_105 : memref<128x128xf32, #tpu.memory_space<hbm>>)
        tpu.yield
      }) : () -> ()
      "tpu.region"() ({
        %run_scoped3A_97 = tpu.sem_alloc : memref<!tpu.dma_semaphore, #tpu.memory_space<semaphore_mem>>
        %dma_start3A_98 = arith.constant 0 : i32
        %dma_start3A_99 = tpu.memref_slice %arg6[%add3A_95, %dma_start3A_98] : memref<323584x128xf32, #tpu.memory_space<hbm>> -> memref<128x128xf32, #tpu.memory_space<hbm>>
        %dma_start3A_100 = arith.constant 0 : i32
        %dma_start3A_101 = tpu.memref_slice %arg6[%add3A_95, %dma_start3A_100] : memref<323584x128xf32, #tpu.memory_space<hbm>> -> memref<128x128xf32, #tpu.memory_space<hbm>>
        tpu.enqueue_dma source(%arg10 : memref<128x128xf32, #tpu.memory_space<vmem>>) target(%dma_start3A_101 : memref<128x128xf32, #tpu.memory_space<hbm>>) target_semaphore(%run_scoped3A_97 : memref<!tpu.dma_semaphore, #tpu.memory_space<semaphore_mem>>)
        %dma_wait3A_102 = arith.constant 0 : i32
        %dma_wait3A_103 = tpu.memref_slice %arg6[%add3A_95, %dma_wait3A_102] : memref<323584x128xf32, #tpu.memory_space<hbm>> -> memref<128x128xf32, #tpu.memory_space<hbm>>
        %dma_wait3A_104 = arith.constant 0 : i32
        %dma_wait3A_105 = tpu.memref_slice %arg6[%add3A_95, %dma_wait3A_104] : memref<323584x128xf32, #tpu.memory_space<hbm>> -> memref<128x128xf32, #tpu.memory_space<hbm>>
        tpu.wait_dma2 semaphore(%run_scoped3A_97 : memref<!tpu.dma_semaphore, #tpu.memory_space<semaphore_mem>>) src(%arg10 : memref<128x128xf32, #tpu.memory_space<vmem>>) dst(%dma_wait3A_105 : memref<128x128xf32, #tpu.memory_space<hbm>>)
        tpu.yield
      }) : () -> ()
      %scan3A_96 = arith.constant 0 : i32
      scf.yield %scan3A_96 : i32
    }
    %scan3A_12 = arith.constant 39 : i32
    %dma_wait3A = arith.constant 0 : i32
    %dma_wait3A_13 = arith.constant 0 : i32
    %dma_wait3A_14 = tpu.memref_slice %arg2[%dma_wait3A, %dma_wait3A_13] : memref<10008x128xf32, #tpu.memory_space<hbm>> -> memref<128x128xf32, #tpu.memory_space<hbm>>
    %dma_wait3A_15 = arith.constant 0 : i32
    %dma_wait3A_16 = arith.constant 0 : i32
    %dma_wait3A_17 = tpu.memref_slice %arg2[%dma_wait3A_15, %dma_wait3A_16] : memref<10008x128xf32, #tpu.memory_space<hbm>> -> memref<128x128xf32, #tpu.memory_space<hbm>>
    tpu.wait_dma2 semaphore(%arg15 : memref<!tpu.dma_semaphore, #tpu.memory_space<semaphore_mem>>) src(%dma_wait3A_17 : memref<128x128xf32, #tpu.memory_space<hbm>>) dst(%arg7 : memref<128x128xf32, #tpu.memory_space<vmem>>)
    %dma_wait3A_18 = arith.constant 0 : i32
    %dma_wait3A_19 = arith.constant 0 : i32
    %dma_wait3A_20 = tpu.memref_slice %arg2[%dma_wait3A_18, %dma_wait3A_19] : memref<10008x128xf32, #tpu.memory_space<hbm>> -> memref<128x128xf32, #tpu.memory_space<hbm>>
    %dma_wait3A_21 = arith.constant 0 : i32
    %dma_wait3A_22 = arith.constant 0 : i32
    %dma_wait3A_23 = tpu.memref_slice %arg2[%dma_wait3A_21, %dma_wait3A_22] : memref<10008x128xf32, #tpu.memory_space<hbm>> -> memref<128x128xf32, #tpu.memory_space<hbm>>
    tpu.wait_dma2 semaphore(%arg17 : memref<!tpu.dma_semaphore, #tpu.memory_space<semaphore_mem>>) src(%dma_wait3A_23 : memref<128x128xf32, #tpu.memory_space<hbm>>) dst(%arg9 : memref<128x128xf32, #tpu.memory_space<vmem>>)
    %mul3A_24 = arith.constant 10112 : i32
    %mul3A_25 = arith.muli %add3A, %mul3A_24 : i32
    %add3A_26 = arith.constant 9984 : i32
    %add3A_27 = arith.addi %mul3A_25, %add3A_26 : i32
    "tpu.region"() ({
      %run_scoped3A_28 = tpu.sem_alloc : memref<!tpu.dma_semaphore, #tpu.memory_space<semaphore_mem>>
      %dma_start3A_29 = arith.constant 0 : i32
      %dma_start3A_30 = tpu.memref_slice %arg5[%add3A_27, %dma_start3A_29] : memref<323584x128xf32, #tpu.memory_space<hbm>> -> memref<128x128xf32, #tpu.memory_space<hbm>>
      %dma_start3A_31 = arith.constant 0 : i32
      %dma_start3A_32 = tpu.memref_slice %arg5[%add3A_27, %dma_start3A_31] : memref<323584x128xf32, #tpu.memory_space<hbm>> -> memref<128x128xf32, #tpu.memory_space<hbm>>
      tpu.enqueue_dma source(%arg7 : memref<128x128xf32, #tpu.memory_space<vmem>>) target(%dma_start3A_32 : memref<128x128xf32, #tpu.memory_space<hbm>>) target_semaphore(%run_scoped3A_28 : memref<!tpu.dma_semaphore, #tpu.memory_space<semaphore_mem>>)
      %dma_wait3A_33 = arith.constant 0 : i32
      %dma_wait3A_34 = tpu.memref_slice %arg5[%add3A_27, %dma_wait3A_33] : memref<323584x128xf32, #tpu.memory_space<hbm>> -> memref<128x128xf32, #tpu.memory_space<hbm>>
      %dma_wait3A_35 = arith.constant 0 : i32
      %dma_wait3A_36 = tpu.memref_slice %arg5[%add3A_27, %dma_wait3A_35] : memref<323584x128xf32, #tpu.memory_space<hbm>> -> memref<128x128xf32, #tpu.memory_space<hbm>>
      tpu.wait_dma2 semaphore(%run_scoped3A_28 : memref<!tpu.dma_semaphore, #tpu.memory_space<semaphore_mem>>) src(%arg7 : memref<128x128xf32, #tpu.memory_space<vmem>>) dst(%dma_wait3A_36 : memref<128x128xf32, #tpu.memory_space<hbm>>)
      tpu.yield
    }) : () -> ()
    "tpu.region"() ({
      %run_scoped3A_28 = tpu.sem_alloc : memref<!tpu.dma_semaphore, #tpu.memory_space<semaphore_mem>>
      %dma_start3A_29 = arith.constant 0 : i32
      %dma_start3A_30 = tpu.memref_slice %arg6[%add3A_27, %dma_start3A_29] : memref<323584x128xf32, #tpu.memory_space<hbm>> -> memref<128x128xf32, #tpu.memory_space<hbm>>
      %dma_start3A_31 = arith.constant 0 : i32
      %dma_start3A_32 = tpu.memref_slice %arg6[%add3A_27, %dma_start3A_31] : memref<323584x128xf32, #tpu.memory_space<hbm>> -> memref<128x128xf32, #tpu.memory_space<hbm>>
      tpu.enqueue_dma source(%arg9 : memref<128x128xf32, #tpu.memory_space<vmem>>) target(%dma_start3A_32 : memref<128x128xf32, #tpu.memory_space<hbm>>) target_semaphore(%run_scoped3A_28 : memref<!tpu.dma_semaphore, #tpu.memory_space<semaphore_mem>>)
      %dma_wait3A_33 = arith.constant 0 : i32
      %dma_wait3A_34 = tpu.memref_slice %arg6[%add3A_27, %dma_wait3A_33] : memref<323584x128xf32, #tpu.memory_space<hbm>> -> memref<128x128xf32, #tpu.memory_space<hbm>>
      %dma_wait3A_35 = arith.constant 0 : i32
      %dma_wait3A_36 = tpu.memref_slice %arg6[%add3A_27, %dma_wait3A_35] : memref<323584x128xf32, #tpu.memory_space<hbm>> -> memref<128x128xf32, #tpu.memory_space<hbm>>
      tpu.wait_dma2 semaphore(%run_scoped3A_28 : memref<!tpu.dma_semaphore, #tpu.memory_space<semaphore_mem>>) src(%arg9 : memref<128x128xf32, #tpu.memory_space<vmem>>) dst(%dma_wait3A_36 : memref<128x128xf32, #tpu.memory_space<hbm>>)
      tpu.yield
    }) : () -> ()
    return
  }
}

#map = affine_map<(d0, d1) -> (0, 0)>
#map1 = affine_map<(d0, d1) -> (0, 0, 0)>
module attributes {stable_mosaic.version = 14 : i64} {
  func.func @_conv_body(%arg0: i32, %arg1: i32, %arg2: memref<10008x128xf32, #tpu.memory_space<hbm>>, %arg3: memref<32x1x10112xi32, #tpu.memory_space<hbm>>, %arg4: memref<32x1x10112xi32, #tpu.memory_space<hbm>>, %arg5: memref<2x10008x128xf32, #tpu.memory_space<hbm>>, %arg6: memref<128x128xf32, #tpu.memory_space<vmem>>, %arg7: memref<128x128xf32, #tpu.memory_space<vmem>>, %arg8: memref<128xi32, #tpu.memory_space<vmem>>, %arg9: memref<128xi32, #tpu.memory_space<vmem>>, %arg10: memref<128xi32, #tpu.memory_space<vmem>>, %arg11: memref<128xi32, #tpu.memory_space<vmem>>, %arg12: memref<10008x128xf32, #tpu.memory_space<vmem_shared>>, %arg13: memref<!tpu.dma_semaphore, #tpu.memory_space<semaphore_mem>>, %arg14: memref<!tpu.dma_semaphore, #tpu.memory_space<semaphore_mem>>) attributes {dimension_semantics = [#tpu.dimension_semantics<core_parallel>, #tpu.dimension_semantics<subcore_parallel>], iteration_bounds = array<i64: 2, 16>, scalar_prefetch = 0 : i64, scratch_operands = 9 : i64, tpu.core_type = #tpu.core_type<sc_vector_subcore>, window_params = [{transform_indices = #map}, {transform_indices = #map1}, {transform_indices = #map1}, {transform_indices = #map1}]} {
    %mul3A = arith.constant 2 : i32
    %mul3A_0 = arith.muli %arg1, %mul3A : i32
    %add3A = arith.addi %mul3A_0, %arg0 : i32
    %mul3A_1 = arith.constant 640 : i32
    %mul3A_2 = arith.muli %arg1, %mul3A_1 : i32
    %min3A = arith.constant 9368 : i32
    %min3A_3 = arith.minsi %mul3A_2, %min3A : i32
    "tpu.region"() ({
      %run_scoped3A_19 = tpu.sem_alloc : memref<!tpu.dma_semaphore, #tpu.memory_space<semaphore_mem>>
      %dma_start3A_20 = arith.constant 0 : i32
      %dma_start3A_21 = tpu.memref_slice %arg12[%min3A_3, %dma_start3A_20] : memref<10008x128xf32, #tpu.memory_space<vmem_shared>> -> memref<640x128xf32, #tpu.memory_space<vmem_shared>>
      %dma_start3A_22 = arith.constant 0 : i32
      %dma_start3A_23 = tpu.memref_slice %arg2[%min3A_3, %dma_start3A_22] : memref<10008x128xf32, #tpu.memory_space<hbm>> -> memref<640x128xf32, #tpu.memory_space<hbm>>
      tpu.enqueue_dma source(%dma_start3A_23 : memref<640x128xf32, #tpu.memory_space<hbm>>) target(%dma_start3A_21 : memref<640x128xf32, #tpu.memory_space<vmem_shared>>) target_semaphore(%run_scoped3A_19 : memref<!tpu.dma_semaphore, #tpu.memory_space<semaphore_mem>>)
      %dma_wait3A_24 = arith.constant 0 : i32
      %dma_wait3A_25 = tpu.memref_slice %arg12[%min3A_3, %dma_wait3A_24] : memref<10008x128xf32, #tpu.memory_space<vmem_shared>> -> memref<640x128xf32, #tpu.memory_space<vmem_shared>>
      %dma_wait3A_26 = arith.constant 0 : i32
      %dma_wait3A_27 = tpu.memref_slice %arg2[%min3A_3, %dma_wait3A_26] : memref<10008x128xf32, #tpu.memory_space<hbm>> -> memref<640x128xf32, #tpu.memory_space<hbm>>
      tpu.wait_dma2 semaphore(%run_scoped3A_19 : memref<!tpu.dma_semaphore, #tpu.memory_space<semaphore_mem>>) src(%dma_wait3A_27 : memref<640x128xf32, #tpu.memory_space<hbm>>) dst(%dma_wait3A_25 : memref<640x128xf32, #tpu.memory_space<vmem_shared>>)
      tpu.yield
    }) : () -> ()
    %barrier3A = arith.constant 0 : index
    tpu.barrier barrier_id(%barrier3A)
    %run_scoped3A = arith.constant 0 : i32
    "tpu.region"() ({
      %run_scoped3A_19 = tpu.sem_alloc : memref<!tpu.dma_semaphore, #tpu.memory_space<semaphore_mem>>
      %dma_start3A_20 = arith.constant 0 : i32
      %dma_start3A_21 = tpu.memref_slice %arg3[%add3A, %run_scoped3A, %dma_start3A_20] : memref<32x1x10112xi32, #tpu.memory_space<hbm>> -> memref<1x1x128xi32, #tpu.memory_space<hbm>>
      %dma_start3A_22 = tpu.memref_squeeze %dma_start3A_21 : memref<1x1x128xi32, #tpu.memory_space<hbm>> -> memref<128xi32, #tpu.memory_space<hbm>>
      %dma_start3A_23 = arith.constant 0 : i32
      %dma_start3A_24 = tpu.memref_slice %arg3[%add3A, %run_scoped3A, %dma_start3A_23] : memref<32x1x10112xi32, #tpu.memory_space<hbm>> -> memref<1x1x128xi32, #tpu.memory_space<hbm>>
      %dma_start3A_25 = tpu.memref_squeeze %dma_start3A_24 : memref<1x1x128xi32, #tpu.memory_space<hbm>> -> memref<128xi32, #tpu.memory_space<hbm>>
      tpu.enqueue_dma source(%dma_start3A_25 : memref<128xi32, #tpu.memory_space<hbm>>) target(%arg8 : memref<128xi32, #tpu.memory_space<vmem>>) target_semaphore(%run_scoped3A_19 : memref<!tpu.dma_semaphore, #tpu.memory_space<semaphore_mem>>)
      %dma_wait3A_26 = arith.constant 0 : i32
      %dma_wait3A_27 = tpu.memref_slice %arg3[%add3A, %run_scoped3A, %dma_wait3A_26] : memref<32x1x10112xi32, #tpu.memory_space<hbm>> -> memref<1x1x128xi32, #tpu.memory_space<hbm>>
      %dma_wait3A_28 = tpu.memref_squeeze %dma_wait3A_27 : memref<1x1x128xi32, #tpu.memory_space<hbm>> -> memref<128xi32, #tpu.memory_space<hbm>>
      %dma_wait3A_29 = arith.constant 0 : i32
      %dma_wait3A_30 = tpu.memref_slice %arg3[%add3A, %run_scoped3A, %dma_wait3A_29] : memref<32x1x10112xi32, #tpu.memory_space<hbm>> -> memref<1x1x128xi32, #tpu.memory_space<hbm>>
      %dma_wait3A_31 = tpu.memref_squeeze %dma_wait3A_30 : memref<1x1x128xi32, #tpu.memory_space<hbm>> -> memref<128xi32, #tpu.memory_space<hbm>>
      tpu.wait_dma2 semaphore(%run_scoped3A_19 : memref<!tpu.dma_semaphore, #tpu.memory_space<semaphore_mem>>) src(%dma_wait3A_31 : memref<128xi32, #tpu.memory_space<hbm>>) dst(%arg8 : memref<128xi32, #tpu.memory_space<vmem>>)
      tpu.yield
    }) : () -> ()
    %run_scoped3A_4 = arith.constant 0 : i32
    "tpu.region"() ({
      %run_scoped3A_19 = tpu.sem_alloc : memref<!tpu.dma_semaphore, #tpu.memory_space<semaphore_mem>>
      %dma_start3A_20 = arith.constant 0 : i32
      %dma_start3A_21 = tpu.memref_slice %arg4[%add3A, %run_scoped3A_4, %dma_start3A_20] : memref<32x1x10112xi32, #tpu.memory_space<hbm>> -> memref<1x1x128xi32, #tpu.memory_space<hbm>>
      %dma_start3A_22 = tpu.memref_squeeze %dma_start3A_21 : memref<1x1x128xi32, #tpu.memory_space<hbm>> -> memref<128xi32, #tpu.memory_space<hbm>>
      %dma_start3A_23 = arith.constant 0 : i32
      %dma_start3A_24 = tpu.memref_slice %arg4[%add3A, %run_scoped3A_4, %dma_start3A_23] : memref<32x1x10112xi32, #tpu.memory_space<hbm>> -> memref<1x1x128xi32, #tpu.memory_space<hbm>>
      %dma_start3A_25 = tpu.memref_squeeze %dma_start3A_24 : memref<1x1x128xi32, #tpu.memory_space<hbm>> -> memref<128xi32, #tpu.memory_space<hbm>>
      tpu.enqueue_dma source(%dma_start3A_25 : memref<128xi32, #tpu.memory_space<hbm>>) target(%arg10 : memref<128xi32, #tpu.memory_space<vmem>>) target_semaphore(%run_scoped3A_19 : memref<!tpu.dma_semaphore, #tpu.memory_space<semaphore_mem>>)
      %dma_wait3A_26 = arith.constant 0 : i32
      %dma_wait3A_27 = tpu.memref_slice %arg4[%add3A, %run_scoped3A_4, %dma_wait3A_26] : memref<32x1x10112xi32, #tpu.memory_space<hbm>> -> memref<1x1x128xi32, #tpu.memory_space<hbm>>
      %dma_wait3A_28 = tpu.memref_squeeze %dma_wait3A_27 : memref<1x1x128xi32, #tpu.memory_space<hbm>> -> memref<128xi32, #tpu.memory_space<hbm>>
      %dma_wait3A_29 = arith.constant 0 : i32
      %dma_wait3A_30 = tpu.memref_slice %arg4[%add3A, %run_scoped3A_4, %dma_wait3A_29] : memref<32x1x10112xi32, #tpu.memory_space<hbm>> -> memref<1x1x128xi32, #tpu.memory_space<hbm>>
      %dma_wait3A_31 = tpu.memref_squeeze %dma_wait3A_30 : memref<1x1x128xi32, #tpu.memory_space<hbm>> -> memref<128xi32, #tpu.memory_space<hbm>>
      tpu.wait_dma2 semaphore(%run_scoped3A_19 : memref<!tpu.dma_semaphore, #tpu.memory_space<semaphore_mem>>) src(%dma_wait3A_31 : memref<128xi32, #tpu.memory_space<hbm>>) dst(%arg10 : memref<128xi32, #tpu.memory_space<vmem>>)
      tpu.yield
    }) : () -> ()
    %dma_start3A = arith.constant 0 : i32
    %dma_start3A_5 = arith.constant 0 : i32
    %dma_start3A_6 = tpu.memref_slice %arg2[%dma_start3A, %dma_start3A_5] : memref<10008x128xf32, #tpu.memory_space<hbm>> -> memref<10008x128xf32, #tpu.memory_space<hbm>>
    tpu.enqueue_indirect_dma source(%dma_start3A_6 : memref<10008x128xf32, #tpu.memory_space<hbm>>) target(%arg6 : memref<128x128xf32, #tpu.memory_space<vmem>>) offsets(%arg8 : memref<128xi32, #tpu.memory_space<vmem>>) semaphore(%arg13 : memref<!tpu.dma_semaphore, #tpu.memory_space<semaphore_mem>>)
    %scan3A = arith.constant 0 : i32
    %scan3A_7 = arith.constant 0 : i32
    %scan3A_8 = arith.constant 39 : i32
    %scan3A_9 = arith.addi %scan3A_7, %scan3A_8 : i32
    %scan3A_10 = arith.constant 1 : i32
    %scan3A_11 = scf.for %scan3A_19 = %scan3A_7 to %scan3A_9 step %scan3A_10 iter_args(%scan3A_20 = %scan3A) -> (i32)  : i32 {
      %mul3A_21 = arith.constant 2 : i32
      %mul3A_22 = arith.muli %mul3A_21, %scan3A_19 : i32
      %dma_wait3A_23 = arith.constant 0 : i32
      %dma_wait3A_24 = arith.constant 0 : i32
      %dma_wait3A_25 = tpu.memref_slice %arg2[%dma_wait3A_23, %dma_wait3A_24] : memref<10008x128xf32, #tpu.memory_space<hbm>> -> memref<128x128xf32, #tpu.memory_space<hbm>>
      %dma_wait3A_26 = arith.constant 0 : i32
      %dma_wait3A_27 = arith.constant 0 : i32
      %dma_wait3A_28 = tpu.memref_slice %arg2[%dma_wait3A_26, %dma_wait3A_27] : memref<10008x128xf32, #tpu.memory_space<hbm>> -> memref<128x128xf32, #tpu.memory_space<hbm>>
      tpu.wait_dma2 semaphore(%arg13 : memref<!tpu.dma_semaphore, #tpu.memory_space<semaphore_mem>>) src(%dma_wait3A_28 : memref<128x128xf32, #tpu.memory_space<hbm>>) dst(%arg6 : memref<128x128xf32, #tpu.memory_space<vmem>>)
      %add3A_29 = arith.constant 1 : i32
      %add3A_30 = arith.addi %mul3A_22, %add3A_29 : i32
      %mul3A_31 = arith.constant 128 : i32
      %mul3A_32 = arith.muli %add3A_30, %mul3A_31 : i32
      %run_scoped3A_33 = arith.constant 0 : i32
      "tpu.region"() ({
        %run_scoped3A_58 = tpu.sem_alloc : memref<!tpu.dma_semaphore, #tpu.memory_space<semaphore_mem>>
        %dma_start3A_59 = tpu.memref_slice %arg3[%add3A, %run_scoped3A_33, %mul3A_32] : memref<32x1x10112xi32, #tpu.memory_space<hbm>> -> memref<1x1x128xi32, #tpu.memory_space<hbm>>
        %dma_start3A_60 = tpu.memref_squeeze %dma_start3A_59 : memref<1x1x128xi32, #tpu.memory_space<hbm>> -> memref<128xi32, #tpu.memory_space<hbm>>
        %dma_start3A_61 = tpu.memref_slice %arg3[%add3A, %run_scoped3A_33, %mul3A_32] : memref<32x1x10112xi32, #tpu.memory_space<hbm>> -> memref<1x1x128xi32, #tpu.memory_space<hbm>>
        %dma_start3A_62 = tpu.memref_squeeze %dma_start3A_61 : memref<1x1x128xi32, #tpu.memory_space<hbm>> -> memref<128xi32, #tpu.memory_space<hbm>>
        tpu.enqueue_dma source(%dma_start3A_62 : memref<128xi32, #tpu.memory_space<hbm>>) target(%arg9 : memref<128xi32, #tpu.memory_space<vmem>>) target_semaphore(%run_scoped3A_58 : memref<!tpu.dma_semaphore, #tpu.memory_space<semaphore_mem>>)
        %dma_wait3A_63 = tpu.memref_slice %arg3[%add3A, %run_scoped3A_33, %mul3A_32] : memref<32x1x10112xi32, #tpu.memory_space<hbm>> -> memref<1x1x128xi32, #tpu.memory_space<hbm>>
        %dma_wait3A_64 = tpu.memref_squeeze %dma_wait3A_63 : memref<1x1x128xi32, #tpu.memory_space<hbm>> -> memref<128xi32, #tpu.memory_space<hbm>>
        %dma_wait3A_65 = tpu.memref_slice %arg3[%add3A, %run_scoped3A_33, %mul3A_32] : memref<32x1x10112xi32, #tpu.memory_space<hbm>> -> memref<1x1x128xi32, #tpu.memory_space<hbm>>
        %dma_wait3A_66 = tpu.memref_squeeze %dma_wait3A_65 : memref<1x1x128xi32, #tpu.memory_space<hbm>> -> memref<128xi32, #tpu.memory_space<hbm>>
        tpu.wait_dma2 semaphore(%run_scoped3A_58 : memref<!tpu.dma_semaphore, #tpu.memory_space<semaphore_mem>>) src(%dma_wait3A_66 : memref<128xi32, #tpu.memory_space<hbm>>) dst(%arg9 : memref<128xi32, #tpu.memory_space<vmem>>)
        tpu.yield
      }) : () -> ()
      %mul3A_34 = arith.constant 128 : i32
      %mul3A_35 = arith.muli %add3A_30, %mul3A_34 : i32
      %run_scoped3A_36 = arith.constant 0 : i32
      "tpu.region"() ({
        %run_scoped3A_58 = tpu.sem_alloc : memref<!tpu.dma_semaphore, #tpu.memory_space<semaphore_mem>>
        %dma_start3A_59 = tpu.memref_slice %arg4[%add3A, %run_scoped3A_36, %mul3A_35] : memref<32x1x10112xi32, #tpu.memory_space<hbm>> -> memref<1x1x128xi32, #tpu.memory_space<hbm>>
        %dma_start3A_60 = tpu.memref_squeeze %dma_start3A_59 : memref<1x1x128xi32, #tpu.memory_space<hbm>> -> memref<128xi32, #tpu.memory_space<hbm>>
        %dma_start3A_61 = tpu.memref_slice %arg4[%add3A, %run_scoped3A_36, %mul3A_35] : memref<32x1x10112xi32, #tpu.memory_space<hbm>> -> memref<1x1x128xi32, #tpu.memory_space<hbm>>
        %dma_start3A_62 = tpu.memref_squeeze %dma_start3A_61 : memref<1x1x128xi32, #tpu.memory_space<hbm>> -> memref<128xi32, #tpu.memory_space<hbm>>
        tpu.enqueue_dma source(%dma_start3A_62 : memref<128xi32, #tpu.memory_space<hbm>>) target(%arg11 : memref<128xi32, #tpu.memory_space<vmem>>) target_semaphore(%run_scoped3A_58 : memref<!tpu.dma_semaphore, #tpu.memory_space<semaphore_mem>>)
        %dma_wait3A_63 = tpu.memref_slice %arg4[%add3A, %run_scoped3A_36, %mul3A_35] : memref<32x1x10112xi32, #tpu.memory_space<hbm>> -> memref<1x1x128xi32, #tpu.memory_space<hbm>>
        %dma_wait3A_64 = tpu.memref_squeeze %dma_wait3A_63 : memref<1x1x128xi32, #tpu.memory_space<hbm>> -> memref<128xi32, #tpu.memory_space<hbm>>
        %dma_wait3A_65 = tpu.memref_slice %arg4[%add3A, %run_scoped3A_36, %mul3A_35] : memref<32x1x10112xi32, #tpu.memory_space<hbm>> -> memref<1x1x128xi32, #tpu.memory_space<hbm>>
        %dma_wait3A_66 = tpu.memref_squeeze %dma_wait3A_65 : memref<1x1x128xi32, #tpu.memory_space<hbm>> -> memref<128xi32, #tpu.memory_space<hbm>>
        tpu.wait_dma2 semaphore(%run_scoped3A_58 : memref<!tpu.dma_semaphore, #tpu.memory_space<semaphore_mem>>) src(%dma_wait3A_66 : memref<128xi32, #tpu.memory_space<hbm>>) dst(%arg11 : memref<128xi32, #tpu.memory_space<vmem>>)
        tpu.yield
      }) : () -> ()
      %dma_start3A_37 = arith.constant 0 : i32
      %dma_start3A_38 = arith.constant 0 : i32
      %dma_start3A_39 = tpu.memref_slice %arg2[%dma_start3A_37, %dma_start3A_38] : memref<10008x128xf32, #tpu.memory_space<hbm>> -> memref<10008x128xf32, #tpu.memory_space<hbm>>
      tpu.enqueue_indirect_dma source(%dma_start3A_39 : memref<10008x128xf32, #tpu.memory_space<hbm>>) target(%arg7 : memref<128x128xf32, #tpu.memory_space<vmem>>) offsets(%arg9 : memref<128xi32, #tpu.memory_space<vmem>>) semaphore(%arg14 : memref<!tpu.dma_semaphore, #tpu.memory_space<semaphore_mem>>)
      "tpu.region"() ({
        %run_scoped3A_58 = tpu.sem_alloc : memref<!tpu.dma_semaphore, #tpu.memory_space<semaphore_mem>>
        %dma_start3A_59 = arith.constant 0 : i32
        %dma_start3A_60 = arith.constant 0 : i32
        %dma_start3A_61 = tpu.memref_slice %arg12[%dma_start3A_59, %dma_start3A_60] : memref<10008x128xf32, #tpu.memory_space<vmem_shared>> -> memref<10008x128xf32, #tpu.memory_space<vmem_shared>>
        tpu.enqueue_indirect_dma source(%arg6 : memref<128x128xf32, #tpu.memory_space<vmem>>) target(%dma_start3A_61 : memref<10008x128xf32, #tpu.memory_space<vmem_shared>>) offsets(%arg10 : memref<128xi32, #tpu.memory_space<vmem>>) semaphore(%run_scoped3A_58 : memref<!tpu.dma_semaphore, #tpu.memory_space<semaphore_mem>>) {add = true}
        %dma_wait3A_62 = arith.constant 0 : i32
        %dma_wait3A_63 = arith.constant 0 : i32
        %dma_wait3A_64 = tpu.memref_slice %arg12[%dma_wait3A_62, %dma_wait3A_63] : memref<10008x128xf32, #tpu.memory_space<vmem_shared>> -> memref<10008x128xf32, #tpu.memory_space<vmem_shared>>
        tpu.wait_indirect_dma semaphore(%run_scoped3A_58 : memref<!tpu.dma_semaphore, #tpu.memory_space<semaphore_mem>>) src(%arg6 : memref<128x128xf32, #tpu.memory_space<vmem>>) dst(%dma_wait3A_64 : memref<10008x128xf32, #tpu.memory_space<vmem_shared>>)
        tpu.yield
      }) : () -> ()
      %dma_wait3A_40 = arith.constant 0 : i32
      %dma_wait3A_41 = arith.constant 0 : i32
      %dma_wait3A_42 = tpu.memref_slice %arg2[%dma_wait3A_40, %dma_wait3A_41] : memref<10008x128xf32, #tpu.memory_space<hbm>> -> memref<128x128xf32, #tpu.memory_space<hbm>>
      %dma_wait3A_43 = arith.constant 0 : i32
      %dma_wait3A_44 = arith.constant 0 : i32
      %dma_wait3A_45 = tpu.memref_slice %arg2[%dma_wait3A_43, %dma_wait3A_44] : memref<10008x128xf32, #tpu.memory_space<hbm>> -> memref<128x128xf32, #tpu.memory_space<hbm>>
      tpu.wait_dma2 semaphore(%arg14 : memref<!tpu.dma_semaphore, #tpu.memory_space<semaphore_mem>>) src(%dma_wait3A_45 : memref<128x128xf32, #tpu.memory_space<hbm>>) dst(%arg7 : memref<128x128xf32, #tpu.memory_space<vmem>>)
      %add3A_46 = arith.constant 2 : i32
      %add3A_47 = arith.addi %mul3A_22, %add3A_46 : i32
      %mul3A_48 = arith.constant 128 : i32
      %mul3A_49 = arith.muli %add3A_47, %mul3A_48 : i32
      %run_scoped3A_50 = arith.constant 0 : i32
      "tpu.region"() ({
        %run_scoped3A_58 = tpu.sem_alloc : memref<!tpu.dma_semaphore, #tpu.memory_space<semaphore_mem>>
        %dma_start3A_59 = tpu.memref_slice %arg3[%add3A, %run_scoped3A_50, %mul3A_49] : memref<32x1x10112xi32, #tpu.memory_space<hbm>> -> memref<1x1x128xi32, #tpu.memory_space<hbm>>
        %dma_start3A_60 = tpu.memref_squeeze %dma_start3A_59 : memref<1x1x128xi32, #tpu.memory_space<hbm>> -> memref<128xi32, #tpu.memory_space<hbm>>
        %dma_start3A_61 = tpu.memref_slice %arg3[%add3A, %run_scoped3A_50, %mul3A_49] : memref<32x1x10112xi32, #tpu.memory_space<hbm>> -> memref<1x1x128xi32, #tpu.memory_space<hbm>>
        %dma_start3A_62 = tpu.memref_squeeze %dma_start3A_61 : memref<1x1x128xi32, #tpu.memory_space<hbm>> -> memref<128xi32, #tpu.memory_space<hbm>>
        tpu.enqueue_dma source(%dma_start3A_62 : memref<128xi32, #tpu.memory_space<hbm>>) target(%arg8 : memref<128xi32, #tpu.memory_space<vmem>>) target_semaphore(%run_scoped3A_58 : memref<!tpu.dma_semaphore, #tpu.memory_space<semaphore_mem>>)
        %dma_wait3A_63 = tpu.memref_slice %arg3[%add3A, %run_scoped3A_50, %mul3A_49] : memref<32x1x10112xi32, #tpu.memory_space<hbm>> -> memref<1x1x128xi32, #tpu.memory_space<hbm>>
        %dma_wait3A_64 = tpu.memref_squeeze %dma_wait3A_63 : memref<1x1x128xi32, #tpu.memory_space<hbm>> -> memref<128xi32, #tpu.memory_space<hbm>>
        %dma_wait3A_65 = tpu.memref_slice %arg3[%add3A, %run_scoped3A_50, %mul3A_49] : memref<32x1x10112xi32, #tpu.memory_space<hbm>> -> memref<1x1x128xi32, #tpu.memory_space<hbm>>
        %dma_wait3A_66 = tpu.memref_squeeze %dma_wait3A_65 : memref<1x1x128xi32, #tpu.memory_space<hbm>> -> memref<128xi32, #tpu.memory_space<hbm>>
        tpu.wait_dma2 semaphore(%run_scoped3A_58 : memref<!tpu.dma_semaphore, #tpu.memory_space<semaphore_mem>>) src(%dma_wait3A_66 : memref<128xi32, #tpu.memory_space<hbm>>) dst(%arg8 : memref<128xi32, #tpu.memory_space<vmem>>)
        tpu.yield
      }) : () -> ()
      %mul3A_51 = arith.constant 128 : i32
      %mul3A_52 = arith.muli %add3A_47, %mul3A_51 : i32
      %run_scoped3A_53 = arith.constant 0 : i32
      "tpu.region"() ({
        %run_scoped3A_58 = tpu.sem_alloc : memref<!tpu.dma_semaphore, #tpu.memory_space<semaphore_mem>>
        %dma_start3A_59 = tpu.memref_slice %arg4[%add3A, %run_scoped3A_53, %mul3A_52] : memref<32x1x10112xi32, #tpu.memory_space<hbm>> -> memref<1x1x128xi32, #tpu.memory_space<hbm>>
        %dma_start3A_60 = tpu.memref_squeeze %dma_start3A_59 : memref<1x1x128xi32, #tpu.memory_space<hbm>> -> memref<128xi32, #tpu.memory_space<hbm>>
        %dma_start3A_61 = tpu.memref_slice %arg4[%add3A, %run_scoped3A_53, %mul3A_52] : memref<32x1x10112xi32, #tpu.memory_space<hbm>> -> memref<1x1x128xi32, #tpu.memory_space<hbm>>
        %dma_start3A_62 = tpu.memref_squeeze %dma_start3A_61 : memref<1x1x128xi32, #tpu.memory_space<hbm>> -> memref<128xi32, #tpu.memory_space<hbm>>
        tpu.enqueue_dma source(%dma_start3A_62 : memref<128xi32, #tpu.memory_space<hbm>>) target(%arg10 : memref<128xi32, #tpu.memory_space<vmem>>) target_semaphore(%run_scoped3A_58 : memref<!tpu.dma_semaphore, #tpu.memory_space<semaphore_mem>>)
        %dma_wait3A_63 = tpu.memref_slice %arg4[%add3A, %run_scoped3A_53, %mul3A_52] : memref<32x1x10112xi32, #tpu.memory_space<hbm>> -> memref<1x1x128xi32, #tpu.memory_space<hbm>>
        %dma_wait3A_64 = tpu.memref_squeeze %dma_wait3A_63 : memref<1x1x128xi32, #tpu.memory_space<hbm>> -> memref<128xi32, #tpu.memory_space<hbm>>
        %dma_wait3A_65 = tpu.memref_slice %arg4[%add3A, %run_scoped3A_53, %mul3A_52] : memref<32x1x10112xi32, #tpu.memory_space<hbm>> -> memref<1x1x128xi32, #tpu.memory_space<hbm>>
        %dma_wait3A_66 = tpu.memref_squeeze %dma_wait3A_65 : memref<1x1x128xi32, #tpu.memory_space<hbm>> -> memref<128xi32, #tpu.memory_space<hbm>>
        tpu.wait_dma2 semaphore(%run_scoped3A_58 : memref<!tpu.dma_semaphore, #tpu.memory_space<semaphore_mem>>) src(%dma_wait3A_66 : memref<128xi32, #tpu.memory_space<hbm>>) dst(%arg10 : memref<128xi32, #tpu.memory_space<vmem>>)
        tpu.yield
      }) : () -> ()
      %dma_start3A_54 = arith.constant 0 : i32
      %dma_start3A_55 = arith.constant 0 : i32
      %dma_start3A_56 = tpu.memref_slice %arg2[%dma_start3A_54, %dma_start3A_55] : memref<10008x128xf32, #tpu.memory_space<hbm>> -> memref<10008x128xf32, #tpu.memory_space<hbm>>
      tpu.enqueue_indirect_dma source(%dma_start3A_56 : memref<10008x128xf32, #tpu.memory_space<hbm>>) target(%arg6 : memref<128x128xf32, #tpu.memory_space<vmem>>) offsets(%arg8 : memref<128xi32, #tpu.memory_space<vmem>>) semaphore(%arg13 : memref<!tpu.dma_semaphore, #tpu.memory_space<semaphore_mem>>)
      "tpu.region"() ({
        %run_scoped3A_58 = tpu.sem_alloc : memref<!tpu.dma_semaphore, #tpu.memory_space<semaphore_mem>>
        %dma_start3A_59 = arith.constant 0 : i32
        %dma_start3A_60 = arith.constant 0 : i32
        %dma_start3A_61 = tpu.memref_slice %arg12[%dma_start3A_59, %dma_start3A_60] : memref<10008x128xf32, #tpu.memory_space<vmem_shared>> -> memref<10008x128xf32, #tpu.memory_space<vmem_shared>>
        tpu.enqueue_indirect_dma source(%arg7 : memref<128x128xf32, #tpu.memory_space<vmem>>) target(%dma_start3A_61 : memref<10008x128xf32, #tpu.memory_space<vmem_shared>>) offsets(%arg11 : memref<128xi32, #tpu.memory_space<vmem>>) semaphore(%run_scoped3A_58 : memref<!tpu.dma_semaphore, #tpu.memory_space<semaphore_mem>>) {add = true}
        %dma_wait3A_62 = arith.constant 0 : i32
        %dma_wait3A_63 = arith.constant 0 : i32
        %dma_wait3A_64 = tpu.memref_slice %arg12[%dma_wait3A_62, %dma_wait3A_63] : memref<10008x128xf32, #tpu.memory_space<vmem_shared>> -> memref<10008x128xf32, #tpu.memory_space<vmem_shared>>
        tpu.wait_indirect_dma semaphore(%run_scoped3A_58 : memref<!tpu.dma_semaphore, #tpu.memory_space<semaphore_mem>>) src(%arg7 : memref<128x128xf32, #tpu.memory_space<vmem>>) dst(%dma_wait3A_64 : memref<10008x128xf32, #tpu.memory_space<vmem_shared>>)
        tpu.yield
      }) : () -> ()
      %scan3A_57 = arith.constant 0 : i32
      scf.yield %scan3A_57 : i32
    }
    %scan3A_12 = arith.constant 39 : i32
    %dma_wait3A = arith.constant 0 : i32
    %dma_wait3A_13 = arith.constant 0 : i32
    %dma_wait3A_14 = tpu.memref_slice %arg2[%dma_wait3A, %dma_wait3A_13] : memref<10008x128xf32, #tpu.memory_space<hbm>> -> memref<128x128xf32, #tpu.memory_space<hbm>>
    %dma_wait3A_15 = arith.constant 0 : i32
    %dma_wait3A_16 = arith.constant 0 : i32
    %dma_wait3A_17 = tpu.memref_slice %arg2[%dma_wait3A_15, %dma_wait3A_16] : memref<10008x128xf32, #tpu.memory_space<hbm>> -> memref<128x128xf32, #tpu.memory_space<hbm>>
    tpu.wait_dma2 semaphore(%arg13 : memref<!tpu.dma_semaphore, #tpu.memory_space<semaphore_mem>>) src(%dma_wait3A_17 : memref<128x128xf32, #tpu.memory_space<hbm>>) dst(%arg6 : memref<128x128xf32, #tpu.memory_space<vmem>>)
    "tpu.region"() ({
      %run_scoped3A_19 = tpu.sem_alloc : memref<!tpu.dma_semaphore, #tpu.memory_space<semaphore_mem>>
      %dma_start3A_20 = arith.constant 0 : i32
      %dma_start3A_21 = arith.constant 0 : i32
      %dma_start3A_22 = tpu.memref_slice %arg12[%dma_start3A_20, %dma_start3A_21] : memref<10008x128xf32, #tpu.memory_space<vmem_shared>> -> memref<10008x128xf32, #tpu.memory_space<vmem_shared>>
      tpu.enqueue_indirect_dma source(%arg6 : memref<128x128xf32, #tpu.memory_space<vmem>>) target(%dma_start3A_22 : memref<10008x128xf32, #tpu.memory_space<vmem_shared>>) offsets(%arg10 : memref<128xi32, #tpu.memory_space<vmem>>) semaphore(%run_scoped3A_19 : memref<!tpu.dma_semaphore, #tpu.memory_space<semaphore_mem>>) {add = true}
      %dma_wait3A_23 = arith.constant 0 : i32
      %dma_wait3A_24 = arith.constant 0 : i32
      %dma_wait3A_25 = tpu.memref_slice %arg12[%dma_wait3A_23, %dma_wait3A_24] : memref<10008x128xf32, #tpu.memory_space<vmem_shared>> -> memref<10008x128xf32, #tpu.memory_space<vmem_shared>>
      tpu.wait_indirect_dma semaphore(%run_scoped3A_19 : memref<!tpu.dma_semaphore, #tpu.memory_space<semaphore_mem>>) src(%arg6 : memref<128x128xf32, #tpu.memory_space<vmem>>) dst(%dma_wait3A_25 : memref<10008x128xf32, #tpu.memory_space<vmem_shared>>)
      tpu.yield
    }) : () -> ()
    %barrier3A_18 = arith.constant 0 : index
    tpu.barrier barrier_id(%barrier3A_18)
    "tpu.region"() ({
      %run_scoped3A_19 = tpu.sem_alloc : memref<!tpu.dma_semaphore, #tpu.memory_space<semaphore_mem>>
      %dma_start3A_20 = arith.constant 0 : i32
      %dma_start3A_21 = tpu.memref_slice %arg5[%arg0, %min3A_3, %dma_start3A_20] : memref<2x10008x128xf32, #tpu.memory_space<hbm>> -> memref<1x640x128xf32, #tpu.memory_space<hbm>>
      %dma_start3A_22 = tpu.memref_squeeze %dma_start3A_21 : memref<1x640x128xf32, #tpu.memory_space<hbm>> -> memref<640x128xf32, #tpu.memory_space<hbm>>
      %dma_start3A_23 = arith.constant 0 : i32
      %dma_start3A_24 = tpu.memref_slice %arg12[%min3A_3, %dma_start3A_23] : memref<10008x128xf32, #tpu.memory_space<vmem_shared>> -> memref<640x128xf32, #tpu.memory_space<vmem_shared>>
      tpu.enqueue_dma source(%dma_start3A_24 : memref<640x128xf32, #tpu.memory_space<vmem_shared>>) target(%dma_start3A_22 : memref<640x128xf32, #tpu.memory_space<hbm>>) target_semaphore(%run_scoped3A_19 : memref<!tpu.dma_semaphore, #tpu.memory_space<semaphore_mem>>)
      %dma_wait3A_25 = arith.constant 0 : i32
      %dma_wait3A_26 = tpu.memref_slice %arg5[%arg0, %min3A_3, %dma_wait3A_25] : memref<2x10008x128xf32, #tpu.memory_space<hbm>> -> memref<1x640x128xf32, #tpu.memory_space<hbm>>
      %dma_wait3A_27 = tpu.memref_squeeze %dma_wait3A_26 : memref<1x640x128xf32, #tpu.memory_space<hbm>> -> memref<640x128xf32, #tpu.memory_space<hbm>>
      %dma_wait3A_28 = arith.constant 0 : i32
      %dma_wait3A_29 = tpu.memref_slice %arg12[%min3A_3, %dma_wait3A_28] : memref<10008x128xf32, #tpu.memory_space<vmem_shared>> -> memref<640x128xf32, #tpu.memory_space<vmem_shared>>
      tpu.wait_dma2 semaphore(%run_scoped3A_19 : memref<!tpu.dma_semaphore, #tpu.memory_space<semaphore_mem>>) src(%dma_wait3A_29 : memref<640x128xf32, #tpu.memory_space<vmem_shared>>) dst(%dma_wait3A_27 : memref<640x128xf32, #tpu.memory_space<hbm>>)
      tpu.yield
    }) : () -> ()
    return
  }
}

module attributes {stable_mosaic.version = 14 : i64} {
  func.func @_prep_body(%arg0: memref<2x10008x128xf32, #tpu.memory_space<vmem>>, %arg1: memref<10000x128xf32, #tpu.memory_space<vmem>>, %arg2: memref<128x128xf32, #tpu.memory_space<vmem>>, %arg3: memref<128x128xf32, #tpu.memory_space<vmem>>, %arg4: memref<10000x128xf32, #tpu.memory_space<vmem>>, %arg5: memref<10000x128xf32, #tpu.memory_space<vmem>>, %arg6: memref<10000x1xf32, #tpu.memory_space<vmem>>) attributes {dimension_semantics = [], scalar_prefetch = 0 : i64, scratch_operands = 0 : i64, tpu.core_type = #tpu.core_type<tc>} {
    %get3A = arith.constant 0 : index
    %get3A_0 = arith.constant 0 : index
    %get3A_1 = arith.constant 0 : index
    %get3A_2 = vector.load %arg0[%get3A, %get3A_0, %get3A_1] : memref<2x10008x128xf32, #tpu.memory_space<vmem>>, vector<1x10000x1xf32>
    %get3A_3 = vector.shape_cast %get3A_2 : vector<1x10000x1xf32> to vector<10000x1xf32>
    %get3A_4 = arith.constant 1 : index
    %get3A_5 = arith.constant 0 : index
    %get3A_6 = arith.constant 0 : index
    %get3A_7 = vector.load %arg0[%get3A_4, %get3A_5, %get3A_6] : memref<2x10008x128xf32, #tpu.memory_space<vmem>>, vector<1x10000x1xf32>
    %get3A_8 = vector.shape_cast %get3A_7 : vector<1x10000x1xf32> to vector<10000x1xf32>
    %add3A = arith.addf %get3A_3, %get3A_8 : vector<10000x1xf32>
    %sub3A = arith.constant 1.000000e+00 : f32
    %sub3A_9 = vector.broadcast %sub3A : f32 to vector<10000x1xf32>
    %sub3A_10 = arith.subf %add3A, %sub3A_9 : vector<10000x1xf32>
    %rsqrt3A = math.rsqrt %sub3A_10 : vector<10000x1xf32>
    %get3A_11 = arith.constant 0 : index
    %get3A_12 = arith.constant 0 : index
    %get3A_13 = vector.load %arg1[%get3A_11, %get3A_12] : memref<10000x128xf32, #tpu.memory_space<vmem>>, vector<10000x128xf32>
    %get3A_14 = arith.constant 0 : index
    %get3A_15 = arith.constant 0 : index
    %get3A_16 = vector.load %arg2[%get3A_14, %get3A_15] : memref<128x128xf32, #tpu.memory_space<vmem>>, vector<128x128xf32>
    %dot_general3A = arith.constant dense<0.000000e+00> : vector<10000x128xf32>
    %dot_general3A_17 = tpu.matmul %get3A_13, %get3A_16, %dot_general3A {dimension_numbers = #tpu.dot_dimension_numbers<[1], [0], [0], [1], [0, 0, 1, 1], [], []>, transpose_lhs_hint = false} : vector<10000x128xf32>, vector<128x128xf32>, vector<10000x128xf32> -> vector<10000x128xf32>
    %mul3A = vector.broadcast %rsqrt3A : vector<10000x1xf32> to vector<10000x128xf32>
    %mul3A_18 = arith.mulf %dot_general3A_17, %mul3A : vector<10000x128xf32>
    %swap3A = arith.constant 0 : index
    %swap3A_19 = arith.constant 0 : index
    %swap3A_20 = vector.load %arg4[%swap3A, %swap3A_19] : memref<10000x128xf32, #tpu.memory_space<vmem>>, vector<10000x128xf32>
    tpu.vector_store %arg4[%swap3A, %swap3A_19], %mul3A_18 {strides = array<i32>} : memref<10000x128xf32, #tpu.memory_space<vmem>>, vector<10000x128xf32>,
    %get3A_21 = arith.constant 0 : index
    %get3A_22 = arith.constant 0 : index
    %get3A_23 = vector.load %arg3[%get3A_21, %get3A_22] : memref<128x128xf32, #tpu.memory_space<vmem>>, vector<128x128xf32>
    %dot_general3A_24 = arith.constant dense<0.000000e+00> : vector<10000x128xf32>
    %dot_general3A_25 = tpu.matmul %get3A_13, %get3A_23, %dot_general3A_24 {dimension_numbers = #tpu.dot_dimension_numbers<[1], [0], [0], [1], [0, 0, 1, 1], [], []>, transpose_lhs_hint = false} : vector<10000x128xf32>, vector<128x128xf32>, vector<10000x128xf32> -> vector<10000x128xf32>
    %swap3A_26 = arith.constant 0 : index
    %swap3A_27 = arith.constant 0 : index
    %swap3A_28 = vector.load %arg5[%swap3A_26, %swap3A_27] : memref<10000x128xf32, #tpu.memory_space<vmem>>, vector<10000x128xf32>
    tpu.vector_store %arg5[%swap3A_26, %swap3A_27], %dot_general3A_25 {strides = array<i32>} : memref<10000x128xf32, #tpu.memory_space<vmem>>, vector<10000x128xf32>,
    %swap3A_29 = arith.constant 0 : index
    %swap3A_30 = arith.constant 0 : index
    %swap3A_31 = vector.load %arg6[%swap3A_29, %swap3A_30] : memref<10000x1xf32, #tpu.memory_space<vmem>>, vector<10000x1xf32>
    tpu.vector_store %arg6[%swap3A_29, %swap3A_30], %rsqrt3A {strides = array<i32>} : memref<10000x1xf32, #tpu.memory_space<vmem>>, vector<10000x1xf32>,
    return
  }
}

module attributes {stable_mosaic.version = 14 : i64} {
  func.func @_enc1_body(%arg0: memref<2x10008x128xf32, #tpu.memory_space<vmem>>, %arg1: memref<10000x128xf32, #tpu.memory_space<vmem>>, %arg2: memref<10000x1xf32, #tpu.memory_space<vmem>>, %arg3: memref<10000x128xf32, #tpu.memory_space<vmem>>, %arg4: memref<1x128xf32, #tpu.memory_space<vmem>>, %arg5: memref<1x128xf32, #tpu.memory_space<vmem>>, %arg6: memref<1x128xf32, #tpu.memory_space<vmem>>, %arg7: memref<128x128xf32, #tpu.memory_space<vmem>>, %arg8: memref<10000x128xf32, #tpu.memory_space<vmem>>, %arg9: memref<10000x128xf32, #tpu.memory_space<vmem>>) attributes {dimension_semantics = [], scalar_prefetch = 0 : i64, scratch_operands = 0 : i64, tpu.core_type = #tpu.core_type<tc>} {
    %get3A = arith.constant 0 : index
    %get3A_0 = arith.constant 0 : index
    %get3A_1 = arith.constant 0 : index
    %get3A_2 = vector.load %arg0[%get3A, %get3A_0, %get3A_1] : memref<2x10008x128xf32, #tpu.memory_space<vmem>>, vector<1x10000x128xf32>
    %get3A_3 = vector.shape_cast %get3A_2 : vector<1x10000x128xf32> to vector<10000x128xf32>
    %get3A_4 = arith.constant 1 : index
    %get3A_5 = arith.constant 0 : index
    %get3A_6 = arith.constant 0 : index
    %get3A_7 = vector.load %arg0[%get3A_4, %get3A_5, %get3A_6] : memref<2x10008x128xf32, #tpu.memory_space<vmem>>, vector<1x10000x128xf32>
    %get3A_8 = vector.shape_cast %get3A_7 : vector<1x10000x128xf32> to vector<10000x128xf32>
    %add3A = arith.addf %get3A_3, %get3A_8 : vector<10000x128xf32>
    %get3A_9 = arith.constant 0 : index
    %get3A_10 = arith.constant 0 : index
    %get3A_11 = vector.load %arg1[%get3A_9, %get3A_10] : memref<10000x128xf32, #tpu.memory_space<vmem>>, vector<10000x128xf32>
    %sub3A = arith.subf %add3A, %get3A_11 : vector<10000x128xf32>
    %get3A_12 = arith.constant 0 : index
    %get3A_13 = arith.constant 0 : index
    %get3A_14 = vector.load %arg2[%get3A_12, %get3A_13] : memref<10000x1xf32, #tpu.memory_space<vmem>>, vector<10000x1xf32>
    %mul3A = vector.broadcast %get3A_14 : vector<10000x1xf32> to vector<10000x128xf32>
    %mul3A_15 = arith.mulf %sub3A, %mul3A : vector<10000x128xf32>
    %get3A_16 = arith.constant 0 : index
    %get3A_17 = arith.constant 0 : index
    %get3A_18 = vector.load %arg4[%get3A_16, %get3A_17] : memref<1x128xf32, #tpu.memory_space<vmem>>, vector<1x128xf32>
    %add3A_19 = vector.broadcast %get3A_18 : vector<1x128xf32> to vector<10000x128xf32>
    %add3A_20 = arith.addf %mul3A_15, %add3A_19 : vector<10000x128xf32>
    %reduce_sum3A = arith.constant dense<0.000000e+00> : vector<128xf32>
    %reduce_sum3A_21 = vector.multi_reduction <add>, %add3A_20, %reduce_sum3A [0] : vector<10000x128xf32> to vector<128xf32>
    %broadcast_in_dim3A = vector.shape_cast %reduce_sum3A_21 : vector<128xf32> to vector<1x128xf32>
    %div3A = arith.constant 1.000000e+04 : f32
    %div3A_22 = vector.broadcast %div3A : f32 to vector<1x128xf32>
    %div3A_23 = arith.divf %broadcast_in_dim3A, %div3A_22 : vector<1x128xf32>
    %sub3A_24 = vector.broadcast %div3A_23 : vector<1x128xf32> to vector<10000x128xf32>
    %sub3A_25 = arith.subf %add3A_20, %sub3A_24 : vector<10000x128xf32>
    %integer_pow3A = arith.mulf %sub3A_25, %sub3A_25 : vector<10000x128xf32>
    %reduce_sum3A_26 = arith.constant dense<0.000000e+00> : vector<128xf32>
    %reduce_sum3A_27 = vector.multi_reduction <add>, %integer_pow3A, %reduce_sum3A_26 [0] : vector<10000x128xf32> to vector<128xf32>
    %broadcast_in_dim3A_28 = vector.shape_cast %reduce_sum3A_27 : vector<128xf32> to vector<1x128xf32>
    %div3A_29 = arith.constant 1.000000e+04 : f32
    %div3A_30 = vector.broadcast %div3A_29 : f32 to vector<1x128xf32>
    %div3A_31 = arith.divf %broadcast_in_dim3A_28, %div3A_30 : vector<1x128xf32>
    %get3A_32 = arith.constant 0 : index
    %get3A_33 = arith.constant 0 : index
    %get3A_34 = vector.load %arg5[%get3A_32, %get3A_33] : memref<1x128xf32, #tpu.memory_space<vmem>>, vector<1x128xf32>
    %sub3A_35 = vector.broadcast %div3A_23 : vector<1x128xf32> to vector<10000x128xf32>
    %sub3A_36 = arith.subf %add3A_20, %sub3A_35 : vector<10000x128xf32>
    %mul3A_37 = vector.broadcast %get3A_34 : vector<1x128xf32> to vector<10000x128xf32>
    %mul3A_38 = arith.mulf %mul3A_37, %sub3A_36 : vector<10000x128xf32>
    %add3A_39 = arith.constant 9.99999974E-6 : f32
    %add3A_40 = vector.broadcast %add3A_39 : f32 to vector<1x128xf32>
    %add3A_41 = arith.addf %div3A_31, %add3A_40 : vector<1x128xf32>
    %rsqrt3A = math.rsqrt %add3A_41 : vector<1x128xf32>
    %mul3A_42 = vector.broadcast %rsqrt3A : vector<1x128xf32> to vector<10000x128xf32>
    %mul3A_43 = arith.mulf %mul3A_38, %mul3A_42 : vector<10000x128xf32>
    %get3A_44 = arith.constant 0 : index
    %get3A_45 = arith.constant 0 : index
    %get3A_46 = vector.load %arg6[%get3A_44, %get3A_45] : memref<1x128xf32, #tpu.memory_space<vmem>>, vector<1x128xf32>
    %add3A_47 = vector.broadcast %get3A_46 : vector<1x128xf32> to vector<10000x128xf32>
    %add3A_48 = arith.addf %mul3A_43, %add3A_47 : vector<10000x128xf32>
    %max3A = arith.constant 0.000000e+00 : f32
    %max3A_49 = vector.broadcast %max3A : f32 to vector<10000x128xf32>
    %max3A_50 = arith.maximumf %add3A_48, %max3A_49 : vector<10000x128xf32>
    %get3A_51 = arith.constant 0 : index
    %get3A_52 = arith.constant 0 : index
    %get3A_53 = vector.load %arg3[%get3A_51, %get3A_52] : memref<10000x128xf32, #tpu.memory_space<vmem>>, vector<10000x128xf32>
    %add3A_54 = arith.addf %max3A_50, %get3A_53 : vector<10000x128xf32>
    %swap3A = arith.constant 0 : index
    %swap3A_55 = arith.constant 0 : index
    %swap3A_56 = vector.load %arg8[%swap3A, %swap3A_55] : memref<10000x128xf32, #tpu.memory_space<vmem>>, vector<10000x128xf32>
    tpu.vector_store %arg8[%swap3A, %swap3A_55], %add3A_54 {strides = array<i32>} : memref<10000x128xf32, #tpu.memory_space<vmem>>, vector<10000x128xf32>,
    %get3A_57 = arith.constant 0 : index
    %get3A_58 = arith.constant 0 : index
    %get3A_59 = vector.load %arg7[%get3A_57, %get3A_58] : memref<128x128xf32, #tpu.memory_space<vmem>>, vector<128x128xf32>
    %dot_general3A = arith.constant dense<0.000000e+00> : vector<10000x128xf32>
    %dot_general3A_60 = tpu.matmul %add3A_54, %get3A_59, %dot_general3A {dimension_numbers = #tpu.dot_dimension_numbers<[1], [0], [0], [1], [0, 0, 1, 1], [], []>, transpose_lhs_hint = false} : vector<10000x128xf32>, vector<128x128xf32>, vector<10000x128xf32> -> vector<10000x128xf32>
    %mul3A_61 = vector.broadcast %get3A_14 : vector<10000x1xf32> to vector<10000x128xf32>
    %mul3A_62 = arith.mulf %dot_general3A_60, %mul3A_61 : vector<10000x128xf32>
    %swap3A_63 = arith.constant 0 : index
    %swap3A_64 = arith.constant 0 : index
    %swap3A_65 = vector.load %arg9[%swap3A_63, %swap3A_64] : memref<10000x128xf32, #tpu.memory_space<vmem>>, vector<10000x128xf32>
    tpu.vector_store %arg9[%swap3A_63, %swap3A_64], %mul3A_62 {strides = array<i32>} : memref<10000x128xf32, #tpu.memory_space<vmem>>, vector<10000x128xf32>,
    return
  }
}

module attributes {stable_mosaic.version = 14 : i64} {
  func.func @_enc2_body(%arg0: memref<2x10008x128xf32, #tpu.memory_space<vmem>>, %arg1: memref<10000x128xf32, #tpu.memory_space<vmem>>, %arg2: memref<10000x1xf32, #tpu.memory_space<vmem>>, %arg3: memref<10000x128xf32, #tpu.memory_space<vmem>>, %arg4: memref<1x128xf32, #tpu.memory_space<vmem>>, %arg5: memref<1x128xf32, #tpu.memory_space<vmem>>, %arg6: memref<1x128xf32, #tpu.memory_space<vmem>>, %arg7: memref<10000x128xf32, #tpu.memory_space<vmem>>) attributes {dimension_semantics = [], scalar_prefetch = 0 : i64, scratch_operands = 0 : i64, tpu.core_type = #tpu.core_type<tc>} {
    %get3A = arith.constant 0 : index
    %get3A_0 = arith.constant 0 : index
    %get3A_1 = arith.constant 0 : index
    %get3A_2 = vector.load %arg0[%get3A, %get3A_0, %get3A_1] : memref<2x10008x128xf32, #tpu.memory_space<vmem>>, vector<1x10000x128xf32>
    %get3A_3 = vector.shape_cast %get3A_2 : vector<1x10000x128xf32> to vector<10000x128xf32>
    %get3A_4 = arith.constant 1 : index
    %get3A_5 = arith.constant 0 : index
    %get3A_6 = arith.constant 0 : index
    %get3A_7 = vector.load %arg0[%get3A_4, %get3A_5, %get3A_6] : memref<2x10008x128xf32, #tpu.memory_space<vmem>>, vector<1x10000x128xf32>
    %get3A_8 = vector.shape_cast %get3A_7 : vector<1x10000x128xf32> to vector<10000x128xf32>
    %add3A = arith.addf %get3A_3, %get3A_8 : vector<10000x128xf32>
    %get3A_9 = arith.constant 0 : index
    %get3A_10 = arith.constant 0 : index
    %get3A_11 = vector.load %arg1[%get3A_9, %get3A_10] : memref<10000x128xf32, #tpu.memory_space<vmem>>, vector<10000x128xf32>
    %sub3A = arith.subf %add3A, %get3A_11 : vector<10000x128xf32>
    %get3A_12 = arith.constant 0 : index
    %get3A_13 = arith.constant 0 : index
    %get3A_14 = vector.load %arg2[%get3A_12, %get3A_13] : memref<10000x1xf32, #tpu.memory_space<vmem>>, vector<10000x1xf32>
    %mul3A = vector.broadcast %get3A_14 : vector<10000x1xf32> to vector<10000x128xf32>
    %mul3A_15 = arith.mulf %sub3A, %mul3A : vector<10000x128xf32>
    %get3A_16 = arith.constant 0 : index
    %get3A_17 = arith.constant 0 : index
    %get3A_18 = vector.load %arg4[%get3A_16, %get3A_17] : memref<1x128xf32, #tpu.memory_space<vmem>>, vector<1x128xf32>
    %add3A_19 = vector.broadcast %get3A_18 : vector<1x128xf32> to vector<10000x128xf32>
    %add3A_20 = arith.addf %mul3A_15, %add3A_19 : vector<10000x128xf32>
    %reduce_sum3A = arith.constant dense<0.000000e+00> : vector<128xf32>
    %reduce_sum3A_21 = vector.multi_reduction <add>, %add3A_20, %reduce_sum3A [0] : vector<10000x128xf32> to vector<128xf32>
    %broadcast_in_dim3A = vector.shape_cast %reduce_sum3A_21 : vector<128xf32> to vector<1x128xf32>
    %div3A = arith.constant 1.000000e+04 : f32
    %div3A_22 = vector.broadcast %div3A : f32 to vector<1x128xf32>
    %div3A_23 = arith.divf %broadcast_in_dim3A, %div3A_22 : vector<1x128xf32>
    %sub3A_24 = vector.broadcast %div3A_23 : vector<1x128xf32> to vector<10000x128xf32>
    %sub3A_25 = arith.subf %add3A_20, %sub3A_24 : vector<10000x128xf32>
    %integer_pow3A = arith.mulf %sub3A_25, %sub3A_25 : vector<10000x128xf32>
    %reduce_sum3A_26 = arith.constant dense<0.000000e+00> : vector<128xf32>
    %reduce_sum3A_27 = vector.multi_reduction <add>, %integer_pow3A, %reduce_sum3A_26 [0] : vector<10000x128xf32> to vector<128xf32>
    %broadcast_in_dim3A_28 = vector.shape_cast %reduce_sum3A_27 : vector<128xf32> to vector<1x128xf32>
    %div3A_29 = arith.constant 1.000000e+04 : f32
    %div3A_30 = vector.broadcast %div3A_29 : f32 to vector<1x128xf32>
    %div3A_31 = arith.divf %broadcast_in_dim3A_28, %div3A_30 : vector<1x128xf32>
    %get3A_32 = arith.constant 0 : index
    %get3A_33 = arith.constant 0 : index
    %get3A_34 = vector.load %arg5[%get3A_32, %get3A_33] : memref<1x128xf32, #tpu.memory_space<vmem>>, vector<1x128xf32>
    %sub3A_35 = vector.broadcast %div3A_23 : vector<1x128xf32> to vector<10000x128xf32>
    %sub3A_36 = arith.subf %add3A_20, %sub3A_35 : vector<10000x128xf32>
    %mul3A_37 = vector.broadcast %get3A_34 : vector<1x128xf32> to vector<10000x128xf32>
    %mul3A_38 = arith.mulf %mul3A_37, %sub3A_36 : vector<10000x128xf32>
    %add3A_39 = arith.constant 9.99999974E-6 : f32
    %add3A_40 = vector.broadcast %add3A_39 : f32 to vector<1x128xf32>
    %add3A_41 = arith.addf %div3A_31, %add3A_40 : vector<1x128xf32>
    %rsqrt3A = math.rsqrt %add3A_41 : vector<1x128xf32>
    %mul3A_42 = vector.broadcast %rsqrt3A : vector<1x128xf32> to vector<10000x128xf32>
    %mul3A_43 = arith.mulf %mul3A_38, %mul3A_42 : vector<10000x128xf32>
    %get3A_44 = arith.constant 0 : index
    %get3A_45 = arith.constant 0 : index
    %get3A_46 = vector.load %arg6[%get3A_44, %get3A_45] : memref<1x128xf32, #tpu.memory_space<vmem>>, vector<1x128xf32>
    %add3A_47 = vector.broadcast %get3A_46 : vector<1x128xf32> to vector<10000x128xf32>
    %add3A_48 = arith.addf %mul3A_43, %add3A_47 : vector<10000x128xf32>
    %max3A = arith.constant 0.000000e+00 : f32
    %max3A_49 = vector.broadcast %max3A : f32 to vector<10000x128xf32>
    %max3A_50 = arith.maximumf %add3A_48, %max3A_49 : vector<10000x128xf32>
    %get3A_51 = arith.constant 0 : index
    %get3A_52 = arith.constant 0 : index
    %get3A_53 = vector.load %arg3[%get3A_51, %get3A_52] : memref<10000x128xf32, #tpu.memory_space<vmem>>, vector<10000x128xf32>
    %add3A_54 = arith.addf %max3A_50, %get3A_53 : vector<10000x128xf32>
    %swap3A = arith.constant 0 : index
    %swap3A_55 = arith.constant 0 : index
    %swap3A_56 = vector.load %arg7[%swap3A, %swap3A_55] : memref<10000x128xf32, #tpu.memory_space<vmem>>, vector<10000x128xf32>
    tpu.vector_store %arg7[%swap3A, %swap3A_55], %add3A_54 {strides = array<i32>} : memref<10000x128xf32, #tpu.memory_space<vmem>>, vector<10000x128xf32>,
    return
  }
}

module attributes {stable_mosaic.version = 14 : i64} {
  func.func @_dec1_body(%arg0: i32, %arg1: memref<3200x128xf32, #tpu.memory_space<vmem>>, %arg2: memref<3200x128xf32, #tpu.memory_space<vmem>>, %arg3: memref<4x128x256xbf16, #tpu.memory_space<vmem>>, %arg4: memref<1x256xf32, #tpu.memory_space<vmem>>, %arg5: memref<3200x256xbf16, #tpu.memory_space<vmem>>, %arg6: memref<8x256xf32, #tpu.memory_space<vmem>>) attributes {dimension_semantics = [#tpu.dimension_semantics<arbitrary>], iteration_bounds = array<i64: 100>, scalar_prefetch = 0 : i64, scratch_operands = 0 : i64, tpu.core_type = #tpu.core_type<tc>, window_params = [{transform_indices = @transform_0, window_bounds = array<i64: 3200, 128>}, {transform_indices = @transform_1, window_bounds = array<i64: 3200, 128>}, {pipeline_mode = #tpu.pipeline_mode<synchronous>, transform_indices = @transform_2, window_bounds = array<i64: 4, 128, 256>}, {pipeline_mode = #tpu.pipeline_mode<synchronous>, transform_indices = @transform_3, window_bounds = array<i64: 1, 256>}, {transform_indices = @transform_4, window_bounds = array<i64: 3200, 256>}, {pipeline_mode = #tpu.pipeline_mode<synchronous>, transform_indices = @transform_5, window_bounds = array<i64: 8, 256>}]} {
    %get3A = arith.constant 0 : index
    %get3A_0 = arith.constant 0 : index
    %get3A_1 = vector.load %arg1[%get3A, %get3A_0] : memref<3200x128xf32, #tpu.memory_space<vmem>>, vector<3200x128xf32>
    %get3A_2 = arith.constant 0 : index
    %get3A_3 = arith.constant 0 : index
    %get3A_4 = vector.load %arg2[%get3A_2, %get3A_3] : memref<3200x128xf32, #tpu.memory_space<vmem>>, vector<3200x128xf32>
    %convert_element_type3A = arith.truncf %get3A_1 : vector<3200x128xf32> to vector<3200x128xbf16>
    %get3A_5 = arith.constant 0 : index
    %get3A_6 = arith.constant 0 : index
    %get3A_7 = arith.constant 0 : index
    %get3A_8 = vector.load %arg3[%get3A_5, %get3A_6, %get3A_7] : memref<4x128x256xbf16, #tpu.memory_space<vmem>>, vector<1x128x256xbf16>
    %get3A_9 = vector.shape_cast %get3A_8 : vector<1x128x256xbf16> to vector<128x256xbf16>
    %dot_general3A = arith.constant dense<0.000000e+00> : vector<3200x256xf32>
    %dot_general3A_10 = tpu.matmul %convert_element_type3A, %get3A_9, %dot_general3A {dimension_numbers = #tpu.dot_dimension_numbers<[1], [0], [0], [1], [0, 0, 1, 1], [], []>, transpose_lhs_hint = false} : vector<3200x128xbf16>, vector<128x256xbf16>, vector<3200x256xf32> -> vector<3200x256xf32>
    %convert_element_type3A_11 = arith.truncf %get3A_4 : vector<3200x128xf32> to vector<3200x128xbf16>
    %get3A_12 = arith.constant 1 : index
    %get3A_13 = arith.constant 0 : index
    %get3A_14 = arith.constant 0 : index
    %get3A_15 = vector.load %arg3[%get3A_12, %get3A_13, %get3A_14] : memref<4x128x256xbf16, #tpu.memory_space<vmem>>, vector<1x128x256xbf16>
    %get3A_16 = vector.shape_cast %get3A_15 : vector<1x128x256xbf16> to vector<128x256xbf16>
    %dot_general3A_17 = arith.constant dense<0.000000e+00> : vector<3200x256xf32>
    %dot_general3A_18 = tpu.matmul %convert_element_type3A_11, %get3A_16, %dot_general3A_17 {dimension_numbers = #tpu.dot_dimension_numbers<[1], [0], [0], [1], [0, 0, 1, 1], [], []>, transpose_lhs_hint = false} : vector<3200x128xbf16>, vector<128x256xbf16>, vector<3200x256xf32> -> vector<3200x256xf32>
    %add3A = arith.addf %dot_general3A_10, %dot_general3A_18 : vector<3200x256xf32>
    %mul3A = arith.mulf %get3A_1, %get3A_4 : vector<3200x128xf32>
    %convert_element_type3A_19 = arith.truncf %mul3A : vector<3200x128xf32> to vector<3200x128xbf16>
    %get3A_20 = arith.constant 2 : index
    %get3A_21 = arith.constant 0 : index
    %get3A_22 = arith.constant 0 : index
    %get3A_23 = vector.load %arg3[%get3A_20, %get3A_21, %get3A_22] : memref<4x128x256xbf16, #tpu.memory_space<vmem>>, vector<1x128x256xbf16>
    %get3A_24 = vector.shape_cast %get3A_23 : vector<1x128x256xbf16> to vector<128x256xbf16>
    %dot_general3A_25 = arith.constant dense<0.000000e+00> : vector<3200x256xf32>
    %dot_general3A_26 = tpu.matmul %convert_element_type3A_19, %get3A_24, %dot_general3A_25 {dimension_numbers = #tpu.dot_dimension_numbers<[1], [0], [0], [1], [0, 0, 1, 1], [], []>, transpose_lhs_hint = false} : vector<3200x128xbf16>, vector<128x256xbf16>, vector<3200x256xf32> -> vector<3200x256xf32>
    %add3A_27 = arith.addf %add3A, %dot_general3A_26 : vector<3200x256xf32>
    %sub3A = arith.subf %get3A_1, %get3A_4 : vector<3200x128xf32>
    %abs3A = math.absf %sub3A : vector<3200x128xf32>
    %convert_element_type3A_28 = arith.truncf %abs3A : vector<3200x128xf32> to vector<3200x128xbf16>
    %get3A_29 = arith.constant 3 : index
    %get3A_30 = arith.constant 0 : index
    %get3A_31 = arith.constant 0 : index
    %get3A_32 = vector.load %arg3[%get3A_29, %get3A_30, %get3A_31] : memref<4x128x256xbf16, #tpu.memory_space<vmem>>, vector<1x128x256xbf16>
    %get3A_33 = vector.shape_cast %get3A_32 : vector<1x128x256xbf16> to vector<128x256xbf16>
    %dot_general3A_34 = arith.constant dense<0.000000e+00> : vector<3200x256xf32>
    %dot_general3A_35 = tpu.matmul %convert_element_type3A_28, %get3A_33, %dot_general3A_34 {dimension_numbers = #tpu.dot_dimension_numbers<[1], [0], [0], [1], [0, 0, 1, 1], [], []>, transpose_lhs_hint = false} : vector<3200x128xbf16>, vector<128x256xbf16>, vector<3200x256xf32> -> vector<3200x256xf32>
    %add3A_36 = arith.addf %add3A_27, %dot_general3A_35 : vector<3200x256xf32>
    %get3A_37 = arith.constant 0 : index
    %get3A_38 = arith.constant 0 : index
    %get3A_39 = vector.load %arg4[%get3A_37, %get3A_38] : memref<1x256xf32, #tpu.memory_space<vmem>>, vector<1x256xf32>
    %add3A_40 = vector.broadcast %get3A_39 : vector<1x256xf32> to vector<3200x256xf32>
    %add3A_41 = arith.addf %add3A_36, %add3A_40 : vector<3200x256xf32>
    %convert_element_type3A_42 = arith.truncf %add3A_41 : vector<3200x256xf32> to vector<3200x256xbf16>
    %swap3A = arith.constant 0 : index
    %swap3A_43 = arith.constant 0 : index
    %swap3A_44 = vector.load %arg5[%swap3A, %swap3A_43] : memref<3200x256xbf16, #tpu.memory_space<vmem>>, vector<3200x256xbf16>
    tpu.vector_store %arg5[%swap3A, %swap3A_43], %convert_element_type3A_42 {strides = array<i32>} : memref<3200x256xbf16, #tpu.memory_space<vmem>>, vector<3200x256xbf16>,
    %reduce_sum3A = arith.constant dense<0.000000e+00> : vector<256xf32>
    %reduce_sum3A_45 = vector.multi_reduction <add>, %add3A_41, %reduce_sum3A [0] : vector<3200x256xf32> to vector<256xf32>
    %broadcast_in_dim3A = vector.shape_cast %reduce_sum3A_45 : vector<256xf32> to vector<1x256xf32>
    %mul3A_46 = arith.mulf %add3A_41, %add3A_41 : vector<3200x256xf32>
    %reduce_sum3A_47 = arith.constant dense<0.000000e+00> : vector<256xf32>
    %reduce_sum3A_48 = vector.multi_reduction <add>, %mul3A_46, %reduce_sum3A_47 [0] : vector<3200x256xf32> to vector<256xf32>
    %broadcast_in_dim3A_49 = vector.shape_cast %reduce_sum3A_48 : vector<256xf32> to vector<1x256xf32>
    %broadcast_in_dim3A_50 = arith.constant 0.000000e+00 : f32
    %broadcast_in_dim3A_51 = vector.broadcast %broadcast_in_dim3A_50 : f32 to vector<6x256xf32>
    %concatenate3A = tpu.concatenate %broadcast_in_dim3A, %broadcast_in_dim3A_49, %broadcast_in_dim3A_51 in 0 : vector<1x256xf32>, vector<1x256xf32>, vector<6x256xf32> -> vector<8x256xf32>
    %eq3A = arith.constant 0 : i32
    %eq3A_52 = arith.cmpi eq, %arg0, %eq3A : i32
    %convert_element_type3A_53 = arith.extui %eq3A_52 : i1 to i32
    %cond3A = arith.constant 0 : i32
    %cond3A_54 = arith.cmpi ne, %convert_element_type3A_53, %cond3A : i32
    scf.if %cond3A_54 {
      %swap3A_59 = arith.constant 0 : index
      %swap3A_60 = arith.constant 0 : index
      %swap3A_61 = vector.load %arg6[%swap3A_59, %swap3A_60] : memref<8x256xf32, #tpu.memory_space<vmem>>, vector<8x256xf32>
      tpu.vector_store %arg6[%swap3A_59, %swap3A_60], %concatenate3A {strides = array<i32>} : memref<8x256xf32, #tpu.memory_space<vmem>>, vector<8x256xf32>,
    } else {
    }
    %gt3A = arith.constant 0 : i32
    %gt3A_55 = arith.cmpi sgt, %arg0, %gt3A : i32
    %convert_element_type3A_56 = arith.extui %gt3A_55 : i1 to i32
    %cond3A_57 = arith.constant 0 : i32
    %cond3A_58 = arith.cmpi ne, %convert_element_type3A_56, %cond3A_57 : i32
    scf.if %cond3A_58 {
      %get3A_59 = arith.constant 0 : index
      %get3A_60 = arith.constant 0 : index
      %get3A_61 = vector.load %arg6[%get3A_59, %get3A_60] : memref<8x256xf32, #tpu.memory_space<vmem>>, vector<8x256xf32>
      %add3A_62 = arith.addf %get3A_61, %concatenate3A : vector<8x256xf32>
      %swap3A_63 = arith.constant 0 : index
      %swap3A_64 = arith.constant 0 : index
      %swap3A_65 = vector.load %arg6[%swap3A_63, %swap3A_64] : memref<8x256xf32, #tpu.memory_space<vmem>>, vector<8x256xf32>
      tpu.vector_store %arg6[%swap3A_63, %swap3A_64], %add3A_62 {strides = array<i32>} : memref<8x256xf32, #tpu.memory_space<vmem>>, vector<8x256xf32>,
    } else {
    }
    return
  }
  func.func @transform_0(%arg0: i32) -> (i32, i32) {
    %c0_i32 = arith.constant 0 : i32
    %c0_i32_0 = arith.constant 0 : i32
    return %arg0, %c0_i32 : i32, i32
  }
  func.func @transform_1(%arg0: i32) -> (i32, i32) {
    %c0_i32 = arith.constant 0 : i32
    %c0_i32_0 = arith.constant 0 : i32
    return %arg0, %c0_i32 : i32, i32
  }
  func.func @transform_2(%arg0: i32) -> (i32, i32, i32) {
    %c0_i32 = arith.constant 0 : i32
    %c0_i32_0 = arith.constant 0 : i32
    %c0_i32_1 = arith.constant 0 : i32
    %c0_i32_2 = arith.constant 0 : i32
    return %c0_i32, %c0_i32_0, %c0_i32_1 : i32, i32, i32
  }
  func.func @transform_3(%arg0: i32) -> (i32, i32) {
    %c0_i32 = arith.constant 0 : i32
    %c0_i32_0 = arith.constant 0 : i32
    %c0_i32_1 = arith.constant 0 : i32
    return %c0_i32, %c0_i32_0 : i32, i32
  }
  func.func @transform_4(%arg0: i32) -> (i32, i32) {
    %c0_i32 = arith.constant 0 : i32
    %c0_i32_0 = arith.constant 0 : i32
    return %arg0, %c0_i32 : i32, i32
  }
  func.func @transform_5(%arg0: i32) -> (i32, i32) {
    %c0_i32 = arith.constant 0 : i32
    %c0_i32_0 = arith.constant 0 : i32
    %c0_i32_1 = arith.constant 0 : i32
    return %c0_i32, %c0_i32_0 : i32, i32
  }
}

module attributes {stable_mosaic.version = 14 : i64} {
  func.func @_dec2_body(%arg0: i32, %arg1: memref<3200x256xbf16, #tpu.memory_space<vmem>>, %arg2: memref<8x256xf32, #tpu.memory_space<vmem>>, %arg3: memref<1x256xf32, #tpu.memory_space<vmem>>, %arg4: memref<1x256xf32, #tpu.memory_space<vmem>>, %arg5: memref<256x128xbf16, #tpu.memory_space<vmem>>, %arg6: memref<1x128xf32, #tpu.memory_space<vmem>>, %arg7: memref<3200x128xbf16, #tpu.memory_space<vmem>>, %arg8: memref<8x128xf32, #tpu.memory_space<vmem>>) attributes {dimension_semantics = [#tpu.dimension_semantics<arbitrary>], iteration_bounds = array<i64: 100>, scalar_prefetch = 0 : i64, scratch_operands = 0 : i64, tpu.core_type = #tpu.core_type<tc>, window_params = [{transform_indices = @transform_0, window_bounds = array<i64: 3200, 256>}, {pipeline_mode = #tpu.pipeline_mode<synchronous>, transform_indices = @transform_1, window_bounds = array<i64: 8, 256>}, {pipeline_mode = #tpu.pipeline_mode<synchronous>, transform_indices = @transform_2, window_bounds = array<i64: 1, 256>}, {pipeline_mode = #tpu.pipeline_mode<synchronous>, transform_indices = @transform_3, window_bounds = array<i64: 1, 256>}, {pipeline_mode = #tpu.pipeline_mode<synchronous>, transform_indices = @transform_4, window_bounds = array<i64: 256, 128>}, {pipeline_mode = #tpu.pipeline_mode<synchronous>, transform_indices = @transform_5, window_bounds = array<i64: 1, 128>}, {transform_indices = @transform_6, window_bounds = array<i64: 3200, 128>}, {pipeline_mode = #tpu.pipeline_mode<synchronous>, transform_indices = @transform_7, window_bounds = array<i64: 8, 128>}]} {
    %get3A = arith.constant 0 : index
    %get3A_0 = arith.constant 0 : index
    %get3A_1 = vector.load %arg2[%get3A, %get3A_0] : memref<8x256xf32, #tpu.memory_space<vmem>>, vector<1x256xf32>
    %mul3A = arith.constant 3.125000e-06 : f32
    %mul3A_2 = vector.broadcast %mul3A : f32 to vector<1x256xf32>
    %mul3A_3 = arith.mulf %get3A_1, %mul3A_2 : vector<1x256xf32>
    %get3A_4 = arith.constant 1 : index
    %get3A_5 = arith.constant 0 : index
    %get3A_6 = vector.load %arg2[%get3A_4, %get3A_5] : memref<8x256xf32, #tpu.memory_space<vmem>>, vector<1x256xf32>
    %mul3A_7 = arith.constant 3.125000e-06 : f32
    %mul3A_8 = vector.broadcast %mul3A_7 : f32 to vector<1x256xf32>
    %mul3A_9 = arith.mulf %get3A_6, %mul3A_8 : vector<1x256xf32>
    %mul3A_10 = arith.mulf %mul3A_3, %mul3A_3 : vector<1x256xf32>
    %sub3A = arith.subf %mul3A_9, %mul3A_10 : vector<1x256xf32>
    %get3A_11 = arith.constant 0 : index
    %get3A_12 = arith.constant 0 : index
    %get3A_13 = vector.load %arg3[%get3A_11, %get3A_12] : memref<1x256xf32, #tpu.memory_space<vmem>>, vector<1x256xf32>
    %add3A = arith.constant 9.99999974E-6 : f32
    %add3A_14 = vector.broadcast %add3A : f32 to vector<1x256xf32>
    %add3A_15 = arith.addf %sub3A, %add3A_14 : vector<1x256xf32>
    %rsqrt3A = math.rsqrt %add3A_15 : vector<1x256xf32>
    %mul3A_16 = arith.mulf %get3A_13, %rsqrt3A : vector<1x256xf32>
    %get3A_17 = arith.constant 0 : index
    %get3A_18 = arith.constant 0 : index
    %get3A_19 = vector.load %arg1[%get3A_17, %get3A_18] : memref<3200x256xbf16, #tpu.memory_space<vmem>>, vector<3200x256xbf16>
    %convert_element_type3A = arith.extf %get3A_19 : vector<3200x256xbf16> to vector<3200x256xf32>
    %sub3A_20 = vector.broadcast %mul3A_3 : vector<1x256xf32> to vector<3200x256xf32>
    %sub3A_21 = arith.subf %convert_element_type3A, %sub3A_20 : vector<3200x256xf32>
    %mul3A_22 = vector.broadcast %mul3A_16 : vector<1x256xf32> to vector<3200x256xf32>
    %mul3A_23 = arith.mulf %mul3A_22, %sub3A_21 : vector<3200x256xf32>
    %get3A_24 = arith.constant 0 : index
    %get3A_25 = arith.constant 0 : index
    %get3A_26 = vector.load %arg4[%get3A_24, %get3A_25] : memref<1x256xf32, #tpu.memory_space<vmem>>, vector<1x256xf32>
    %add3A_27 = vector.broadcast %get3A_26 : vector<1x256xf32> to vector<3200x256xf32>
    %add3A_28 = arith.addf %mul3A_23, %add3A_27 : vector<3200x256xf32>
    %max3A = arith.constant 0.000000e+00 : f32
    %max3A_29 = vector.broadcast %max3A : f32 to vector<3200x256xf32>
    %max3A_30 = arith.maximumf %add3A_28, %max3A_29 : vector<3200x256xf32>
    %convert_element_type3A_31 = arith.truncf %max3A_30 : vector<3200x256xf32> to vector<3200x256xbf16>
    %get3A_32 = arith.constant 0 : index
    %get3A_33 = arith.constant 0 : index
    %get3A_34 = vector.load %arg5[%get3A_32, %get3A_33] : memref<256x128xbf16, #tpu.memory_space<vmem>>, vector<256x128xbf16>
    %dot_general3A = arith.constant dense<0.000000e+00> : vector<3200x128xf32>
    %dot_general3A_35 = tpu.matmul %convert_element_type3A_31, %get3A_34, %dot_general3A {dimension_numbers = #tpu.dot_dimension_numbers<[1], [0], [0], [1], [0, 0, 1, 1], [], []>, transpose_lhs_hint = false} : vector<3200x256xbf16>, vector<256x128xbf16>, vector<3200x128xf32> -> vector<3200x128xf32>
    %get3A_36 = arith.constant 0 : index
    %get3A_37 = arith.constant 0 : index
    %get3A_38 = vector.load %arg6[%get3A_36, %get3A_37] : memref<1x128xf32, #tpu.memory_space<vmem>>, vector<1x128xf32>
    %add3A_39 = vector.broadcast %get3A_38 : vector<1x128xf32> to vector<3200x128xf32>
    %add3A_40 = arith.addf %dot_general3A_35, %add3A_39 : vector<3200x128xf32>
    %convert_element_type3A_41 = arith.truncf %add3A_40 : vector<3200x128xf32> to vector<3200x128xbf16>
    %swap3A = arith.constant 0 : index
    %swap3A_42 = arith.constant 0 : index
    %swap3A_43 = vector.load %arg7[%swap3A, %swap3A_42] : memref<3200x128xbf16, #tpu.memory_space<vmem>>, vector<3200x128xbf16>
    tpu.vector_store %arg7[%swap3A, %swap3A_42], %convert_element_type3A_41 {strides = array<i32>} : memref<3200x128xbf16, #tpu.memory_space<vmem>>, vector<3200x128xbf16>,
    %reduce_sum3A = arith.constant dense<0.000000e+00> : vector<128xf32>
    %reduce_sum3A_44 = vector.multi_reduction <add>, %add3A_40, %reduce_sum3A [0] : vector<3200x128xf32> to vector<128xf32>
    %broadcast_in_dim3A = vector.shape_cast %reduce_sum3A_44 : vector<128xf32> to vector<1x128xf32>
    %mul3A_45 = arith.mulf %add3A_40, %add3A_40 : vector<3200x128xf32>
    %reduce_sum3A_46 = arith.constant dense<0.000000e+00> : vector<128xf32>
    %reduce_sum3A_47 = vector.multi_reduction <add>, %mul3A_45, %reduce_sum3A_46 [0] : vector<3200x128xf32> to vector<128xf32>
    %broadcast_in_dim3A_48 = vector.shape_cast %reduce_sum3A_47 : vector<128xf32> to vector<1x128xf32>
    %broadcast_in_dim3A_49 = arith.constant 0.000000e+00 : f32
    %broadcast_in_dim3A_50 = vector.broadcast %broadcast_in_dim3A_49 : f32 to vector<6x128xf32>
    %concatenate3A = tpu.concatenate %broadcast_in_dim3A, %broadcast_in_dim3A_48, %broadcast_in_dim3A_50 in 0 : vector<1x128xf32>, vector<1x128xf32>, vector<6x128xf32> -> vector<8x128xf32>
    %eq3A = arith.constant 0 : i32
    %eq3A_51 = arith.cmpi eq, %arg0, %eq3A : i32
    %convert_element_type3A_52 = arith.extui %eq3A_51 : i1 to i32
    %cond3A = arith.constant 0 : i32
    %cond3A_53 = arith.cmpi ne, %convert_element_type3A_52, %cond3A : i32
    scf.if %cond3A_53 {
      %swap3A_58 = arith.constant 0 : index
      %swap3A_59 = arith.constant 0 : index
      %swap3A_60 = vector.load %arg8[%swap3A_58, %swap3A_59] : memref<8x128xf32, #tpu.memory_space<vmem>>, vector<8x128xf32>
      tpu.vector_store %arg8[%swap3A_58, %swap3A_59], %concatenate3A {strides = array<i32>} : memref<8x128xf32, #tpu.memory_space<vmem>>, vector<8x128xf32>,
    } else {
    }
    %gt3A = arith.constant 0 : i32
    %gt3A_54 = arith.cmpi sgt, %arg0, %gt3A : i32
    %convert_element_type3A_55 = arith.extui %gt3A_54 : i1 to i32
    %cond3A_56 = arith.constant 0 : i32
    %cond3A_57 = arith.cmpi ne, %convert_element_type3A_55, %cond3A_56 : i32
    scf.if %cond3A_57 {
      %get3A_58 = arith.constant 0 : index
      %get3A_59 = arith.constant 0 : index
      %get3A_60 = vector.load %arg8[%get3A_58, %get3A_59] : memref<8x128xf32, #tpu.memory_space<vmem>>, vector<8x128xf32>
      %add3A_61 = arith.addf %get3A_60, %concatenate3A : vector<8x128xf32>
      %swap3A_62 = arith.constant 0 : index
      %swap3A_63 = arith.constant 0 : index
      %swap3A_64 = vector.load %arg8[%swap3A_62, %swap3A_63] : memref<8x128xf32, #tpu.memory_space<vmem>>, vector<8x128xf32>
      tpu.vector_store %arg8[%swap3A_62, %swap3A_63], %add3A_61 {strides = array<i32>} : memref<8x128xf32, #tpu.memory_space<vmem>>, vector<8x128xf32>,
    } else {
    }
    return
  }
  func.func @transform_0(%arg0: i32) -> (i32, i32) {
    %c0_i32 = arith.constant 0 : i32
    %c0_i32_0 = arith.constant 0 : i32
    return %arg0, %c0_i32 : i32, i32
  }
  func.func @transform_1(%arg0: i32) -> (i32, i32) {
    %c0_i32 = arith.constant 0 : i32
    %c0_i32_0 = arith.constant 0 : i32
    %c0_i32_1 = arith.constant 0 : i32
    return %c0_i32, %c0_i32_0 : i32, i32
  }
  func.func @transform_2(%arg0: i32) -> (i32, i32) {
    %c0_i32 = arith.constant 0 : i32
    %c0_i32_0 = arith.constant 0 : i32
    %c0_i32_1 = arith.constant 0 : i32
    return %c0_i32, %c0_i32_0 : i32, i32
  }
  func.func @transform_3(%arg0: i32) -> (i32, i32) {
    %c0_i32 = arith.constant 0 : i32
    %c0_i32_0 = arith.constant 0 : i32
    %c0_i32_1 = arith.constant 0 : i32
    return %c0_i32, %c0_i32_0 : i32, i32
  }
  func.func @transform_4(%arg0: i32) -> (i32, i32) {
    %c0_i32 = arith.constant 0 : i32
    %c0_i32_0 = arith.constant 0 : i32
    %c0_i32_1 = arith.constant 0 : i32
    return %c0_i32, %c0_i32_0 : i32, i32
  }
  func.func @transform_5(%arg0: i32) -> (i32, i32) {
    %c0_i32 = arith.constant 0 : i32
    %c0_i32_0 = arith.constant 0 : i32
    %c0_i32_1 = arith.constant 0 : i32
    return %c0_i32, %c0_i32_0 : i32, i32
  }
  func.func @transform_6(%arg0: i32) -> (i32, i32) {
    %c0_i32 = arith.constant 0 : i32
    %c0_i32_0 = arith.constant 0 : i32
    return %arg0, %c0_i32 : i32, i32
  }
  func.func @transform_7(%arg0: i32) -> (i32, i32) {
    %c0_i32 = arith.constant 0 : i32
    %c0_i32_0 = arith.constant 0 : i32
    %c0_i32_1 = arith.constant 0 : i32
    return %c0_i32, %c0_i32_0 : i32, i32
  }
}

module attributes {stable_mosaic.version = 14 : i64} {
  func.func @_dec3_body(%arg0: i32, %arg1: memref<3200x128xbf16, #tpu.memory_space<vmem>>, %arg2: memref<8x128xf32, #tpu.memory_space<vmem>>, %arg3: memref<1x128xf32, #tpu.memory_space<vmem>>, %arg4: memref<1x128xf32, #tpu.memory_space<vmem>>, %arg5: memref<1x128xf32, #tpu.memory_space<vmem>>, %arg6: memref<1x1xf32, #tpu.memory_space<vmem>>, %arg7: memref<8x400xf32, #tpu.memory_space<vmem>>) attributes {dimension_semantics = [#tpu.dimension_semantics<arbitrary>], iteration_bounds = array<i64: 100>, scalar_prefetch = 0 : i64, scratch_operands = 0 : i64, tpu.core_type = #tpu.core_type<tc>, window_params = [{transform_indices = @transform_0, window_bounds = array<i64: 3200, 128>}, {pipeline_mode = #tpu.pipeline_mode<synchronous>, transform_indices = @transform_1, window_bounds = array<i64: 8, 128>}, {pipeline_mode = #tpu.pipeline_mode<synchronous>, transform_indices = @transform_2, window_bounds = array<i64: 1, 128>}, {pipeline_mode = #tpu.pipeline_mode<synchronous>, transform_indices = @transform_3, window_bounds = array<i64: 1, 128>}, {pipeline_mode = #tpu.pipeline_mode<synchronous>, transform_indices = @transform_4, window_bounds = array<i64: 1, 128>}, {pipeline_mode = #tpu.pipeline_mode<synchronous>, transform_indices = @transform_5, window_bounds = array<i64: 1, 1>}, {transform_indices = @transform_6, window_bounds = array<i64: 8, 400>}]} {
    %get3A = arith.constant 0 : index
    %get3A_0 = arith.constant 0 : index
    %get3A_1 = vector.load %arg2[%get3A, %get3A_0] : memref<8x128xf32, #tpu.memory_space<vmem>>, vector<1x128xf32>
    %mul3A = arith.constant 3.125000e-06 : f32
    %mul3A_2 = vector.broadcast %mul3A : f32 to vector<1x128xf32>
    %mul3A_3 = arith.mulf %get3A_1, %mul3A_2 : vector<1x128xf32>
    %get3A_4 = arith.constant 1 : index
    %get3A_5 = arith.constant 0 : index
    %get3A_6 = vector.load %arg2[%get3A_4, %get3A_5] : memref<8x128xf32, #tpu.memory_space<vmem>>, vector<1x128xf32>
    %mul3A_7 = arith.constant 3.125000e-06 : f32
    %mul3A_8 = vector.broadcast %mul3A_7 : f32 to vector<1x128xf32>
    %mul3A_9 = arith.mulf %get3A_6, %mul3A_8 : vector<1x128xf32>
    %mul3A_10 = arith.mulf %mul3A_3, %mul3A_3 : vector<1x128xf32>
    %sub3A = arith.subf %mul3A_9, %mul3A_10 : vector<1x128xf32>
    %get3A_11 = arith.constant 0 : index
    %get3A_12 = arith.constant 0 : index
    %get3A_13 = vector.load %arg3[%get3A_11, %get3A_12] : memref<1x128xf32, #tpu.memory_space<vmem>>, vector<1x128xf32>
    %add3A = arith.constant 9.99999974E-6 : f32
    %add3A_14 = vector.broadcast %add3A : f32 to vector<1x128xf32>
    %add3A_15 = arith.addf %sub3A, %add3A_14 : vector<1x128xf32>
    %rsqrt3A = math.rsqrt %add3A_15 : vector<1x128xf32>
    %mul3A_16 = arith.mulf %get3A_13, %rsqrt3A : vector<1x128xf32>
    %get3A_17 = arith.constant 0 : index
    %get3A_18 = arith.constant 0 : index
    %get3A_19 = vector.load %arg1[%get3A_17, %get3A_18] : memref<3200x128xbf16, #tpu.memory_space<vmem>>, vector<3200x128xbf16>
    %convert_element_type3A = arith.extf %get3A_19 : vector<3200x128xbf16> to vector<3200x128xf32>
    %sub3A_20 = vector.broadcast %mul3A_3 : vector<1x128xf32> to vector<3200x128xf32>
    %sub3A_21 = arith.subf %convert_element_type3A, %sub3A_20 : vector<3200x128xf32>
    %mul3A_22 = vector.broadcast %mul3A_16 : vector<1x128xf32> to vector<3200x128xf32>
    %mul3A_23 = arith.mulf %mul3A_22, %sub3A_21 : vector<3200x128xf32>
    %get3A_24 = arith.constant 0 : index
    %get3A_25 = arith.constant 0 : index
    %get3A_26 = vector.load %arg4[%get3A_24, %get3A_25] : memref<1x128xf32, #tpu.memory_space<vmem>>, vector<1x128xf32>
    %add3A_27 = vector.broadcast %get3A_26 : vector<1x128xf32> to vector<3200x128xf32>
    %add3A_28 = arith.addf %mul3A_23, %add3A_27 : vector<3200x128xf32>
    %max3A = arith.constant 0.000000e+00 : f32
    %max3A_29 = vector.broadcast %max3A : f32 to vector<3200x128xf32>
    %max3A_30 = arith.maximumf %add3A_28, %max3A_29 : vector<3200x128xf32>
    %get3A_31 = arith.constant 0 : index
    %get3A_32 = arith.constant 0 : index
    %get3A_33 = vector.load %arg5[%get3A_31, %get3A_32] : memref<1x128xf32, #tpu.memory_space<vmem>>, vector<1x128xf32>
    %mul3A_34 = vector.broadcast %get3A_33 : vector<1x128xf32> to vector<3200x128xf32>
    %mul3A_35 = arith.mulf %max3A_30, %mul3A_34 : vector<3200x128xf32>
    %reduce_sum3A = arith.constant dense<0.000000e+00> : vector<3200xf32>
    %reduce_sum3A_36 = vector.multi_reduction <add>, %mul3A_35, %reduce_sum3A [1] : vector<3200x128xf32> to vector<3200xf32>
    %get3A_37 = arith.constant 0 : index
    %get3A_38 = arith.constant 0 : index
    %get3A_39 = vector.load %arg6[%get3A_37, %get3A_38] : memref<1x1xf32, #tpu.memory_space<vmem>>, vector<1x1xf32>
    %get3A_40 = vector.extract %get3A_39[0, 0] : f32 from vector<1x1xf32>
    %add3A_41 = vector.broadcast %get3A_40 : f32 to vector<3200xf32>
    %add3A_42 = arith.addf %reduce_sum3A_36, %add3A_41 : vector<3200xf32>
    %reshape3A = vector.shape_cast %add3A_42 : vector<3200xf32> to vector<8x400xf32>
    %swap3A = arith.constant 0 : index
    %swap3A_43 = arith.constant 0 : index
    %swap3A_44 = vector.load %arg7[%swap3A, %swap3A_43] : memref<8x400xf32, #tpu.memory_space<vmem>>, vector<8x400xf32>
    tpu.vector_store %arg7[%swap3A, %swap3A_43], %reshape3A {strides = array<i32>} : memref<8x400xf32, #tpu.memory_space<vmem>>, vector<8x400xf32>,
    return
  }
  func.func @transform_0(%arg0: i32) -> (i32, i32) {
    %c0_i32 = arith.constant 0 : i32
    %c0_i32_0 = arith.constant 0 : i32
    return %arg0, %c0_i32 : i32, i32
  }
  func.func @transform_1(%arg0: i32) -> (i32, i32) {
    %c0_i32 = arith.constant 0 : i32
    %c0_i32_0 = arith.constant 0 : i32
    %c0_i32_1 = arith.constant 0 : i32
    return %c0_i32, %c0_i32_0 : i32, i32
  }
  func.func @transform_2(%arg0: i32) -> (i32, i32) {
    %c0_i32 = arith.constant 0 : i32
    %c0_i32_0 = arith.constant 0 : i32
    %c0_i32_1 = arith.constant 0 : i32
    return %c0_i32, %c0_i32_0 : i32, i32
  }
  func.func @transform_3(%arg0: i32) -> (i32, i32) {
    %c0_i32 = arith.constant 0 : i32
    %c0_i32_0 = arith.constant 0 : i32
    %c0_i32_1 = arith.constant 0 : i32
    return %c0_i32, %c0_i32_0 : i32, i32
  }
  func.func @transform_4(%arg0: i32) -> (i32, i32) {
    %c0_i32 = arith.constant 0 : i32
    %c0_i32_0 = arith.constant 0 : i32
    %c0_i32_1 = arith.constant 0 : i32
    return %c0_i32, %c0_i32_0 : i32, i32
  }
  func.func @transform_5(%arg0: i32) -> (i32, i32) {
    %c0_i32 = arith.constant 0 : i32
    %c0_i32_0 = arith.constant 0 : i32
    %c0_i32_1 = arith.constant 0 : i32
    return %c0_i32, %c0_i32_0 : i32, i32
  }
  func.func @transform_6(%arg0: i32) -> (i32, i32) {
    %c0_i32 = arith.constant 0 : i32
    %c0_i32_0 = arith.constant 0 : i32
    return %arg0, %c0_i32 : i32, i32
  }
}

</mosaic_0001>

<sc_bundles>
// kernel: kernel.12.cloned.1.call-start
scs
__scs_entry_jumppad:
0x0: {  	(pc) =	sbr.rel $0x88, $3  }
0x1: {  	(tag) =	ssettag $0x0;
	lr =	simm.s32 $0x1  }
0x2: {  	[smem:$0x3F8B] =	sst lr;
	_ =	strace $0xD0000000  }
0x3: {  	_ = 	snop  }
0x4: {  	_ = 	snop  }
0x5: {  	_ = 	snop  }
0x6: {  	_ = 	snop  }
0x7: {  	_ = 	snop  }
__scs_overlays_trampoline_lowered:
0x8: {  	[smem:$0x3F9A] =	sst s0  }
0x9: {  	[smem:$0x3F9B] =	sst s1  }
0xa: {  	[smem:$0x3F9C] =	sst s2  }
0xb: {  	[smem:$0x3F9D] =	sst s3  }
0xc: {  	[smem:$0x3F9E] =	sst s4  }
0xd: {  	[smem:$0x3F9F] =	sst s5  }
0xe: {  	[smem:$0x3FA0] =	sst s6  }
0xf: {  	[smem:$0x3FA1] =	sst s7  }
0x10: {  	[smem:$0x3FA2] =	sst s8  }
0x11: {  	[smem:$0x3FA3] =	sst s9;
	s0 =	simm.s32 @!p0 $0x0  }
0x12: {  	s1 =	sld [smem:$0x3F89];
	s0 =	simm.s32 @p0 $0x1  }
0x13: {  	[smem:$0x3FA4] =	sst s0;
	s0 =	simm.s32 @!p1 $0x0  }
0x14: {  	s2 =	sld [smem:$0x3F88];
	s0 =	simm.s32 @p1 $0x1  }
0x15: {  	[smem:$0x3FA5] =	sst s0;
	s0 =	simm.s32 @!p2 $0x0  }
0x16: {  	s3 =	sld [smem:$0x3FDB];
	s0 =	simm.s32 @p2 $0x1  }
0x17: {  	s4 =	simm.s32 $0x1BF5;
	[smem:$0x3FA7] =	sst s0  }
0x18: {  	s0 =	sld [smem:$0x3F8A];
	_ =	swait.ge [sflag:s4], $0x0  }
0x19: {  	s7 =	sld [smem:$0x3F8B]  }
0x1a: {  	s8 =	sadd.s32 $0xFFFFE003, lr  }
0x1b: {  	s9 =	sadd.s32 $0xFFFFFEF7, lr;
	s5 =	simm.s32 $0xFFFFFFFF;
	p2 =	slt.u32 s8, $0xFFFFF086  }
0x1c: {  	p1 =	slt.u32 s9, $0xF7A;
	s5 =	simm.s32 @!p2 $0x0  }
0x1d: {  	s5 =	simm.s32 @p1 $0x1;
	p0 =	seq.s32 s7, s2  }
0x1e: {  	s7 =	smul.u32 @!p0 $0xF7A, s2;
	p2 =	seq.s32 @!p0 s5, $0x0  }
0x1f: {  	s9 =	smul.u32 $0xF7A, s1;
	s8 =	simm.s32 @!p0 $0x1BF5;
	p2 =	por !p2, p0  }
0x20: {  	[sflag:s8] =	ssyncset.s32 @!p0 $0xFFFFF086;
	s6 =	sadd.s32 @!p0 s3, s7;
	s7 =	simm.s32 @!p0 $0x108  }
0x21: {  	s3 =	sadd.s32 s3, s9;
	s6 =	sadd.s32 @!p0 $0x88, s6;
	s7 =	simm.s32 @p2 $0x1082  }
0x22: {  	[simem:s7], [sflag:s8] =	dma.local @!p0 [hbm:s6], $0xF7A  }
0x23: {  	s9 =	sor.u32 $0xD0000000, s2;
	s6 =	simm.s32 $0x108;
	_ =	swait.ge @!p0 [sflag:s8], $0x0  }
0x24: {  	s3 =	sadd.s32 $0x88, s3;
	s6 =	simm.s32 @!p1 $0x1082;
	[sflag:s4] =	ssyncset.s32 $0xFFFFF086  }
0x25: {  	[simem:s6], [sflag:s4] =	dma.local [hbm:s3], $0xF7A  }
0x26: {  	[smem:$0x3F8B] =	sst s1;
	(tag) =	ssettag s2;
	_ =	strace s9  }
0x27: {  	s1 =	sld [smem:$0x3F9B]  }
0x28: {  	s2 =	sld [smem:$0x3F9C]  }
0x29: {  	s4 =	sld [smem:$0x3F9E]  }
0x2a: {  	p0 =	seq.s32 s5, $0x0;
	s5 =	sld [smem:$0x3F9F]  }
0x2b: {  	s6 =	sld [smem:$0x3FA0]  }
0x2c: {  	s7 =	sld [smem:$0x3FA1]  }
0x2d: {  	s3 =	simm.s32 $0x108;
	s8 =	sld [smem:$0x3FA2]  }
0x2e: {  	s3 =	simm.s32 @!p0 $0x1082;
	s9 =	sld [smem:$0x3FA3]  }
0x2f: {  	lr =	sadd.s32 s0, s3;
	s0 =	sld [smem:$0x3F9A]  }
0x30: {  	s3 =	sld [smem:$0x3F9D]  }
0x31: {  	[smem:$0x3FA6] =	sst s10  }
0x32: {  	s10 =	sld [smem:$0x3FA4];
	_ =	sdelay $0x3  }
0x33: {  	p0 =	seq.s32 s10, $0x1;
	s10 =	sld [smem:$0x3FA6];
	_ =	sdelay $0x3  }
0x34: {  	[smem:$0x3FA6] =	sst s10  }
0x35: {  	s10 =	sld [smem:$0x3FA5];
	_ =	sdelay $0x3  }
0x36: {  	p1 =	seq.s32 s10, $0x1;
	s10 =	sld [smem:$0x3FA6];
	_ =	sdelay $0x3  }
0x37: {  	[smem:$0x3FA6] =	sst s10  }
0x38: {  	s10 =	sld [smem:$0x3FA7]  }
0x39: {  	_ = 	snop;
	(pc) =	sbr.ind lr, $3  }
0x3a: {  	_ = 	snop  }
0x3b: {  	_ = 	snop  }
0x3c: {  	p2 =	seq.s32 s10, $0x1;
	s10 =	sld [smem:$0x3FA6]  }
0x3d: {  	_ =	shalt  }
0x3e: {  	_ =	shalt  }
0x3f: {  	_ =	shalt  }
0x40: {  	_ =	shalt  }
0x41: {  	_ =	shalt  }
0x42: {  	_ =	shalt  }
0x43: {  	_ =	shalt  }
0x44: {  	_ =	shalt  }
0x45: {  	_ =	shalt  }
0x46: {  	_ =	shalt  }
0x47: {  	_ =	shalt  }
0x48: {  	_ =	shalt  }
0x49: {  	_ =	shalt  }
0x4a: {  	_ =	shalt  }
0x4b: {  	_ =	shalt  }
0x4c: {  	_ =	shalt  }
0x4d: {  	_ =	shalt  }
0x4e: {  	_ =	shalt  }
0x4f: {  	_ =	shalt  }
0x50: {  	_ =	shalt  }
0x51: {  	_ =	shalt  }
0x52: {  	_ =	shalt  }
0x53: {  	_ =	shalt  }
0x54: {  	_ =	shalt  }
0x55: {  	_ =	shalt  }
0x56: {  	_ =	shalt  }
0x57: {  	_ =	shalt  }
0x58: {  	_ =	shalt  }
0x59: {  	_ =	shalt  }
0x5a: {  	_ =	shalt  }
0x5b: {  	_ =	shalt  }
0x5c: {  	_ =	shalt  }
0x5d: {  	_ =	shalt  }
0x5e: {  	_ =	shalt  }
0x5f: {  	_ =	shalt  }
0x60: {  	_ =	shalt  }
0x61: {  	_ =	shalt  }
0x62: {  	_ =	shalt  }
0x63: {  	_ =	shalt  }
0x64: {  	_ =	shalt  }
0x65: {  	_ =	shalt  }
0x66: {  	_ =	shalt  }
0x67: {  	_ =	shalt  }
0x68: {  	_ =	shalt  }
0x69: {  	_ =	shalt  }
0x6a: {  	_ =	shalt  }
0x6b: {  	_ =	shalt  }
0x6c: {  	_ =	shalt  }
0x6d: {  	_ =	shalt  }
0x6e: {  	_ =	shalt  }
0x6f: {  	_ =	shalt  }
0x70: {  	_ =	shalt  }
0x71: {  	_ =	shalt  }
0x72: {  	_ =	shalt  }
0x73: {  	_ =	shalt  }
0x74: {  	_ =	shalt  }
0x75: {  	_ =	shalt  }
0x76: {  	_ =	shalt  }
0x77: {  	_ =	shalt  }
0x78: {  	_ =	shalt  }
0x79: {  	_ =	shalt  }
0x7a: {  	_ =	shalt  }
0x7b: {  	_ =	shalt  }
0x7c: {  	_ =	shalt  }
0x7d: {  	_ =	shalt  }
0x7e: {  	_ =	shalt  }
0x7f: {  	_ =	shalt  }
0x80: {  	_ =	shalt  }
0x81: {  	_ =	shalt  }
0x82: {  	_ =	shalt  }
0x83: {  	_ =	shalt  }
0x84: {  	_ =	shalt  }
0x85: {  	_ =	shalt  }
0x86: {  	_ =	shalt  }
0x87: {  	_ =	shalt  }
.Lfunc_end0:
.L_simem_size_0:
called_computation_lowered:
.L_overlay_start_0:
0x88: {  	s2 =	sld [smem:$0x3FD9]  }
0x89: {  	s3 =	sld [smem:$0x3FFE];
	_ =	sdelay $0x1  }
0x8a: {  	s1 =	srdreg.scid  }
0x8b: {  	s0 =	sand.u32 $0x1, s1  }
0x8c: {  	s16 =	sshll.u32 s0, $0xA;
	s2 =	sadd.s32 s3, s2  }
0x8d: {  	s2 =	sadd.s32 s2, s16  }
0x8e: {  	[smem:$0x3FB2] =	sst s2  }
0x8f: {  	_ = 	snop  }
0x90: {  	(tm) =	ssettm $0x1  }
0x91: {  	s17 =	sld [smem:$0x3FFB];
	_ =	sdelay $0x3  }
0x92: {  	_ =	strace s17  }
0x93: {  	s2 =	sld [smem:$0x3FFC];
	_ =	sdelay $0x3  }
0x94: {  	_ =	strace s2  }
0x95: {  	s2 =	sld [smem:$0x3FFD];
	_ =	sdelay $0x3  }
0x96: {  	_ =	strace s2  }
0x97: {  	_ =	strace $0x8FFFFFFF  }
0x98: {  	s18 =	sld [smem:$0x3FDB];
	_ =	sdelay $0x1  }
0x99: {  	s19 =	simm.s32 $_scs_section_size  }
0x9a: {  	s4 =	simm.s32 $_size__tile_overlayer_lowered;
	s5 =	simm.s32 $_tile_overlayer_lowered  }
0x9b: {  	s22 =	simm.s32 $0x1BFF;
	s21 =	sshll.u32 s5, $0x1;
	s2 =	sadd.s32 s19, s18  }
0x9c: {  	s6 =	simm.s32 $0x0;
	s20 =	sshll.u32 s4, $0x1;
	s4 =	sadd.s32 s21, s2  }
0x9d: {  	[timem:s6], [sflag:s22] =	dma.local [hbm:s4], s20  }
0x9e: {  	_ =	swait.ge [sflag:s22], s20  }
0x9f: {  	s3 =	ssub.s32 $0x0, s20;
	[sflag:s22] =	ssyncset.done $0x0  }
0xa0: {  	[sflag:s22] =	ssyncadd.s32 s3;
	_ =	sdelay $0x1  }
0xa1: {  	s23 =	simm.s32 $0x1B8B  }
0xa2: {  	_ =	swait.ge [sflag:s23], $0x1  }
0xa3: {  	[sflag:s23] =	ssyncset.done $0x0  }
0xa4: {  	s25 =	simm.s32 $0x1B8E;
	s24 =	sld [smem:$0x3FFE];
	[sflag:s23] =	ssyncadd.s32 $0xFFFFFFFF  }
0xa5: {  	s26 =	simm.s32 $execute0_lowered;
	[smem:$0x3FD2] =	sst s25  }
0xa6: {  	s4 =	sshll.u32 s26, $0x1;
	_ =	strace $0x80000046;
	[dreg:$0x1] =	wrdreg $0xFFFFFFFF  }
0xa7: {  	s28 =	simm.s32 $_size_execute0_lowered;
	s2 =	sadd.s32 s2, s4;
	[dreg:$0x0] =	wrdreg $0x0  }
0xa8: {  	s4 =	sshll.u32 s28, $0x1;
	[dreg:$0x2] =	wrdreg s2  }
0xa9: {  	[dreg:$0x3] =	wrdreg s4  }
0xaa: {  	[dreg:$0x4] =	wrdreg $0xC0  }
0xab: {  	_ =	task [dreg:s6], $0x5FFFF  }
0xac: {  	[dreg:$0x1] =	wrdreg $0xFFFFFFFF  }
0xad: {  	[dreg:$0x0] =	wrdreg $0x60  }
0xae: {  	[dreg:$0x2] =	wrdreg s24  }
0xaf: {  	[dreg:$0x3] =	wrdreg $0x2F800  }
0xb0: {  	[dreg:$0x4] =	wrdreg $0x9  }
0xb1: {  	_ =	task.clear_ibuf [dreg:s6], $0x5FFFF;
	_ =	strace $0x90000046  }
0xb2: {  	s29 =	simm.s32 $0x9;
	_ =	strace $0x80000048  }
0xb3: {  	_ =	swait.ge [sflag:s29], $0x1  }
0xb4: {  	[sflag:s29] =	ssyncadd.s32 $0xFFFFFFFF  }
0xb5: {  	_ =	strace $0x90000048  }
0xb6: {  	_ =	sfence  }
0xb7: {  	s30 =	sld [smem:$0x0];
	_ =	sdelay $0x2  }
0xb8: {  	s31 =	sshll.u32 s1, $0xD;
	s1 =	sshrl.u32 s1, $0x2  }
0xb9: {  	s3 =	sand.u32 $0x4000, s31;
	s1 =	sadd.s32 s1, s30  }
0xba: {  	s0 =	sor.u32 s3, s0;
	s1 =	sshll.u32 s1, $0x11  }
0xbb: {  	s0 =	sor.u32 s1, s0  }
0xbc: {  	s0 =	sadd.s32 $0x8F2B, s0  }
0xbd: {  	[sflag:s0] =	ssyncadd.remote.s32 $0x1  }
0xbe: {  	_ =	sfence.sel $0xFFFF  }
0xbf: {  	[dreg:$0x0] =	wrdreg $0xFFFFFFFF;
	(pc) =	sbr.abs _section_cstart, $3  }
0xc0: {  	[dreg:$0x1] =	wrdreg $0xFFFFFFFF  }
0xc1: {  	_ =	task.clear_ibuf [dreg:s6], $0x2FFFF;
	_ =	strace $0x9FFFFFFF  }
0xc2: {  	(tm) =	ssettm $0x7FFFFFFF  }
0xc3: {  	_ =	shalt  }
tec
execute0_lowered:
.L_overlay_start_1:
0x0: {  	(tag) =	ssettag $0x1  }
0x1: {  	s5 =	rddreg [dreg:$0x0]  }
0x2: {  	s2 =	rddreg [dreg:$0x1]  }
0x3: {  	s0 =	rddreg [dreg:$0x2]  }
0x4: {  	s1 =	stileid.u32;
	s4 =	srdreg.scid;
	s3 =	simm.s32 $0x0  }
0x5: {  	s13 =	simm.s32 $0x0;
	s6 =	smul.u32 $0x280, s1;
	s7 =	sand.u32 $0x1, s4  }
0x6: {  	s29 =	sshll.u32 s1, $0x1;
	[smem:$0x7FF] =	sst s3;
	s31 =	sshll.u32 s1, $0x6  }
0x7: {  	s4 =	sor.u32 s7, s29;
	s8 =	smul.u32 $0x138C00, s7;
	_ =	strace $0x80000047  }
0x8: {  	s7 =	ssub.s32 $0x2, s7;
	s6 =	smin.u32 s6, $0x2498;
	s9 =	smul.u32 $0x4F0, s4  }
0x9: {  	s4 =	sadd.s32 $0xD800, s5;
	s30 =	sshrl.u32 s7, $0x1;
	s10 =	sshll.u32 s6, $0x7  }
0xa: {  	s6 =	sshll.u32 s6, $0x4;
	s11 =	ssub.s32 s7, s30;
	s8 =	sadd.s32 s8, s10  }
0xb: {  	s9 =	sadd.s32 s9, s5;
	s12 =	sadd.s32 s10, s2;
	s8 =	sshrl.u32 s8, $0x3  }
0xc: {  	s10 =	simm.s32 $0x1;
	s12 =	sshrl.u32 s12, $0x3;
	s8 =	sadd.s32 s8, s5  }
0xd: {  	s5 =	sadd.s32 s4, s6;
	s6 =	sadd.s32 $0x3A00, s9;
	s9 =	simm.s32 $0x2780  }
0xe: {  	vm0 =	vmmov $0xffff;
	s7 =	sadd.s32 $0x34A00, s8;
	s8 =	smax.u32 s11, $0x1;
	s11 =	sor.u32 $0x1C01, s31  }
.LBB2_1:
0xf: {  	[tilespmem:s9], [sflag:$0x1] =	stream.linear.gather [hbm4b:s4+s3], $0x800, $0x38;
	[tilespmem:$0x16840] =	vst v63  }
0x10: {  	_ =	swait.ge [sflag:s10], $0x800  }
0x11: {  	[sflag:s10] =	ssyncset.done $0x0  }
0x12: {  	[sflag:s10] =	ssyncadd.s32 $0xFFFFF800  }
0x13: {  	[spmem:s12], [sflag:s11] =	dma.local [hbm:s5], $0x2800  }
0x14: {  	_ =	swait.ge [sflag:s10], $0x2800  }
0x15: {  	[sflag:s10] =	ssyncset.done $0x0  }
0x16: {  	[sflag:s10] =	ssyncadd.s32 $0xFFFFD800  }
0x17: {  	[tilespmem:s3], [sflag:$0x1] =	stream.linear.gather [hbm4b:s6+s3], $0x2780, $0x38;
	[tilespmem:$0x16840] =	vst v63  }
0x18: {  	_ =	swait.ge [sflag:s10], $0x2780  }
0x19: {  	[sflag:s10] =	ssyncset.done $0x0  }
0x1a: {  	[sflag:s10] =	ssyncadd.s32 $0xFFFFD880  }
0x1b: {  	s14 =	simm.s32 $0x0;
	[bflag:$0x0] =	sbarrier.arrive $0xFFFF  }
0x1c: {  	v0 =	vld [tilespmem:s14+$0x0];
	s14 =	simm.s32 $0x40  }
.LBB2_2:
0x1d: {  	p0 =	sne.s32 s14, $0x9DC0;
	_ =	sdelay $0x6  }
0x1e: {  	[spmem:s2] =	stream.indirect_vreg.scatter.add.f32 [tilespmem:s9], [sflag:$0x1], $0x80, v0, vm0, $0xb8;
	[tilespmem:$0x16840] =	vst v63  }
.Ltmp0:
0x1f: {  	_ = 	snop;
	(pc) =	sbr.rel @p0 .LBB2_2-.Ltmp0, $4  }
0x20: {  	_ =	swait.ge [sflag:s10], $0x800  }
0x21: {  	[sflag:s10] =	ssyncset.done $0x0  }
0x22: {  	s15 =	sshra.s32 s14, $0x2;
	[sflag:s10] =	ssyncadd.s32 $0xFFFFF800  }
0x23: {  	s14 =	sadd.s32 $0x40, s14;
	v0 =	vld [tilespmem:s15+$0x0]  }
0x24: {  	_ =	sdelay $0x7  }
0x25: {  	[spmem:s2] =	stream.indirect_vreg.scatter.add.f32 [tilespmem:s9], [sflag:$0x1], $0x80, v0, vm0, $0xb8;
	[tilespmem:$0x16840] =	vst v63  }
0x26: {  	_ =	swait.ge [sflag:s10], $0x800  }
0x27: {  	s13 =	sadd.s32 $0x1, s13;
	[sflag:s10] =	ssyncset.done $0x0  }
0x28: {  	p0 =	sne.s32 s13, s8;
	[sflag:s10] =	ssyncadd.s32 $0xFFFFF800  }
.Ltmp1:
0x29: {  	[bflag:$0x0] =	sbarrier.arrive $0xFFFF;
	(pc) =	sbr.rel @p0 .LBB2_1-.Ltmp1, $4  }
0x2a: {  	[hbm:s7], [sflag:s11] =	dma.local [spmem:s12], $0x2800  }
0x2b: {  	_ =	swait.ge [sflag:s10], $0x2800  }
0x2c: {  	[sflag:s10] =	ssyncset.done $0x0  }
0x2d: {  	[sflag:s10] =	ssyncadd.s32 $0xFFFFD800  }
0x2e: {  	_ =	sfence.sel $0x180000  }
0x2f: {  	[bflag:$0x0] =	sbarrier.arrive $0xFFFF  }
0x30: {  	p0 =	sne.s32 s1, $0x0;
	_ =	strace $0x90000047  }
0x31: {  	s0 =	sadd.s32 @!p0 $0x100000, s0;
	[bflag:$0x2] =	sbarrier.arrive $0xFFFF  }
0x32: {  	[sflag:s0] =	ssyncadd.tile.s32 @!p0 $0x1;
	_ =	shalt  }
.Lfunc_end2:
_tile_overlayer_lowered:
.L_overlay_start_2:
0x33: {  	(tag) =	ssettag $0x2  }
0x34: {  	s0 =	rddreg [dreg:$0x0];
	s2 =	stileid.u32  }
0x35: {  	s1 =	rddreg [dreg:$0x1];
	p0 =	sne.s32 s2, $0x0  }
0x36: {  	s3 =	rddreg [dreg:$0x2];
	[bflag:$0x3] =	sbarrier.arrive $0xFFFF;
	s2 =	simm.s32 @!p0 $0x1C01  }
0x37: {  	[timem:s3], [sflag:s2] =	dma.local @!p0 [hbm:s0], s1  }
0x38: {  	s0 =	simm.s32 @!p0 $0x1  }
0x39: {  	_ =	swait.ge @!p0 [sflag:s0], s1  }
0x3a: {  	s1 =	ssub.s32 @!p0 $0x0, s1;
	[sflag:s0] =	ssyncset.done @!p0 $0x0  }
0x3b: {  	[sflag:s0] =	ssyncadd.s32 @!p0 s1  }
0x3c: {  	[bflag:$0x3] =	sbarrier.arrive $0xFFFF  }
0x3d: {  	_ =	shalt  }

// kernel: kernel.15.cloned.1.call-start
scs
__scs_entry_jumppad:
0x0: {  	(pc) =	sbr.rel $0x88, $3  }
0x1: {  	(tag) =	ssettag $0x0;
	lr =	simm.s32 $0x1  }
0x2: {  	[smem:$0x3F8B] =	sst lr;
	_ =	strace $0xD0000000  }
0x3: {  	_ = 	snop  }
0x4: {  	_ = 	snop  }
0x5: {  	_ = 	snop  }
0x6: {  	_ = 	snop  }
0x7: {  	_ = 	snop  }
__scs_overlays_trampoline_lowered:
0x8: {  	[smem:$0x3F9A] =	sst s0  }
0x9: {  	[smem:$0x3F9B] =	sst s1  }
0xa: {  	[smem:$0x3F9C] =	sst s2  }
0xb: {  	[smem:$0x3F9D] =	sst s3  }
0xc: {  	[smem:$0x3F9E] =	sst s4  }
0xd: {  	[smem:$0x3F9F] =	sst s5  }
0xe: {  	[smem:$0x3FA0] =	sst s6  }
0xf: {  	[smem:$0x3FA1] =	sst s7  }
0x10: {  	[smem:$0x3FA2] =	sst s8  }
0x11: {  	[smem:$0x3FA3] =	sst s9;
	s0 =	simm.s32 @!p0 $0x0  }
0x12: {  	s1 =	sld [smem:$0x3F89];
	s0 =	simm.s32 @p0 $0x1  }
0x13: {  	[smem:$0x3FA4] =	sst s0;
	s0 =	simm.s32 @!p1 $0x0  }
0x14: {  	s2 =	sld [smem:$0x3F88];
	s0 =	simm.s32 @p1 $0x1  }
0x15: {  	[smem:$0x3FA5] =	sst s0;
	s0 =	simm.s32 @!p2 $0x0  }
0x16: {  	s3 =	sld [smem:$0x3FDB];
	s0 =	simm.s32 @p2 $0x1  }
0x17: {  	s4 =	simm.s32 $0x1BF5;
	[smem:$0x3FA7] =	sst s0  }
0x18: {  	s0 =	sld [smem:$0x3F8A];
	_ =	swait.ge [sflag:s4], $0x0  }
0x19: {  	s7 =	sld [smem:$0x3F8B]  }
0x1a: {  	s8 =	sadd.s32 $0xFFFFE003, lr  }
0x1b: {  	s9 =	sadd.s32 $0xFFFFFEF7, lr;
	s5 =	simm.s32 $0xFFFFFFFF;
	p2 =	slt.u32 s8, $0xFFFFF086  }
0x1c: {  	p1 =	slt.u32 s9, $0xF7A;
	s5 =	simm.s32 @!p2 $0x0  }
0x1d: {  	s5 =	simm.s32 @p1 $0x1;
	p0 =	seq.s32 s7, s2  }
0x1e: {  	s7 =	smul.u32 @!p0 $0xF7A, s2;
	p2 =	seq.s32 @!p0 s5, $0x0  }
0x1f: {  	s9 =	smul.u32 $0xF7A, s1;
	s8 =	simm.s32 @!p0 $0x1BF5;
	p2 =	por !p2, p0  }
0x20: {  	[sflag:s8] =	ssyncset.s32 @!p0 $0xFFFFF086;
	s6 =	sadd.s32 @!p0 s3, s7;
	s7 =	simm.s32 @!p0 $0x108  }
0x21: {  	s3 =	sadd.s32 s3, s9;
	s6 =	sadd.s32 @!p0 $0x88, s6;
	s7 =	simm.s32 @p2 $0x1082  }
0x22: {  	[simem:s7], [sflag:s8] =	dma.local @!p0 [hbm:s6], $0xF7A  }
0x23: {  	s9 =	sor.u32 $0xD0000000, s2;
	s6 =	simm.s32 $0x108;
	_ =	swait.ge @!p0 [sflag:s8], $0x0  }
0x24: {  	s3 =	sadd.s32 $0x88, s3;
	s6 =	simm.s32 @!p1 $0x1082;
	[sflag:s4] =	ssyncset.s32 $0xFFFFF086  }
0x25: {  	[simem:s6], [sflag:s4] =	dma.local [hbm:s3], $0xF7A  }
0x26: {  	[smem:$0x3F8B] =	sst s1;
	(tag) =	ssettag s2;
	_ =	strace s9  }
0x27: {  	s1 =	sld [smem:$0x3F9B]  }
0x28: {  	s2 =	sld [smem:$0x3F9C]  }
0x29: {  	s4 =	sld [smem:$0x3F9E]  }
0x2a: {  	p0 =	seq.s32 s5, $0x0;
	s5 =	sld [smem:$0x3F9F]  }
0x2b: {  	s6 =	sld [smem:$0x3FA0]  }
0x2c: {  	s7 =	sld [smem:$0x3FA1]  }
0x2d: {  	s3 =	simm.s32 $0x108;
	s8 =	sld [smem:$0x3FA2]  }
0x2e: {  	s3 =	simm.s32 @!p0 $0x1082;
	s9 =	sld [smem:$0x3FA3]  }
0x2f: {  	lr =	sadd.s32 s0, s3;
	s0 =	sld [smem:$0x3F9A]  }
0x30: {  	s3 =	sld [smem:$0x3F9D]  }
0x31: {  	[smem:$0x3FA6] =	sst s10  }
0x32: {  	s10 =	sld [smem:$0x3FA4];
	_ =	sdelay $0x3  }
0x33: {  	p0 =	seq.s32 s10, $0x1;
	s10 =	sld [smem:$0x3FA6];
	_ =	sdelay $0x3  }
0x34: {  	[smem:$0x3FA6] =	sst s10  }
0x35: {  	s10 =	sld [smem:$0x3FA5];
	_ =	sdelay $0x3  }
0x36: {  	p1 =	seq.s32 s10, $0x1;
	s10 =	sld [smem:$0x3FA6];
	_ =	sdelay $0x3  }
0x37: {  	[smem:$0x3FA6] =	sst s10  }
0x38: {  	s10 =	sld [smem:$0x3FA7]  }
0x39: {  	_ = 	snop;
	(pc) =	sbr.ind lr, $3  }
0x3a: {  	_ = 	snop  }
0x3b: {  	_ = 	snop  }
0x3c: {  	p2 =	seq.s32 s10, $0x1;
	s10 =	sld [smem:$0x3FA6]  }
0x3d: {  	_ =	shalt  }
0x3e: {  	_ =	shalt  }
0x3f: {  	_ =	shalt  }
0x40: {  	_ =	shalt  }
0x41: {  	_ =	shalt  }
0x42: {  	_ =	shalt  }
0x43: {  	_ =	shalt  }
0x44: {  	_ =	shalt  }
0x45: {  	_ =	shalt  }
0x46: {  	_ =	shalt  }
0x47: {  	_ =	shalt  }
0x48: {  	_ =	shalt  }
0x49: {  	_ =	shalt  }
0x4a: {  	_ =	shalt  }
0x4b: {  	_ =	shalt  }
0x4c: {  	_ =	shalt  }
0x4d: {  	_ =	shalt  }
0x4e: {  	_ =	shalt  }
0x4f: {  	_ =	shalt  }
0x50: {  	_ =	shalt  }
0x51: {  	_ =	shalt  }
0x52: {  	_ =	shalt  }
0x53: {  	_ =	shalt  }
0x54: {  	_ =	shalt  }
0x55: {  	_ =	shalt  }
0x56: {  	_ =	shalt  }
0x57: {  	_ =	shalt  }
0x58: {  	_ =	shalt  }
0x59: {  	_ =	shalt  }
0x5a: {  	_ =	shalt  }
0x5b: {  	_ =	shalt  }
0x5c: {  	_ =	shalt  }
0x5d: {  	_ =	shalt  }
0x5e: {  	_ =	shalt  }
0x5f: {  	_ =	shalt  }
0x60: {  	_ =	shalt  }
0x61: {  	_ =	shalt  }
0x62: {  	_ =	shalt  }
0x63: {  	_ =	shalt  }
0x64: {  	_ =	shalt  }
0x65: {  	_ =	shalt  }
0x66: {  	_ =	shalt  }
0x67: {  	_ =	shalt  }
0x68: {  	_ =	shalt  }
0x69: {  	_ =	shalt  }
0x6a: {  	_ =	shalt  }
0x6b: {  	_ =	shalt  }
0x6c: {  	_ =	shalt  }
0x6d: {  	_ =	shalt  }
0x6e: {  	_ =	shalt  }
0x6f: {  	_ =	shalt  }
0x70: {  	_ =	shalt  }
0x71: {  	_ =	shalt  }
0x72: {  	_ =	shalt  }
0x73: {  	_ =	shalt  }
0x74: {  	_ =	shalt  }
0x75: {  	_ =	shalt  }
0x76: {  	_ =	shalt  }
0x77: {  	_ =	shalt  }
0x78: {  	_ =	shalt  }
0x79: {  	_ =	shalt  }
0x7a: {  	_ =	shalt  }
0x7b: {  	_ =	shalt  }
0x7c: {  	_ =	shalt  }
0x7d: {  	_ =	shalt  }
0x7e: {  	_ =	shalt  }
0x7f: {  	_ =	shalt  }
0x80: {  	_ =	shalt  }
0x81: {  	_ =	shalt  }
0x82: {  	_ =	shalt  }
0x83: {  	_ =	shalt  }
0x84: {  	_ =	shalt  }
0x85: {  	_ =	shalt  }
0x86: {  	_ =	shalt  }
0x87: {  	_ =	shalt  }
.Lfunc_end0:
.L_simem_size_0:
called_computation.1_lowered:
.L_overlay_start_0:
0x88: {  	s2 =	sld [smem:$0x3FD9]  }
0x89: {  	s3 =	sld [smem:$0x3FFE];
	_ =	sdelay $0x1  }
0x8a: {  	s1 =	srdreg.scid  }
0x8b: {  	s0 =	sand.u32 $0x1, s1  }
0x8c: {  	s16 =	sshll.u32 s0, $0xA;
	s2 =	sadd.s32 s3, s2  }
0x8d: {  	s2 =	sadd.s32 s2, s16  }
0x8e: {  	[smem:$0x3FB2] =	sst s2  }
0x8f: {  	_ = 	snop  }
0x90: {  	(tm) =	ssettm $0x1  }
0x91: {  	s17 =	sld [smem:$0x3FFB];
	_ =	sdelay $0x3  }
0x92: {  	_ =	strace s17  }
0x93: {  	s2 =	sld [smem:$0x3FFC];
	_ =	sdelay $0x3  }
0x94: {  	_ =	strace s2  }
0x95: {  	s2 =	sld [smem:$0x3FFD];
	_ =	sdelay $0x3  }
0x96: {  	_ =	strace s2  }
0x97: {  	_ =	strace $0x8FFFFFFF  }
0x98: {  	s18 =	sld [smem:$0x3FDB];
	_ =	sdelay $0x1  }
0x99: {  	s19 =	simm.s32 $_scs_section_size  }
0x9a: {  	s4 =	simm.s32 $_size__tile_overlayer_lowered;
	s5 =	simm.s32 $_tile_overlayer_lowered  }
0x9b: {  	s22 =	simm.s32 $0x1BFF;
	s21 =	sshll.u32 s5, $0x1;
	s2 =	sadd.s32 s19, s18  }
0x9c: {  	s6 =	simm.s32 $0x0;
	s20 =	sshll.u32 s4, $0x1;
	s4 =	sadd.s32 s21, s2  }
0x9d: {  	[timem:s6], [sflag:s22] =	dma.local [hbm:s4], s20  }
0x9e: {  	_ =	swait.ge [sflag:s22], s20  }
0x9f: {  	s3 =	ssub.s32 $0x0, s20;
	[sflag:s22] =	ssyncset.done $0x0  }
0xa0: {  	[sflag:s22] =	ssyncadd.s32 s3;
	_ =	sdelay $0x1  }
0xa1: {  	s23 =	simm.s32 $0x1B8B  }
0xa2: {  	_ =	swait.ge [sflag:s23], $0x1  }
0xa3: {  	[sflag:s23] =	ssyncset.done $0x0  }
0xa4: {  	s25 =	simm.s32 $0x1B8E;
	s24 =	sld [smem:$0x3FFE];
	[sflag:s23] =	ssyncadd.s32 $0xFFFFFFFF  }
0xa5: {  	s26 =	simm.s32 $execute0_lowered;
	[smem:$0x3FD2] =	sst s25  }
0xa6: {  	s4 =	sshll.u32 s26, $0x1;
	_ =	strace $0x80000049;
	[dreg:$0x1] =	wrdreg $0xFFFFFFFF  }
0xa7: {  	s28 =	simm.s32 $_size_execute0_lowered;
	s2 =	sadd.s32 s2, s4;
	[dreg:$0x0] =	wrdreg $0x0  }
0xa8: {  	s4 =	sshll.u32 s28, $0x1;
	[dreg:$0x2] =	wrdreg s2  }
0xa9: {  	[dreg:$0x3] =	wrdreg s4  }
0xaa: {  	[dreg:$0x4] =	wrdreg $0xC0  }
0xab: {  	_ =	task [dreg:s6], $0x5FFFF  }
0xac: {  	[dreg:$0x1] =	wrdreg $0xFFFFFFFF  }
0xad: {  	[dreg:$0x0] =	wrdreg $0x60  }
0xae: {  	[dreg:$0x2] =	wrdreg s24  }
0xaf: {  	[dreg:$0x3] =	wrdreg $0x82000  }
0xb0: {  	[dreg:$0x4] =	wrdreg $0x9  }
0xb1: {  	_ =	task.clear_ibuf [dreg:s6], $0x5FFFF;
	_ =	strace $0x90000049  }
0xb2: {  	s29 =	simm.s32 $0x9;
	_ =	strace $0x8000004B  }
0xb3: {  	_ =	swait.ge [sflag:s29], $0x1  }
0xb4: {  	[sflag:s29] =	ssyncadd.s32 $0xFFFFFFFF  }
0xb5: {  	_ =	strace $0x9000004B  }
0xb6: {  	_ =	sfence  }
0xb7: {  	s30 =	sld [smem:$0x0];
	_ =	sdelay $0x2  }
0xb8: {  	s31 =	sshll.u32 s1, $0xD;
	s1 =	sshrl.u32 s1, $0x2  }
0xb9: {  	s3 =	sand.u32 $0x4000, s31;
	s1 =	sadd.s32 s1, s30  }
0xba: {  	s0 =	sor.u32 s3, s0;
	s1 =	sshll.u32 s1, $0x11  }
0xbb: {  	s0 =	sor.u32 s1, s0  }
0xbc: {  	s0 =	sadd.s32 $0x8F2B, s0  }
0xbd: {  	[sflag:s0] =	ssyncadd.remote.s32 $0x1  }
0xbe: {  	_ =	sfence.sel $0xFFFF  }
0xbf: {  	[dreg:$0x0] =	wrdreg $0xFFFFFFFF;
	(pc) =	sbr.abs _section_cstart, $3  }
0xc0: {  	[dreg:$0x1] =	wrdreg $0xFFFFFFFF  }
0xc1: {  	_ =	task.clear_ibuf [dreg:s6], $0x2FFFF;
	_ =	strace $0x9FFFFFFF  }
0xc2: {  	(tm) =	ssettm $0x7FFFFFFF  }
0xc3: {  	_ =	shalt  }
tec
execute0_lowered:
.L_overlay_start_1:
0x0: {  	(tag) =	ssettag $0x1  }
0x1: {  	s7 =	rddreg [dreg:$0x0]  }
0x2: {  	s2 =	rddreg [dreg:$0x1]  }
0x3: {  	s0 =	rddreg [dreg:$0x2]  }
0x4: {  	s3 =	simm.s32 $0x0;
	s1 =	stileid.u32;
	s4 =	srdreg.scid  }
0x5: {  	s17 =	simm.s32 $0x3;
	s18 =	simm.s32 $0x8000;
	s19 =	simm.s32 $0x8100  }
0x6: {  	s20 =	simm.s32 $0x80;
	s21 =	simm.s32 $0x1;
	s22 =	simm.s32 $0x8080  }
0x7: {  	s23 =	simm.s32 $0x8180;
	s24 =	simm.s32 $0x4000;
	s25 =	simm.s32 $0x2  }
0x8: {  	s26 =	simm.s32 $0x0;
	[smem:$0x7FF] =	sst s3;
	s5 =	smul.u32 $0x280, s1  }
0x9: {  	s8 =	sand.u32 $0x1, s4;
	s4 =	sadd.s32 $0x34A00, s7;
	s11 =	sshll.u32 s1, $0x1  }
0xa: {  	s13 =	smul.u32 $0x4F00, s1;
	s30 =	sshll.u32 s1, $0x6;
	_ =	strace $0x8000004A  }
0xb: {  	s6 =	smul.u32 $0x138C00, s8;
	s11 =	sor.u32 s8, s11;
	s29 =	ssub.s32 $0x2, s8  }
0xc: {  	s8 =	smul.u32 $0x2780, s8;
	s9 =	smin.u32 s5, $0x2498;
	s5 =	sadd.s32 $0x82E00, s7  }
0xd: {  	s11 =	smul.u32 $0x2780, s11;
	s14 =	sshrl.u32 s29, $0x1;
	s10 =	sshll.u32 s9, $0x7  }
0xe: {  	s9 =	sshll.u32 s9, $0x4;
	s14 =	ssub.s32 s29, s14;
	s13 =	sadd.s32 s8, s13  }
0xf: {  	s8 =	sor.u32 $0x1C03, s30;
	s12 =	sadd.s32 s6, s10;
	s6 =	sadd.s32 $0x3A00, s7  }
0x10: {  	s16 =	sadd.s32 s10, s2;
	s31 =	sshrl.u32 s11, $0x3;
	s15 =	sadd.s32 $0x80, s13  }
0x11: {  	s13 =	sadd.s32 $0x100, s13;
	s12 =	sshrl.u32 s12, $0x3;
	s10 =	sadd.s32 s6, s31  }
0x12: {  	s15 =	sshrl.u32 s15, $0x3;
	s16 =	sshrl.u32 s16, $0x3;
	s12 =	sadd.s32 s12, s7  }
0x13: {  	s7 =	sadd.s32 s4, s9;
	s9 =	sadd.s32 s5, s31;
	s11 =	sadd.s32 $0x8CC00, s12  }
0x14: {  	s12 =	smax.u32 s14, $0x1;
	s14 =	sadd.s32 s15, s6;
	s15 =	sadd.s32 s15, s5  }
.LBB2_1:
0x15: {  	[spmem:s16], [sflag:s8] =	dma.local [hbm:s7], $0x2800  }
0x16: {  	_ =	swait.ge [sflag:s17], $0x2800  }
0x17: {  	[sflag:s17] =	ssyncset.done $0x0  }
0x18: {  	[sflag:s17] =	ssyncadd.s32 $0xFFFFD800  }
0x19: {  	[bflag:$0x0] =	sbarrier.arrive $0xFFFF  }
0x1a: {  	[tilespmem:s18], [sflag:$0x3] =	stream.linear.gather [hbm4b:s9+s3], $0x80, $0x38;
	[tilespmem:$0x1BAC0] =	vst v63  }
0x1b: {  	_ =	swait.ge [sflag:s17], $0x80  }
0x1c: {  	[sflag:s17] =	ssyncset.done $0x0  }
0x1d: {  	[sflag:s17] =	ssyncadd.s32 $0xFFFFFF80  }
0x1e: {  	[tilespmem:s19], [sflag:$0x3] =	stream.linear.gather [hbm4b:s10+s3], $0x80, $0x38;
	[tilespmem:$0x1BAC0] =	vst v63  }
0x1f: {  	_ =	swait.ge [sflag:s17], $0x80  }
0x20: {  	[sflag:s17] =	ssyncset.done $0x0  }
0x21: {  	[sflag:s17] =	ssyncadd.s32 $0xFFFFFF80  }
0x22: {  	[tilespmem:s3], [sflag:$0x1] =	stream.indirect.gather [hbm4b:s4+s20], $0x80, s18, s20, $0xb8;
	[tilespmem:$0x1BAC0] =	vst v63  }
0x23: {  	_ =	swait.ge [sflag:s21], $0x4000  }
0x24: {  	[sflag:s21] =	ssyncset.done $0x0  }
0x25: {  	s28 =	sadd.s32 $0x0, s15;
	[sflag:s21] =	ssyncadd.s32 $0xFFFFC000  }
0x26: {  	[tilespmem:s22], [sflag:$0x3] =	stream.linear.gather [hbm4b:s28+s3], $0x80, $0x38;
	[tilespmem:$0x1BAC0] =	vst v63  }
0x27: {  	_ =	swait.ge [sflag:s17], $0x80  }
0x28: {  	[sflag:s17] =	ssyncset.done $0x0  }
0x29: {  	s28 =	sadd.s32 $0x0, s14;
	[sflag:s17] =	ssyncadd.s32 $0xFFFFFF80  }
0x2a: {  	[tilespmem:s23], [sflag:$0x3] =	stream.linear.gather [hbm4b:s28+s3], $0x80, $0x38;
	[tilespmem:$0x1BAC0] =	vst v63  }
0x2b: {  	_ =	swait.ge [sflag:s17], $0x80  }
0x2c: {  	[sflag:s17] =	ssyncset.done $0x0  }
0x2d: {  	[sflag:s17] =	ssyncadd.s32 $0xFFFFFF80  }
0x2e: {  	[tilespmem:s24], [sflag:$0x2] =	stream.indirect.gather [hbm4b:s4+s20], $0x80, s22, s20, $0xb8;
	[tilespmem:$0x1BAC0] =	vst v63  }
0x2f: {  	_ = 	snop  }
0x30: {  	[spmem:s2] =	stream.indirect.scatter.add.f32 [tilespmem:s3], [sflag:$0x3], $0x80, s19, s20, $0xb8;
	[tilespmem:$0x1BAC0] =	vst v63  }
0x31: {  	_ =	swait.ge [sflag:s17], $0x4000  }
0x32: {  	[sflag:s17] =	ssyncset.done $0x0  }
0x33: {  	[sflag:s17] =	ssyncadd.s32 $0xFFFFC000  }
0x34: {  	_ =	swait.ge [sflag:s25], $0x4000  }
0x35: {  	s28 =	sshrl.u32 s13, $0x3;
	[sflag:s25] =	ssyncset.done $0x0  }
0x36: {  	s29 =	sadd.s32 s5, s28;
	[sflag:s25] =	ssyncadd.s32 $0xFFFFC000  }
0x37: {  	[tilespmem:s18], [sflag:$0x3] =	stream.linear.gather [hbm4b:s29+s3], $0x80, $0x38;
	[tilespmem:$0x1BAC0] =	vst v63  }
0x38: {  	_ =	swait.ge [sflag:s17], $0x80  }
0x39: {  	[sflag:s17] =	ssyncset.done $0x0  }
0x3a: {  	s28 =	sadd.s32 s6, s28;
	[sflag:s17] =	ssyncadd.s32 $0xFFFFFF80  }
0x3b: {  	[tilespmem:s19], [sflag:$0x3] =	stream.linear.gather [hbm4b:s28+s3], $0x80, $0x38;
	[tilespmem:$0x1BAC0] =	vst v63  }
0x3c: {  	_ =	swait.ge [sflag:s17], $0x80  }
0x3d: {  	[sflag:s17] =	ssyncset.done $0x0  }
0x3e: {  	[sflag:s17] =	ssyncadd.s32 $0xFFFFFF80  }
0x3f: {  	[tilespmem:s3], [sflag:$0x1] =	stream.indirect.gather [hbm4b:s4+s20], $0x80, s18, s20, $0xb8;
	[tilespmem:$0x1BAC0] =	vst v63  }
0x40: {  	_ = 	snop  }
0x41: {  	[spmem:s2] =	stream.indirect.scatter.add.f32 [tilespmem:s24], [sflag:$0x3], $0x80, s23, s20, $0xb8;
	[tilespmem:$0x1BAC0] =	vst v63  }
0x42: {  	_ =	swait.ge [sflag:s17], $0x4000  }
0x43: {  	s29 =	smov.u32 s13;
	s28 =	simm.s32 $0x20;
	[sflag:s17] =	ssyncset.done $0x0  }
.LBB2_2:
0x44: {  	p0 =	sne.s32 s28, $0x4C0;
	[sflag:s17] =	ssyncadd.s32 $0xFFFFC000;
	s29 =	sadd.s32 $0x100, s29  }
0x45: {  	s30 =	smov.u32 s28;
	s28 =	sadd.s32 $0x20, s28  }
0x46: {  	_ =	swait.ge [sflag:s21], $0x4000  }
0x47: {  	[sflag:s21] =	ssyncset.done $0x0  }
0x48: {  	s31 =	sadd.s32 s30, s15;
	[sflag:s21] =	ssyncadd.s32 $0xFFFFC000  }
0x49: {  	[tilespmem:s22], [sflag:$0x3] =	stream.linear.gather [hbm4b:s31+s3], $0x80, $0x38;
	[tilespmem:$0x1BAC0] =	vst v63  }
0x4a: {  	_ =	swait.ge [sflag:s17], $0x80  }
0x4b: {  	[sflag:s17] =	ssyncset.done $0x0  }
0x4c: {  	s30 =	sadd.s32 s30, s14;
	[sflag:s17] =	ssyncadd.s32 $0xFFFFFF80  }
0x4d: {  	[tilespmem:s23], [sflag:$0x3] =	stream.linear.gather [hbm4b:s30+s3], $0x80, $0x38;
	[tilespmem:$0x1BAC0] =	vst v63  }
0x4e: {  	_ =	swait.ge [sflag:s17], $0x80  }
0x4f: {  	[sflag:s17] =	ssyncset.done $0x0  }
0x50: {  	[sflag:s17] =	ssyncadd.s32 $0xFFFFFF80  }
0x51: {  	[tilespmem:s24], [sflag:$0x2] =	stream.indirect.gather [hbm4b:s4+s20], $0x80, s22, s20, $0xb8;
	[tilespmem:$0x1BAC0] =	vst v63  }
0x52: {  	_ = 	snop  }
0x53: {  	[spmem:s2] =	stream.indirect.scatter.add.f32 [tilespmem:s3], [sflag:$0x3], $0x80, s19, s20, $0xb8;
	[tilespmem:$0x1BAC0] =	vst v63  }
0x54: {  	_ =	swait.ge [sflag:s17], $0x4000  }
0x55: {  	[sflag:s17] =	ssyncset.done $0x0  }
0x56: {  	[sflag:s17] =	ssyncadd.s32 $0xFFFFC000  }
0x57: {  	_ =	swait.ge [sflag:s25], $0x4000  }
0x58: {  	s30 =	sshrl.u32 s29, $0x3;
	[sflag:s25] =	ssyncset.done $0x0  }
0x59: {  	s31 =	sadd.s32 s5, s30;
	[sflag:s25] =	ssyncadd.s32 $0xFFFFC000  }
0x5a: {  	[tilespmem:s18], [sflag:$0x3] =	stream.linear.gather [hbm4b:s31+s3], $0x80, $0x38;
	[tilespmem:$0x1BAC0] =	vst v63  }
0x5b: {  	_ =	swait.ge [sflag:s17], $0x80  }
0x5c: {  	[sflag:s17] =	ssyncset.done $0x0  }
0x5d: {  	s30 =	sadd.s32 s6, s30;
	[sflag:s17] =	ssyncadd.s32 $0xFFFFFF80  }
0x5e: {  	[tilespmem:s19], [sflag:$0x3] =	stream.linear.gather [hbm4b:s30+s3], $0x80, $0x38;
	[tilespmem:$0x1BAC0] =	vst v63  }
0x5f: {  	_ =	swait.ge [sflag:s17], $0x80  }
0x60: {  	[sflag:s17] =	ssyncset.done $0x0  }
0x61: {  	[sflag:s17] =	ssyncadd.s32 $0xFFFFFF80  }
0x62: {  	[tilespmem:s3], [sflag:$0x1] =	stream.indirect.gather [hbm4b:s4+s20], $0x80, s18, s20, $0xb8;
	[tilespmem:$0x1BAC0] =	vst v63  }
.Ltmp0:
0x63: {  	_ = 	snop;
	(pc) =	sbr.rel @p0 .LBB2_2-.Ltmp0, $4  }
0x64: {  	_ = 	snop  }
0x65: {  	[spmem:s2] =	stream.indirect.scatter.add.f32 [tilespmem:s24], [sflag:$0x3], $0x80, s23, s20, $0xb8;
	[tilespmem:$0x1BAC0] =	vst v63  }
0x66: {  	_ =	swait.ge [sflag:s17], $0x4000  }
0x67: {  	[sflag:s17] =	ssyncset.done $0x0  }
0x68: {  	[sflag:s17] =	ssyncadd.s32 $0xFFFFC000  }
0x69: {  	_ =	swait.ge [sflag:s21], $0x4000  }
0x6a: {  	[sflag:s21] =	ssyncset.done $0x0  }
0x6b: {  	[sflag:s21] =	ssyncadd.s32 $0xFFFFC000  }
0x6c: {  	[spmem:s2] =	stream.indirect.scatter.add.f32 [tilespmem:s3], [sflag:$0x3], $0x80, s19, s20, $0xb8;
	[tilespmem:$0x1BAC0] =	vst v63  }
0x6d: {  	_ =	swait.ge [sflag:s17], $0x4000  }
0x6e: {  	s26 =	sadd.s32 $0x1, s26;
	[sflag:s17] =	ssyncset.done $0x0  }
0x6f: {  	p0 =	sne.s32 s26, s12;
	[sflag:s17] =	ssyncadd.s32 $0xFFFFC000  }
.Ltmp1:
0x70: {  	[bflag:$0x0] =	sbarrier.arrive $0xFFFF;
	(pc) =	sbr.rel @p0 .LBB2_1-.Ltmp1, $4  }
0x71: {  	[hbm:s11], [sflag:s8] =	dma.local [spmem:s16], $0x2800  }
0x72: {  	_ =	swait.ge [sflag:s17], $0x2800  }
0x73: {  	[sflag:s17] =	ssyncset.done $0x0  }
0x74: {  	[sflag:s17] =	ssyncadd.s32 $0xFFFFD800  }
0x75: {  	_ =	sfence.sel $0x180000  }
0x76: {  	[bflag:$0x0] =	sbarrier.arrive $0xFFFF  }
0x77: {  	p0 =	sne.s32 s1, $0x0;
	_ =	strace $0x9000004A  }
0x78: {  	s0 =	sadd.s32 @!p0 $0x100000, s0;
	[bflag:$0x2] =	sbarrier.arrive $0xFFFF  }
0x79: {  	[sflag:s0] =	ssyncadd.tile.s32 @!p0 $0x1;
	_ =	shalt  }
.Lfunc_end2:
_tile_overlayer_lowered:
.L_overlay_start_2:
0x7a: {  	(tag) =	ssettag $0x2  }
0x7b: {  	s0 =	rddreg [dreg:$0x0];
	s2 =	stileid.u32  }
0x7c: {  	s1 =	rddreg [dreg:$0x1];
	p0 =	sne.s32 s2, $0x0  }
0x7d: {  	s3 =	rddreg [dreg:$0x2];
	[bflag:$0x3] =	sbarrier.arrive $0xFFFF;
	s2 =	simm.s32 @!p0 $0x1C03  }
0x7e: {  	[timem:s3], [sflag:s2] =	dma.local @!p0 [hbm:s0], s1  }
0x7f: {  	s0 =	simm.s32 @!p0 $0x3  }
0x80: {  	_ =	swait.ge @!p0 [sflag:s0], s1  }
0x81: {  	s1 =	ssub.s32 @!p0 $0x0, s1;
	[sflag:s0] =	ssyncset.done @!p0 $0x0  }
0x82: {  	[sflag:s0] =	ssyncadd.s32 @!p0 s1  }
0x83: {  	[bflag:$0x3] =	sbarrier.arrive $0xFFFF  }
0x84: {  	_ =	shalt  }

// kernel: kernel.18.cloned.1.call-start
scs
__scs_entry_jumppad:
0x0: {  	(pc) =	sbr.rel $0x88, $3  }
0x1: {  	(tag) =	ssettag $0x0;
	lr =	simm.s32 $0x1  }
0x2: {  	[smem:$0x3F8B] =	sst lr;
	_ =	strace $0xD0000000  }
0x3: {  	_ = 	snop  }
0x4: {  	_ = 	snop  }
0x5: {  	_ = 	snop  }
0x6: {  	_ = 	snop  }
0x7: {  	_ = 	snop  }
__scs_overlays_trampoline_lowered:
0x8: {  	[smem:$0x3F9A] =	sst s0  }
0x9: {  	[smem:$0x3F9B] =	sst s1  }
0xa: {  	[smem:$0x3F9C] =	sst s2  }
0xb: {  	[smem:$0x3F9D] =	sst s3  }
0xc: {  	[smem:$0x3F9E] =	sst s4  }
0xd: {  	[smem:$0x3F9F] =	sst s5  }
0xe: {  	[smem:$0x3FA0] =	sst s6  }
0xf: {  	[smem:$0x3FA1] =	sst s7  }
0x10: {  	[smem:$0x3FA2] =	sst s8  }
0x11: {  	[smem:$0x3FA3] =	sst s9;
	s0 =	simm.s32 @!p0 $0x0  }
0x12: {  	s1 =	sld [smem:$0x3F89];
	s0 =	simm.s32 @p0 $0x1  }
0x13: {  	[smem:$0x3FA4] =	sst s0;
	s0 =	simm.s32 @!p1 $0x0  }
0x14: {  	s2 =	sld [smem:$0x3F88];
	s0 =	simm.s32 @p1 $0x1  }
0x15: {  	[smem:$0x3FA5] =	sst s0;
	s0 =	simm.s32 @!p2 $0x0  }
0x16: {  	s3 =	sld [smem:$0x3FDB];
	s0 =	simm.s32 @p2 $0x1  }
0x17: {  	s4 =	simm.s32 $0x1BF5;
	[smem:$0x3FA7] =	sst s0  }
0x18: {  	s0 =	sld [smem:$0x3F8A];
	_ =	swait.ge [sflag:s4], $0x0  }
0x19: {  	s7 =	sld [smem:$0x3F8B]  }
0x1a: {  	s8 =	sadd.s32 $0xFFFFE003, lr  }
0x1b: {  	s9 =	sadd.s32 $0xFFFFFEF7, lr;
	s5 =	simm.s32 $0xFFFFFFFF;
	p2 =	slt.u32 s8, $0xFFFFF086  }
0x1c: {  	p1 =	slt.u32 s9, $0xF7A;
	s5 =	simm.s32 @!p2 $0x0  }
0x1d: {  	s5 =	simm.s32 @p1 $0x1;
	p0 =	seq.s32 s7, s2  }
0x1e: {  	s7 =	smul.u32 @!p0 $0xF7A, s2;
	p2 =	seq.s32 @!p0 s5, $0x0  }
0x1f: {  	s9 =	smul.u32 $0xF7A, s1;
	s8 =	simm.s32 @!p0 $0x1BF5;
	p2 =	por !p2, p0  }
0x20: {  	[sflag:s8] =	ssyncset.s32 @!p0 $0xFFFFF086;
	s6 =	sadd.s32 @!p0 s3, s7;
	s7 =	simm.s32 @!p0 $0x108  }
0x21: {  	s3 =	sadd.s32 s3, s9;
	s6 =	sadd.s32 @!p0 $0x88, s6;
	s7 =	simm.s32 @p2 $0x1082  }
0x22: {  	[simem:s7], [sflag:s8] =	dma.local @!p0 [hbm:s6], $0xF7A  }
0x23: {  	s9 =	sor.u32 $0xD0000000, s2;
	s6 =	simm.s32 $0x108;
	_ =	swait.ge @!p0 [sflag:s8], $0x0  }
0x24: {  	s3 =	sadd.s32 $0x88, s3;
	s6 =	simm.s32 @!p1 $0x1082;
	[sflag:s4] =	ssyncset.s32 $0xFFFFF086  }
0x25: {  	[simem:s6], [sflag:s4] =	dma.local [hbm:s3], $0xF7A  }
0x26: {  	[smem:$0x3F8B] =	sst s1;
	(tag) =	ssettag s2;
	_ =	strace s9  }
0x27: {  	s1 =	sld [smem:$0x3F9B]  }
0x28: {  	s2 =	sld [smem:$0x3F9C]  }
0x29: {  	s4 =	sld [smem:$0x3F9E]  }
0x2a: {  	p0 =	seq.s32 s5, $0x0;
	s5 =	sld [smem:$0x3F9F]  }
0x2b: {  	s6 =	sld [smem:$0x3FA0]  }
0x2c: {  	s7 =	sld [smem:$0x3FA1]  }
0x2d: {  	s3 =	simm.s32 $0x108;
	s8 =	sld [smem:$0x3FA2]  }
0x2e: {  	s3 =	simm.s32 @!p0 $0x1082;
	s9 =	sld [smem:$0x3FA3]  }
0x2f: {  	lr =	sadd.s32 s0, s3;
	s0 =	sld [smem:$0x3F9A]  }
0x30: {  	s3 =	sld [smem:$0x3F9D]  }
0x31: {  	[smem:$0x3FA6] =	sst s10  }
0x32: {  	s10 =	sld [smem:$0x3FA4];
	_ =	sdelay $0x3  }
0x33: {  	p0 =	seq.s32 s10, $0x1;
	s10 =	sld [smem:$0x3FA6];
	_ =	sdelay $0x3  }
0x34: {  	[smem:$0x3FA6] =	sst s10  }
0x35: {  	s10 =	sld [smem:$0x3FA5];
	_ =	sdelay $0x3  }
0x36: {  	p1 =	seq.s32 s10, $0x1;
	s10 =	sld [smem:$0x3FA6];
	_ =	sdelay $0x3  }
0x37: {  	[smem:$0x3FA6] =	sst s10  }
0x38: {  	s10 =	sld [smem:$0x3FA7]  }
0x39: {  	_ = 	snop;
	(pc) =	sbr.ind lr, $3  }
0x3a: {  	_ = 	snop  }
0x3b: {  	_ = 	snop  }
0x3c: {  	p2 =	seq.s32 s10, $0x1;
	s10 =	sld [smem:$0x3FA6]  }
0x3d: {  	_ =	shalt  }
0x3e: {  	_ =	shalt  }
0x3f: {  	_ =	shalt  }
0x40: {  	_ =	shalt  }
0x41: {  	_ =	shalt  }
0x42: {  	_ =	shalt  }
0x43: {  	_ =	shalt  }
0x44: {  	_ =	shalt  }
0x45: {  	_ =	shalt  }
0x46: {  	_ =	shalt  }
0x47: {  	_ =	shalt  }
0x48: {  	_ =	shalt  }
0x49: {  	_ =	shalt  }
0x4a: {  	_ =	shalt  }
0x4b: {  	_ =	shalt  }
0x4c: {  	_ =	shalt  }
0x4d: {  	_ =	shalt  }
0x4e: {  	_ =	shalt  }
0x4f: {  	_ =	shalt  }
0x50: {  	_ =	shalt  }
0x51: {  	_ =	shalt  }
0x52: {  	_ =	shalt  }
0x53: {  	_ =	shalt  }
0x54: {  	_ =	shalt  }
0x55: {  	_ =	shalt  }
0x56: {  	_ =	shalt  }
0x57: {  	_ =	shalt  }
0x58: {  	_ =	shalt  }
0x59: {  	_ =	shalt  }
0x5a: {  	_ =	shalt  }
0x5b: {  	_ =	shalt  }
0x5c: {  	_ =	shalt  }
0x5d: {  	_ =	shalt  }
0x5e: {  	_ =	shalt  }
0x5f: {  	_ =	shalt  }
0x60: {  	_ =	shalt  }
0x61: {  	_ =	shalt  }
0x62: {  	_ =	shalt  }
0x63: {  	_ =	shalt  }
0x64: {  	_ =	shalt  }
0x65: {  	_ =	shalt  }
0x66: {  	_ =	shalt  }
0x67: {  	_ =	shalt  }
0x68: {  	_ =	shalt  }
0x69: {  	_ =	shalt  }
0x6a: {  	_ =	shalt  }
0x6b: {  	_ =	shalt  }
0x6c: {  	_ =	shalt  }
0x6d: {  	_ =	shalt  }
0x6e: {  	_ =	shalt  }
0x6f: {  	_ =	shalt  }
0x70: {  	_ =	shalt  }
0x71: {  	_ =	shalt  }
0x72: {  	_ =	shalt  }
0x73: {  	_ =	shalt  }
0x74: {  	_ =	shalt  }
0x75: {  	_ =	shalt  }
0x76: {  	_ =	shalt  }
0x77: {  	_ =	shalt  }
0x78: {  	_ =	shalt  }
0x79: {  	_ =	shalt  }
0x7a: {  	_ =	shalt  }
0x7b: {  	_ =	shalt  }
0x7c: {  	_ =	shalt  }
0x7d: {  	_ =	shalt  }
0x7e: {  	_ =	shalt  }
0x7f: {  	_ =	shalt  }
0x80: {  	_ =	shalt  }
0x81: {  	_ =	shalt  }
0x82: {  	_ =	shalt  }
0x83: {  	_ =	shalt  }
0x84: {  	_ =	shalt  }
0x85: {  	_ =	shalt  }
0x86: {  	_ =	shalt  }
0x87: {  	_ =	shalt  }
.Lfunc_end0:
.L_simem_size_0:
called_computation.2_lowered:
.L_overlay_start_0:
0x88: {  	s2 =	sld [smem:$0x3FD9]  }
0x89: {  	s3 =	sld [smem:$0x3FFE];
	_ =	sdelay $0x1  }
0x8a: {  	s1 =	srdreg.scid  }
0x8b: {  	s0 =	sand.u32 $0x1, s1  }
0x8c: {  	s16 =	sshll.u32 s0, $0xA;
	s2 =	sadd.s32 s3, s2  }
0x8d: {  	s2 =	sadd.s32 s2, s16  }
0x8e: {  	[smem:$0x3FB2] =	sst s2  }
0x8f: {  	_ = 	snop  }
0x90: {  	(tm) =	ssettm $0x1  }
0x91: {  	s17 =	sld [smem:$0x3FFB];
	_ =	sdelay $0x3  }
0x92: {  	_ =	strace s17  }
0x93: {  	s2 =	sld [smem:$0x3FFC];
	_ =	sdelay $0x3  }
0x94: {  	_ =	strace s2  }
0x95: {  	s2 =	sld [smem:$0x3FFD];
	_ =	sdelay $0x3  }
0x96: {  	_ =	strace s2  }
0x97: {  	_ =	strace $0x8FFFFFFF  }
0x98: {  	s18 =	sld [smem:$0x3FDB];
	_ =	sdelay $0x1  }
0x99: {  	s19 =	simm.s32 $_scs_section_size  }
0x9a: {  	s4 =	simm.s32 $_size__tile_overlayer_lowered;
	s5 =	simm.s32 $_tile_overlayer_lowered  }
0x9b: {  	s22 =	simm.s32 $0x1BFF;
	s21 =	sshll.u32 s5, $0x1;
	s2 =	sadd.s32 s19, s18  }
0x9c: {  	s6 =	simm.s32 $0x0;
	s20 =	sshll.u32 s4, $0x1;
	s4 =	sadd.s32 s21, s2  }
0x9d: {  	[timem:s6], [sflag:s22] =	dma.local [hbm:s4], s20  }
0x9e: {  	_ =	swait.ge [sflag:s22], s20  }
0x9f: {  	s3 =	ssub.s32 $0x0, s20;
	[sflag:s22] =	ssyncset.done $0x0  }
0xa0: {  	[sflag:s22] =	ssyncadd.s32 s3;
	_ =	sdelay $0x1  }
0xa1: {  	s23 =	simm.s32 $0x1B8B  }
0xa2: {  	_ =	swait.ge [sflag:s23], $0x1  }
0xa3: {  	[sflag:s23] =	ssyncset.done $0x0  }
0xa4: {  	s25 =	simm.s32 $0x1B8E;
	s24 =	sld [smem:$0x3FFE];
	[sflag:s23] =	ssyncadd.s32 $0xFFFFFFFF  }
0xa5: {  	s26 =	simm.s32 $execute0_lowered;
	[smem:$0x3FD2] =	sst s25  }
0xa6: {  	s4 =	sshll.u32 s26, $0x1;
	_ =	strace $0x8000004C;
	[dreg:$0x1] =	wrdreg $0xFFFFFFFF  }
0xa7: {  	s28 =	simm.s32 $_size_execute0_lowered;
	s2 =	sadd.s32 s2, s4;
	[dreg:$0x0] =	wrdreg $0x0  }
0xa8: {  	s4 =	sshll.u32 s28, $0x1;
	[dreg:$0x2] =	wrdreg s2  }
0xa9: {  	[dreg:$0x3] =	wrdreg s4  }
0xaa: {  	[dreg:$0x4] =	wrdreg $0xC0  }
0xab: {  	_ =	task [dreg:s6], $0x5FFFF  }
0xac: {  	[dreg:$0x1] =	wrdreg $0xFFFFFFFF  }
0xad: {  	[dreg:$0x0] =	wrdreg $0x60  }
0xae: {  	[dreg:$0x2] =	wrdreg s24  }
0xaf: {  	[dreg:$0x3] =	wrdreg $0x82000  }
0xb0: {  	[dreg:$0x4] =	wrdreg $0x9  }
0xb1: {  	_ =	task.clear_ibuf [dreg:s6], $0x5FFFF;
	_ =	strace $0x9000004C  }
0xb2: {  	s29 =	simm.s32 $0x9;
	_ =	strace $0x8000004E  }
0xb3: {  	_ =	swait.ge [sflag:s29], $0x1  }
0xb4: {  	[sflag:s29] =	ssyncadd.s32 $0xFFFFFFFF  }
0xb5: {  	_ =	strace $0x9000004E  }
0xb6: {  	_ =	sfence  }
0xb7: {  	s30 =	sld [smem:$0x0];
	_ =	sdelay $0x2  }
0xb8: {  	s31 =	sshll.u32 s1, $0xD;
	s1 =	sshrl.u32 s1, $0x2  }
0xb9: {  	s3 =	sand.u32 $0x4000, s31;
	s1 =	sadd.s32 s1, s30  }
0xba: {  	s0 =	sor.u32 s3, s0;
	s1 =	sshll.u32 s1, $0x11  }
0xbb: {  	s0 =	sor.u32 s1, s0  }
0xbc: {  	s0 =	sadd.s32 $0x8F2B, s0  }
0xbd: {  	[sflag:s0] =	ssyncadd.remote.s32 $0x1  }
0xbe: {  	_ =	sfence.sel $0xFFFF  }
0xbf: {  	[dreg:$0x0] =	wrdreg $0xFFFFFFFF;
	(pc) =	sbr.abs _section_cstart, $3  }
0xc0: {  	[dreg:$0x1] =	wrdreg $0xFFFFFFFF  }
0xc1: {  	_ =	task.clear_ibuf [dreg:s6], $0x2FFFF;
	_ =	strace $0x9FFFFFFF  }
0xc2: {  	(tm) =	ssettm $0x7FFFFFFF  }
0xc3: {  	_ =	shalt  }
tec
execute0_lowered:
.L_overlay_start_1:
0x0: {  	(tag) =	ssettag $0x1  }
0x1: {  	s7 =	rddreg [dreg:$0x0]  }
0x2: {  	s2 =	rddreg [dreg:$0x1]  }
0x3: {  	s0 =	rddreg [dreg:$0x2]  }
0x4: {  	s3 =	simm.s32 $0x0;
	s1 =	stileid.u32;
	s4 =	srdreg.scid  }
0x5: {  	s17 =	simm.s32 $0x3;
	s18 =	simm.s32 $0x8000;
	s19 =	simm.s32 $0x8100  }
0x6: {  	s20 =	simm.s32 $0x80;
	s21 =	simm.s32 $0x1;
	s22 =	simm.s32 $0x8080  }
0x7: {  	s23 =	simm.s32 $0x8180;
	s24 =	simm.s32 $0x4000;
	s25 =	simm.s32 $0x2  }
0x8: {  	s26 =	simm.s32 $0x0;
	[smem:$0x7FF] =	sst s3;
	s5 =	smul.u32 $0x280, s1  }
0x9: {  	s8 =	sand.u32 $0x1, s4;
	s4 =	sadd.s32 $0xD800, s7;
	s11 =	sshll.u32 s1, $0x1  }
0xa: {  	s13 =	smul.u32 $0x4F00, s1;
	s30 =	sshll.u32 s1, $0x6;
	_ =	strace $0x8000004D  }
0xb: {  	s6 =	smul.u32 $0x138C00, s8;
	s11 =	sor.u32 s8, s11;
	s29 =	ssub.s32 $0x2, s8  }
0xc: {  	s8 =	smul.u32 $0x2780, s8;
	s9 =	smin.u32 s5, $0x2498;
	s5 =	sadd.s32 $0x82E00, s7  }
0xd: {  	s11 =	smul.u32 $0x2780, s11;
	s14 =	sshrl.u32 s29, $0x1;
	s10 =	sshll.u32 s9, $0x7  }
0xe: {  	s9 =	sshll.u32 s9, $0x4;
	s14 =	ssub.s32 s29, s14;
	s13 =	sadd.s32 s8, s13  }
0xf: {  	s8 =	sor.u32 $0x1C03, s30;
	s12 =	sadd.s32 s6, s10;
	s6 =	sadd.s32 $0x3A00, s7  }
0x10: {  	s16 =	sadd.s32 s10, s2;
	s31 =	sshrl.u32 s11, $0x3;
	s15 =	sadd.s32 $0x80, s13  }
0x11: {  	s13 =	sadd.s32 $0x100, s13;
	s12 =	sshrl.u32 s12, $0x3;
	s10 =	sadd.s32 s6, s31  }
0x12: {  	s15 =	sshrl.u32 s15, $0x3;
	s16 =	sshrl.u32 s16, $0x3;
	s12 =	sadd.s32 s12, s7  }
0x13: {  	s7 =	sadd.s32 s4, s9;
	s9 =	sadd.s32 s5, s31;
	s11 =	sadd.s32 $0x34A00, s12  }
0x14: {  	s12 =	smax.u32 s14, $0x1;
	s14 =	sadd.s32 s15, s6;
	s15 =	sadd.s32 s15, s5  }
.LBB2_1:
0x15: {  	[spmem:s16], [sflag:s8] =	dma.local [hbm:s7], $0x2800  }
0x16: {  	_ =	swait.ge [sflag:s17], $0x2800  }
0x17: {  	[sflag:s17] =	ssyncset.done $0x0  }
0x18: {  	[sflag:s17] =	ssyncadd.s32 $0xFFFFD800  }
0x19: {  	[bflag:$0x0] =	sbarrier.arrive $0xFFFF  }
0x1a: {  	[tilespmem:s18], [sflag:$0x3] =	stream.linear.gather [hbm4b:s9+s3], $0x80, $0x38;
	[tilespmem:$0x1BAC0] =	vst v63  }
0x1b: {  	_ =	swait.ge [sflag:s17], $0x80  }
0x1c: {  	[sflag:s17] =	ssyncset.done $0x0  }
0x1d: {  	[sflag:s17] =	ssyncadd.s32 $0xFFFFFF80  }
0x1e: {  	[tilespmem:s19], [sflag:$0x3] =	stream.linear.gather [hbm4b:s10+s3], $0x80, $0x38;
	[tilespmem:$0x1BAC0] =	vst v63  }
0x1f: {  	_ =	swait.ge [sflag:s17], $0x80  }
0x20: {  	[sflag:s17] =	ssyncset.done $0x0  }
0x21: {  	[sflag:s17] =	ssyncadd.s32 $0xFFFFFF80  }
0x22: {  	[tilespmem:s3], [sflag:$0x1] =	stream.indirect.gather [hbm4b:s4+s20], $0x80, s18, s20, $0xb8;
	[tilespmem:$0x1BAC0] =	vst v63  }
0x23: {  	_ =	swait.ge [sflag:s21], $0x4000  }
0x24: {  	[sflag:s21] =	ssyncset.done $0x0  }
0x25: {  	s28 =	sadd.s32 $0x0, s15;
	[sflag:s21] =	ssyncadd.s32 $0xFFFFC000  }
0x26: {  	[tilespmem:s22], [sflag:$0x3] =	stream.linear.gather [hbm4b:s28+s3], $0x80, $0x38;
	[tilespmem:$0x1BAC0] =	vst v63  }
0x27: {  	_ =	swait.ge [sflag:s17], $0x80  }
0x28: {  	[sflag:s17] =	ssyncset.done $0x0  }
0x29: {  	s28 =	sadd.s32 $0x0, s14;
	[sflag:s17] =	ssyncadd.s32 $0xFFFFFF80  }
0x2a: {  	[tilespmem:s23], [sflag:$0x3] =	stream.linear.gather [hbm4b:s28+s3], $0x80, $0x38;
	[tilespmem:$0x1BAC0] =	vst v63  }
0x2b: {  	_ =	swait.ge [sflag:s17], $0x80  }
0x2c: {  	[sflag:s17] =	ssyncset.done $0x0  }
0x2d: {  	[sflag:s17] =	ssyncadd.s32 $0xFFFFFF80  }
0x2e: {  	[tilespmem:s24], [sflag:$0x2] =	stream.indirect.gather [hbm4b:s4+s20], $0x80, s22, s20, $0xb8;
	[tilespmem:$0x1BAC0] =	vst v63  }
0x2f: {  	_ = 	snop  }
0x30: {  	[spmem:s2] =	stream.indirect.scatter.add.f32 [tilespmem:s3], [sflag:$0x3], $0x80, s19, s20, $0xb8;
	[tilespmem:$0x1BAC0] =	vst v63  }
0x31: {  	_ =	swait.ge [sflag:s17], $0x4000  }
0x32: {  	[sflag:s17] =	ssyncset.done $0x0  }
0x33: {  	[sflag:s17] =	ssyncadd.s32 $0xFFFFC000  }
0x34: {  	_ =	swait.ge [sflag:s25], $0x4000  }
0x35: {  	s28 =	sshrl.u32 s13, $0x3;
	[sflag:s25] =	ssyncset.done $0x0  }
0x36: {  	s29 =	sadd.s32 s5, s28;
	[sflag:s25] =	ssyncadd.s32 $0xFFFFC000  }
0x37: {  	[tilespmem:s18], [sflag:$0x3] =	stream.linear.gather [hbm4b:s29+s3], $0x80, $0x38;
	[tilespmem:$0x1BAC0] =	vst v63  }
0x38: {  	_ =	swait.ge [sflag:s17], $0x80  }
0x39: {  	[sflag:s17] =	ssyncset.done $0x0  }
0x3a: {  	s28 =	sadd.s32 s6, s28;
	[sflag:s17] =	ssyncadd.s32 $0xFFFFFF80  }
0x3b: {  	[tilespmem:s19], [sflag:$0x3] =	stream.linear.gather [hbm4b:s28+s3], $0x80, $0x38;
	[tilespmem:$0x1BAC0] =	vst v63  }
0x3c: {  	_ =	swait.ge [sflag:s17], $0x80  }
0x3d: {  	[sflag:s17] =	ssyncset.done $0x0  }
0x3e: {  	[sflag:s17] =	ssyncadd.s32 $0xFFFFFF80  }
0x3f: {  	[tilespmem:s3], [sflag:$0x1] =	stream.indirect.gather [hbm4b:s4+s20], $0x80, s18, s20, $0xb8;
	[tilespmem:$0x1BAC0] =	vst v63  }
0x40: {  	_ = 	snop  }
0x41: {  	[spmem:s2] =	stream.indirect.scatter.add.f32 [tilespmem:s24], [sflag:$0x3], $0x80, s23, s20, $0xb8;
	[tilespmem:$0x1BAC0] =	vst v63  }
0x42: {  	_ =	swait.ge [sflag:s17], $0x4000  }
0x43: {  	s29 =	smov.u32 s13;
	s28 =	simm.s32 $0x20;
	[sflag:s17] =	ssyncset.done $0x0  }
.LBB2_2:
0x44: {  	p0 =	sne.s32 s28, $0x4C0;
	[sflag:s17] =	ssyncadd.s32 $0xFFFFC000;
	s29 =	sadd.s32 $0x100, s29  }
0x45: {  	s30 =	smov.u32 s28;
	s28 =	sadd.s32 $0x20, s28  }
0x46: {  	_ =	swait.ge [sflag:s21], $0x4000  }
0x47: {  	[sflag:s21] =	ssyncset.done $0x0  }
0x48: {  	s31 =	sadd.s32 s30, s15;
	[sflag:s21] =	ssyncadd.s32 $0xFFFFC000  }
0x49: {  	[tilespmem:s22], [sflag:$0x3] =	stream.linear.gather [hbm4b:s31+s3], $0x80, $0x38;
	[tilespmem:$0x1BAC0] =	vst v63  }
0x4a: {  	_ =	swait.ge [sflag:s17], $0x80  }
0x4b: {  	[sflag:s17] =	ssyncset.done $0x0  }
0x4c: {  	s30 =	sadd.s32 s30, s14;
	[sflag:s17] =	ssyncadd.s32 $0xFFFFFF80  }
0x4d: {  	[tilespmem:s23], [sflag:$0x3] =	stream.linear.gather [hbm4b:s30+s3], $0x80, $0x38;
	[tilespmem:$0x1BAC0] =	vst v63  }
0x4e: {  	_ =	swait.ge [sflag:s17], $0x80  }
0x4f: {  	[sflag:s17] =	ssyncset.done $0x0  }
0x50: {  	[sflag:s17] =	ssyncadd.s32 $0xFFFFFF80  }
0x51: {  	[tilespmem:s24], [sflag:$0x2] =	stream.indirect.gather [hbm4b:s4+s20], $0x80, s22, s20, $0xb8;
	[tilespmem:$0x1BAC0] =	vst v63  }
0x52: {  	_ = 	snop  }
0x53: {  	[spmem:s2] =	stream.indirect.scatter.add.f32 [tilespmem:s3], [sflag:$0x3], $0x80, s19, s20, $0xb8;
	[tilespmem:$0x1BAC0] =	vst v63  }
0x54: {  	_ =	swait.ge [sflag:s17], $0x4000  }
0x55: {  	[sflag:s17] =	ssyncset.done $0x0  }
0x56: {  	[sflag:s17] =	ssyncadd.s32 $0xFFFFC000  }
0x57: {  	_ =	swait.ge [sflag:s25], $0x4000  }
0x58: {  	s30 =	sshrl.u32 s29, $0x3;
	[sflag:s25] =	ssyncset.done $0x0  }
0x59: {  	s31 =	sadd.s32 s5, s30;
	[sflag:s25] =	ssyncadd.s32 $0xFFFFC000  }
0x5a: {  	[tilespmem:s18], [sflag:$0x3] =	stream.linear.gather [hbm4b:s31+s3], $0x80, $0x38;
	[tilespmem:$0x1BAC0] =	vst v63  }
0x5b: {  	_ =	swait.ge [sflag:s17], $0x80  }
0x5c: {  	[sflag:s17] =	ssyncset.done $0x0  }
0x5d: {  	s30 =	sadd.s32 s6, s30;
	[sflag:s17] =	ssyncadd.s32 $0xFFFFFF80  }
0x5e: {  	[tilespmem:s19], [sflag:$0x3] =	stream.linear.gather [hbm4b:s30+s3], $0x80, $0x38;
	[tilespmem:$0x1BAC0] =	vst v63  }
0x5f: {  	_ =	swait.ge [sflag:s17], $0x80  }
0x60: {  	[sflag:s17] =	ssyncset.done $0x0  }
0x61: {  	[sflag:s17] =	ssyncadd.s32 $0xFFFFFF80  }
0x62: {  	[tilespmem:s3], [sflag:$0x1] =	stream.indirect.gather [hbm4b:s4+s20], $0x80, s18, s20, $0xb8;
	[tilespmem:$0x1BAC0] =	vst v63  }
.Ltmp0:
0x63: {  	_ = 	snop;
	(pc) =	sbr.rel @p0 .LBB2_2-.Ltmp0, $4  }
0x64: {  	_ = 	snop  }
0x65: {  	[spmem:s2] =	stream.indirect.scatter.add.f32 [tilespmem:s24], [sflag:$0x3], $0x80, s23, s20, $0xb8;
	[tilespmem:$0x1BAC0] =	vst v63  }
0x66: {  	_ =	swait.ge [sflag:s17], $0x4000  }
0x67: {  	[sflag:s17] =	ssyncset.done $0x0  }
0x68: {  	[sflag:s17] =	ssyncadd.s32 $0xFFFFC000  }
0x69: {  	_ =	swait.ge [sflag:s21], $0x4000  }
0x6a: {  	[sflag:s21] =	ssyncset.done $0x0  }
0x6b: {  	[sflag:s21] =	ssyncadd.s32 $0xFFFFC000  }
0x6c: {  	[spmem:s2] =	stream.indirect.scatter.add.f32 [tilespmem:s3], [sflag:$0x3], $0x80, s19, s20, $0xb8;
	[tilespmem:$0x1BAC0] =	vst v63  }
0x6d: {  	_ =	swait.ge [sflag:s17], $0x4000  }
0x6e: {  	s26 =	sadd.s32 $0x1, s26;
	[sflag:s17] =	ssyncset.done $0x0  }
0x6f: {  	p0 =	sne.s32 s26, s12;
	[sflag:s17] =	ssyncadd.s32 $0xFFFFC000  }
.Ltmp1:
0x70: {  	[bflag:$0x0] =	sbarrier.arrive $0xFFFF;
	(pc) =	sbr.rel @p0 .LBB2_1-.Ltmp1, $4  }
0x71: {  	[hbm:s11], [sflag:s8] =	dma.local [spmem:s16], $0x2800  }
0x72: {  	_ =	swait.ge [sflag:s17], $0x2800  }
0x73: {  	[sflag:s17] =	ssyncset.done $0x0  }
0x74: {  	[sflag:s17] =	ssyncadd.s32 $0xFFFFD800  }
0x75: {  	_ =	sfence.sel $0x180000  }
0x76: {  	[bflag:$0x0] =	sbarrier.arrive $0xFFFF  }
0x77: {  	p0 =	sne.s32 s1, $0x0;
	_ =	strace $0x9000004D  }
0x78: {  	s0 =	sadd.s32 @!p0 $0x100000, s0;
	[bflag:$0x2] =	sbarrier.arrive $0xFFFF  }
0x79: {  	[sflag:s0] =	ssyncadd.tile.s32 @!p0 $0x1;
	_ =	shalt  }
.Lfunc_end2:
_tile_overlayer_lowered:
.L_overlay_start_2:
0x7a: {  	(tag) =	ssettag $0x2  }
0x7b: {  	s0 =	rddreg [dreg:$0x0];
	s2 =	stileid.u32  }
0x7c: {  	s1 =	rddreg [dreg:$0x1];
	p0 =	sne.s32 s2, $0x0  }
0x7d: {  	s3 =	rddreg [dreg:$0x2];
	[bflag:$0x3] =	sbarrier.arrive $0xFFFF;
	s2 =	simm.s32 @!p0 $0x1C03  }
0x7e: {  	[timem:s3], [sflag:s2] =	dma.local @!p0 [hbm:s0], s1  }
0x7f: {  	s0 =	simm.s32 @!p0 $0x3  }
0x80: {  	_ =	swait.ge @!p0 [sflag:s0], s1  }
0x81: {  	s1 =	ssub.s32 @!p0 $0x0, s1;
	[sflag:s0] =	ssyncset.done @!p0 $0x0  }
0x82: {  	[sflag:s0] =	ssyncadd.s32 @!p0 s1  }
0x83: {  	[bflag:$0x3] =	sbarrier.arrive $0xFFFF  }
0x84: {  	_ =	shalt  }

// kernel: kernel.21.cloned.1.call-start
scs
__scs_entry_jumppad:
0x0: {  	(pc) =	sbr.rel $0x88, $3  }
0x1: {  	(tag) =	ssettag $0x0;
	lr =	simm.s32 $0x1  }
0x2: {  	[smem:$0x3F8B] =	sst lr;
	_ =	strace $0xD0000000  }
0x3: {  	_ = 	snop  }
0x4: {  	_ = 	snop  }
0x5: {  	_ = 	snop  }
0x6: {  	_ = 	snop  }
0x7: {  	_ = 	snop  }
__scs_overlays_trampoline_lowered:
0x8: {  	[smem:$0x3F9A] =	sst s0  }
0x9: {  	[smem:$0x3F9B] =	sst s1  }
0xa: {  	[smem:$0x3F9C] =	sst s2  }
0xb: {  	[smem:$0x3F9D] =	sst s3  }
0xc: {  	[smem:$0x3F9E] =	sst s4  }
0xd: {  	[smem:$0x3F9F] =	sst s5  }
0xe: {  	[smem:$0x3FA0] =	sst s6  }
0xf: {  	[smem:$0x3FA1] =	sst s7  }
0x10: {  	[smem:$0x3FA2] =	sst s8  }
0x11: {  	[smem:$0x3FA3] =	sst s9;
	s0 =	simm.s32 @!p0 $0x0  }
0x12: {  	s1 =	sld [smem:$0x3F89];
	s0 =	simm.s32 @p0 $0x1  }
0x13: {  	[smem:$0x3FA4] =	sst s0;
	s0 =	simm.s32 @!p1 $0x0  }
0x14: {  	s2 =	sld [smem:$0x3F88];
	s0 =	simm.s32 @p1 $0x1  }
0x15: {  	[smem:$0x3FA5] =	sst s0;
	s0 =	simm.s32 @!p2 $0x0  }
0x16: {  	s3 =	sld [smem:$0x3FDB];
	s0 =	simm.s32 @p2 $0x1  }
0x17: {  	s4 =	simm.s32 $0x1BF5;
	[smem:$0x3FA7] =	sst s0  }
0x18: {  	s0 =	sld [smem:$0x3F8A];
	_ =	swait.ge [sflag:s4], $0x0  }
0x19: {  	s7 =	sld [smem:$0x3F8B]  }
0x1a: {  	s8 =	sadd.s32 $0xFFFFE003, lr  }
0x1b: {  	s9 =	sadd.s32 $0xFFFFFEF7, lr;
	s5 =	simm.s32 $0xFFFFFFFF;
	p2 =	slt.u32 s8, $0xFFFFF086  }
0x1c: {  	p1 =	slt.u32 s9, $0xF7A;
	s5 =	simm.s32 @!p2 $0x0  }
0x1d: {  	s5 =	simm.s32 @p1 $0x1;
	p0 =	seq.s32 s7, s2  }
0x1e: {  	s7 =	smul.u32 @!p0 $0xF7A, s2;
	p2 =	seq.s32 @!p0 s5, $0x0  }
0x1f: {  	s9 =	smul.u32 $0xF7A, s1;
	s8 =	simm.s32 @!p0 $0x1BF5;
	p2 =	por !p2, p0  }
0x20: {  	[sflag:s8] =	ssyncset.s32 @!p0 $0xFFFFF086;
	s6 =	sadd.s32 @!p0 s3, s7;
	s7 =	simm.s32 @!p0 $0x108  }
0x21: {  	s3 =	sadd.s32 s3, s9;
	s6 =	sadd.s32 @!p0 $0x88, s6;
	s7 =	simm.s32 @p2 $0x1082  }
0x22: {  	[simem:s7], [sflag:s8] =	dma.local @!p0 [hbm:s6], $0xF7A  }
0x23: {  	s9 =	sor.u32 $0xD0000000, s2;
	s6 =	simm.s32 $0x108;
	_ =	swait.ge @!p0 [sflag:s8], $0x0  }
0x24: {  	s3 =	sadd.s32 $0x88, s3;
	s6 =	simm.s32 @!p1 $0x1082;
	[sflag:s4] =	ssyncset.s32 $0xFFFFF086  }
0x25: {  	[simem:s6], [sflag:s4] =	dma.local [hbm:s3], $0xF7A  }
0x26: {  	[smem:$0x3F8B] =	sst s1;
	(tag) =	ssettag s2;
	_ =	strace s9  }
0x27: {  	s1 =	sld [smem:$0x3F9B]  }
0x28: {  	s2 =	sld [smem:$0x3F9C]  }
0x29: {  	s4 =	sld [smem:$0x3F9E]  }
0x2a: {  	p0 =	seq.s32 s5, $0x0;
	s5 =	sld [smem:$0x3F9F]  }
0x2b: {  	s6 =	sld [smem:$0x3FA0]  }
0x2c: {  	s7 =	sld [smem:$0x3FA1]  }
0x2d: {  	s3 =	simm.s32 $0x108;
	s8 =	sld [smem:$0x3FA2]  }
0x2e: {  	s3 =	simm.s32 @!p0 $0x1082;
	s9 =	sld [smem:$0x3FA3]  }
0x2f: {  	lr =	sadd.s32 s0, s3;
	s0 =	sld [smem:$0x3F9A]  }
0x30: {  	s3 =	sld [smem:$0x3F9D]  }
0x31: {  	[smem:$0x3FA6] =	sst s10  }
0x32: {  	s10 =	sld [smem:$0x3FA4];
	_ =	sdelay $0x3  }
0x33: {  	p0 =	seq.s32 s10, $0x1;
	s10 =	sld [smem:$0x3FA6];
	_ =	sdelay $0x3  }
0x34: {  	[smem:$0x3FA6] =	sst s10  }
0x35: {  	s10 =	sld [smem:$0x3FA5];
	_ =	sdelay $0x3  }
0x36: {  	p1 =	seq.s32 s10, $0x1;
	s10 =	sld [smem:$0x3FA6];
	_ =	sdelay $0x3  }
0x37: {  	[smem:$0x3FA6] =	sst s10  }
0x38: {  	s10 =	sld [smem:$0x3FA7]  }
0x39: {  	_ = 	snop;
	(pc) =	sbr.ind lr, $3  }
0x3a: {  	_ = 	snop  }
0x3b: {  	_ = 	snop  }
0x3c: {  	p2 =	seq.s32 s10, $0x1;
	s10 =	sld [smem:$0x3FA6]  }
0x3d: {  	_ =	shalt  }
0x3e: {  	_ =	shalt  }
0x3f: {  	_ =	shalt  }
0x40: {  	_ =	shalt  }
0x41: {  	_ =	shalt  }
0x42: {  	_ =	shalt  }
0x43: {  	_ =	shalt  }
0x44: {  	_ =	shalt  }
0x45: {  	_ =	shalt  }
0x46: {  	_ =	shalt  }
0x47: {  	_ =	shalt  }
0x48: {  	_ =	shalt  }
0x49: {  	_ =	shalt  }
0x4a: {  	_ =	shalt  }
0x4b: {  	_ =	shalt  }
0x4c: {  	_ =	shalt  }
0x4d: {  	_ =	shalt  }
0x4e: {  	_ =	shalt  }
0x4f: {  	_ =	shalt  }
0x50: {  	_ =	shalt  }
0x51: {  	_ =	shalt  }
0x52: {  	_ =	shalt  }
0x53: {  	_ =	shalt  }
0x54: {  	_ =	shalt  }
0x55: {  	_ =	shalt  }
0x56: {  	_ =	shalt  }
0x57: {  	_ =	shalt  }
0x58: {  	_ =	shalt  }
0x59: {  	_ =	shalt  }
0x5a: {  	_ =	shalt  }
0x5b: {  	_ =	shalt  }
0x5c: {  	_ =	shalt  }
0x5d: {  	_ =	shalt  }
0x5e: {  	_ =	shalt  }
0x5f: {  	_ =	shalt  }
0x60: {  	_ =	shalt  }
0x61: {  	_ =	shalt  }
0x62: {  	_ =	shalt  }
0x63: {  	_ =	shalt  }
0x64: {  	_ =	shalt  }
0x65: {  	_ =	shalt  }
0x66: {  	_ =	shalt  }
0x67: {  	_ =	shalt  }
0x68: {  	_ =	shalt  }
0x69: {  	_ =	shalt  }
0x6a: {  	_ =	shalt  }
0x6b: {  	_ =	shalt  }
0x6c: {  	_ =	shalt  }
0x6d: {  	_ =	shalt  }
0x6e: {  	_ =	shalt  }
0x6f: {  	_ =	shalt  }
0x70: {  	_ =	shalt  }
0x71: {  	_ =	shalt  }
0x72: {  	_ =	shalt  }
0x73: {  	_ =	shalt  }
0x74: {  	_ =	shalt  }
0x75: {  	_ =	shalt  }
0x76: {  	_ =	shalt  }
0x77: {  	_ =	shalt  }
0x78: {  	_ =	shalt  }
0x79: {  	_ =	shalt  }
0x7a: {  	_ =	shalt  }
0x7b: {  	_ =	shalt  }
0x7c: {  	_ =	shalt  }
0x7d: {  	_ =	shalt  }
0x7e: {  	_ =	shalt  }
0x7f: {  	_ =	shalt  }
0x80: {  	_ =	shalt  }
0x81: {  	_ =	shalt  }
0x82: {  	_ =	shalt  }
0x83: {  	_ =	shalt  }
0x84: {  	_ =	shalt  }
0x85: {  	_ =	shalt  }
0x86: {  	_ =	shalt  }
0x87: {  	_ =	shalt  }
.Lfunc_end0:
.L_simem_size_0:
called_computation.3_lowered:
.L_overlay_start_0:
0x88: {  	s2 =	sld [smem:$0x3FD9]  }
0x89: {  	s3 =	sld [smem:$0x3FFE];
	_ =	sdelay $0x1  }
0x8a: {  	s1 =	srdreg.scid  }
0x8b: {  	s0 =	sand.u32 $0x1, s1  }
0x8c: {  	s16 =	sshll.u32 s0, $0xA;
	s2 =	sadd.s32 s3, s2  }
0x8d: {  	s2 =	sadd.s32 s2, s16  }
0x8e: {  	[smem:$0x3FB2] =	sst s2  }
0x8f: {  	_ = 	snop  }
0x90: {  	(tm) =	ssettm $0x1  }
0x91: {  	s17 =	sld [smem:$0x3FFB];
	_ =	sdelay $0x3  }
0x92: {  	_ =	strace s17  }
0x93: {  	s2 =	sld [smem:$0x3FFC];
	_ =	sdelay $0x3  }
0x94: {  	_ =	strace s2  }
0x95: {  	s2 =	sld [smem:$0x3FFD];
	_ =	sdelay $0x3  }
0x96: {  	_ =	strace s2  }
0x97: {  	_ =	strace $0x8FFFFFFF  }
0x98: {  	s18 =	sld [smem:$0x3FDB];
	_ =	sdelay $0x1  }
0x99: {  	s19 =	simm.s32 $_scs_section_size  }
0x9a: {  	s4 =	simm.s32 $_size__tile_overlayer_lowered;
	s5 =	simm.s32 $_tile_overlayer_lowered  }
0x9b: {  	s22 =	simm.s32 $0x1BFF;
	s21 =	sshll.u32 s5, $0x1;
	s2 =	sadd.s32 s19, s18  }
0x9c: {  	s6 =	simm.s32 $0x0;
	s20 =	sshll.u32 s4, $0x1;
	s4 =	sadd.s32 s21, s2  }
0x9d: {  	[timem:s6], [sflag:s22] =	dma.local [hbm:s4], s20  }
0x9e: {  	_ =	swait.ge [sflag:s22], s20  }
0x9f: {  	s3 =	ssub.s32 $0x0, s20;
	[sflag:s22] =	ssyncset.done $0x0  }
0xa0: {  	[sflag:s22] =	ssyncadd.s32 s3;
	_ =	sdelay $0x1  }
0xa1: {  	s23 =	simm.s32 $0x1B8B  }
0xa2: {  	_ =	swait.ge [sflag:s23], $0x1  }
0xa3: {  	[sflag:s23] =	ssyncset.done $0x0  }
0xa4: {  	s25 =	simm.s32 $0x1B8E;
	s24 =	sld [smem:$0x3FFE];
	[sflag:s23] =	ssyncadd.s32 $0xFFFFFFFF  }
0xa5: {  	s26 =	simm.s32 $execute0_lowered;
	[smem:$0x3FD2] =	sst s25  }
0xa6: {  	s4 =	sshll.u32 s26, $0x1;
	_ =	strace $0x8000004F;
	[dreg:$0x1] =	wrdreg $0xFFFFFFFF  }
0xa7: {  	s28 =	simm.s32 $_size_execute0_lowered;
	s2 =	sadd.s32 s2, s4;
	[dreg:$0x0] =	wrdreg $0x0  }
0xa8: {  	s4 =	sshll.u32 s28, $0x1;
	[dreg:$0x2] =	wrdreg s2  }
0xa9: {  	[dreg:$0x3] =	wrdreg s4  }
0xaa: {  	[dreg:$0x4] =	wrdreg $0xC0  }
0xab: {  	_ =	task [dreg:s6], $0x5FFFF  }
0xac: {  	[dreg:$0x1] =	wrdreg $0xFFFFFFFF  }
0xad: {  	[dreg:$0x0] =	wrdreg $0x60  }
0xae: {  	[dreg:$0x2] =	wrdreg s24  }
0xaf: {  	[dreg:$0x3] =	wrdreg $0x9  }
0xb0: {  	_ =	task.clear_ibuf [dreg:s6], $0x4FFFF;
	_ =	strace $0x9000004F  }
0xb1: {  	s29 =	simm.s32 $0x9;
	_ =	strace $0x80000051  }
0xb2: {  	_ =	swait.ge [sflag:s29], $0x1  }
0xb3: {  	[sflag:s29] =	ssyncadd.s32 $0xFFFFFFFF  }
0xb4: {  	_ =	strace $0x90000051  }
0xb5: {  	_ =	sfence  }
0xb6: {  	s30 =	sld [smem:$0x0];
	_ =	sdelay $0x2  }
0xb7: {  	s31 =	sshll.u32 s1, $0xD;
	s1 =	sshrl.u32 s1, $0x2  }
0xb8: {  	s3 =	sand.u32 $0x4000, s31;
	s1 =	sadd.s32 s1, s30  }
0xb9: {  	s0 =	sor.u32 s3, s0;
	s1 =	sshll.u32 s1, $0x11  }
0xba: {  	s0 =	sor.u32 s1, s0  }
0xbb: {  	s0 =	sadd.s32 $0x8F2B, s0  }
0xbc: {  	[sflag:s0] =	ssyncadd.remote.s32 $0x1  }
0xbd: {  	_ =	sfence.sel $0xFFFF  }
0xbe: {  	[dreg:$0x0] =	wrdreg $0xFFFFFFFF;
	(pc) =	sbr.abs _section_cstart, $3  }
0xbf: {  	[dreg:$0x1] =	wrdreg $0xFFFFFFFF  }
0xc0: {  	_ =	task.clear_ibuf [dreg:s6], $0x2FFFF;
	_ =	strace $0x9FFFFFFF  }
0xc1: {  	(tm) =	ssettm $0x7FFFFFFF  }
tec
execute0_lowered:
.L_overlay_start_1:
0x0: {  	(tag) =	ssettag $0x1  }
0x1: {  	s0 =	rddreg [dreg:$0x0];
	s2 =	simm.s32 $0x0;
	s1 =	srdreg.scid  }
0x2: {  	s16 =	stileid.u32;
	s17 =	simm.s32 $0x10100;
	s18 =	simm.s32 $0x80  }
0x3: {  	s28 =	simm.s32 $0x4;
	s29 =	simm.s32 $0x0;
	s8 =	smul.u32 $0x278000, s16  }
0x4: {  	[smem:$0x7FF] =	sst s2;
	s1 =	sand.u32 $0x1, s1;
	s14 =	smul.u32 $0x4F00, s16  }
0x5: {  	s3 =	sshll.u32 s16, $0x1;
	s4 =	sadd.s32 $0x8CC00, s0;
	s24 =	smul.u32 $0x4F000, s16  }
0x6: {  	s5 =	sadd.s32 $0x96A00, s0;
	s11 =	sadd.s32 $0xA0800, s0;
	s10 =	smul.u32 $0x13C000, s1  }
0x7: {  	s12 =	sadd.s32 $0x590800, s0;
	s16 =	simm.s32 $0x5;
	s15 =	smul.u32 $0x2780, s1  }
0x8: {  	s6 =	sor.u32 s1, s3;
	s19 =	ssub.s32 $0x2, s1;
	s1 =	smul.u32 $0x27800, s1  }
0x9: {  	_ =	strace $0x80000050;
	s7 =	smul.u32 $0x2780, s6;
	s9 =	sshrl.u32 s19, $0x1  }
0xa: {  	s3 =	sadd.s32 $0x3A00, s0;
	s6 =	smul.u32 $0x13C000, s6;
	s0 =	ssub.s32 s19, s9  }
0xb: {  	s21 =	sadd.s32 s10, s8;
	s26 =	sadd.s32 s15, s14;
	s15 =	simm.s32 $0x10000  }
0xc: {  	s19 =	simm.s32 $0x8000;
	s7 =	sshrl.u32 s7, $0x3;
	s6 =	sshrl.u32 s6, $0x3  }
0xd: {  	s13 =	sshrl.u32 s21, $0x3;
	s10 =	smax.u32 s0, $0x1;
	s0 =	sadd.s32 $0x100, s26  }
0xe: {  	s30 =	sadd.s32 $0x80, s26;
	s21 =	simm.s32 $0x3;
	s20 =	sadd.s32 s4, s7  }
0xf: {  	s26 =	simm.s32 $0x2;
	s7 =	sadd.s32 s5, s7;
	[dreg:$0x5] =	wrdreg s20  }
0x10: {  	s6 =	sadd.s32 $0x27000, s6;
	s23 =	sadd.s32 s13, s12;
	[dreg:$0x6] =	wrdreg s7  }
0x11: {  	s25 =	sadd.s32 s13, s11;
	s31 =	sshrl.u32 s30, $0x3;
	[dreg:$0x2] =	wrdreg s23  }
0x12: {  	s22 =	sadd.s32 s11, s6;
	s9 =	sadd.s32 s12, s6;
	[dreg:$0x3] =	wrdreg s25  }
0x13: {  	s11 =	sadd.s32 s24, s11;
	s6 =	sadd.s32 s24, s12;
	s14 =	sadd.s32 s31, s4  }
0x14: {  	s20 =	simm.s32 $0x1;
	s23 =	simm.s32 $0x10180;
	s24 =	simm.s32 $0x4000  }
0x15: {  	s25 =	simm.s32 $0xC000;
	[dreg:$0x7] =	wrdreg s22;
	s11 =	sadd.s32 s1, s11  }
0x16: {  	s1 =	sadd.s32 s1, s6;
	s22 =	simm.s32 $0x10080;
	s11 =	sadd.s32 $0x800, s11  }
0x17: {  	s12 =	sadd.s32 $0x800, s1;
	s1 =	sadd.s32 s31, s5;
	[dreg:$0x4] =	wrdreg s11  }
.LBB2_1:
0x18: {  	s6 =	rddreg [dreg:$0x5]  }
0x19: {  	[tilespmem:s15], [sflag:$0x5] =	stream.linear.gather [hbm4b:s6+s2], $0x80, $0x38;
	[tilespmem:$0x10200] =	vst v63  }
0x1a: {  	_ =	swait.ge [sflag:s16], $0x80  }
0x1b: {  	[sflag:s16] =	ssyncset.done $0x0  }
0x1c: {  	s11 =	rddreg [dreg:$0x6];
	[sflag:s16] =	ssyncadd.s32 $0xFFFFFF80  }
0x1d: {  	[tilespmem:s17], [sflag:$0x5] =	stream.linear.gather [hbm4b:s11+s2], $0x80, $0x38;
	[tilespmem:$0x10200] =	vst v63  }
0x1e: {  	_ =	swait.ge [sflag:s16], $0x80  }
0x1f: {  	[sflag:s16] =	ssyncset.done $0x0  }
0x20: {  	[sflag:s16] =	ssyncadd.s32 $0xFFFFFF80  }
0x21: {  	[tilespmem:s2], [sflag:$0x1] =	stream.indirect.gather [hbm4b:s3+s18], $0x80, s15, s18, $0xb8;
	[tilespmem:$0x10200] =	vst v63  }
0x22: {  	_ = 	snop  }
0x23: {  	[tilespmem:s19], [sflag:$0x3] =	stream.indirect.gather [hbm4b:s3+s18], $0x80, s17, s18, $0xb8;
	[tilespmem:$0x10200] =	vst v63  }
0x24: {  	_ =	swait.ge [sflag:s20], $0x4000  }
0x25: {  	[sflag:s20] =	ssyncset.done $0x0  }
0x26: {  	[sflag:s20] =	ssyncadd.s32 $0xFFFFC000  }
0x27: {  	_ =	swait.ge [sflag:s21], $0x4000  }
0x28: {  	[sflag:s21] =	ssyncset.done $0x0  }
0x29: {  	[sflag:s21] =	ssyncadd.s32 $0xFFFFC000  }
0x2a: {  	[tilespmem:s22], [sflag:$0x5] =	stream.linear.gather [hbm4b:s14+s2], $0x80, $0x38;
	[tilespmem:$0x10200] =	vst v63  }
0x2b: {  	_ =	swait.ge [sflag:s16], $0x80  }
0x2c: {  	[sflag:s16] =	ssyncset.done $0x0  }
0x2d: {  	[sflag:s16] =	ssyncadd.s32 $0xFFFFFF80  }
0x2e: {  	[tilespmem:s23], [sflag:$0x5] =	stream.linear.gather [hbm4b:s1+s2], $0x80, $0x38;
	[tilespmem:$0x10200] =	vst v63  }
0x2f: {  	_ =	swait.ge [sflag:s16], $0x80  }
0x30: {  	[sflag:s16] =	ssyncset.done $0x0  }
0x31: {  	[sflag:s16] =	ssyncadd.s32 $0xFFFFFF80  }
0x32: {  	[tilespmem:s24], [sflag:$0x2] =	stream.indirect.gather [hbm4b:s3+s18], $0x80, s22, s18, $0xb8;
	[tilespmem:$0x10200] =	vst v63  }
0x33: {  	s13 =	rddreg [dreg:$0x3]  }
0x34: {  	[tilespmem:s25], [sflag:$0x4] =	stream.indirect.gather [hbm4b:s3+s18], $0x80, s23, s18, $0xb8;
	[tilespmem:$0x10200] =	vst v63  }
0x35: {  	s6 =	sadd.s32 $0x0, s13  }
0x36: {  	[hbm4b:s6+s2] =	stream.linear.scatter [tilespmem:s2], [sflag:$0x5], $0x4000, $0x38;
	[tilespmem:$0x10200] =	vst v63  }
0x37: {  	_ =	swait.ge [sflag:s16], $0x4000  }
0x38: {  	s7 =	rddreg [dreg:$0x2];
	[sflag:s16] =	ssyncset.done $0x0  }
0x39: {  	[sflag:s16] =	ssyncadd.s32 $0xFFFFC000;
	s6 =	sadd.s32 $0x0, s7  }
0x3a: {  	[hbm4b:s6+s2] =	stream.linear.scatter [tilespmem:s19], [sflag:$0x5], $0x4000, $0x38;
	[tilespmem:$0x10200] =	vst v63  }
0x3b: {  	_ =	swait.ge [sflag:s16], $0x4000  }
0x3c: {  	[sflag:s16] =	ssyncset.done $0x0  }
0x3d: {  	[sflag:s16] =	ssyncadd.s32 $0xFFFFC000  }
0x3e: {  	_ =	swait.ge [sflag:s26], $0x4000  }
0x3f: {  	[sflag:s26] =	ssyncset.done $0x0  }
0x40: {  	[sflag:s26] =	ssyncadd.s32 $0xFFFFC000  }
0x41: {  	_ =	swait.ge [sflag:s28], $0x4000  }
0x42: {  	s8 =	sshrl.u32 s0, $0x3;
	[sflag:s28] =	ssyncset.done $0x0  }
0x43: {  	s11 =	sadd.s32 s4, s8;
	[sflag:s28] =	ssyncadd.s32 $0xFFFFC000  }
0x44: {  	[tilespmem:s15], [sflag:$0x5] =	stream.linear.gather [hbm4b:s11+s2], $0x80, $0x38;
	[tilespmem:$0x10200] =	vst v63  }
0x45: {  	_ =	swait.ge [sflag:s16], $0x80  }
0x46: {  	[sflag:s16] =	ssyncset.done $0x0  }
0x47: {  	s6 =	sadd.s32 s5, s8;
	[sflag:s16] =	ssyncadd.s32 $0xFFFFFF80  }
0x48: {  	[tilespmem:s17], [sflag:$0x5] =	stream.linear.gather [hbm4b:s6+s2], $0x80, $0x38;
	[tilespmem:$0x10200] =	vst v63  }
0x49: {  	_ =	swait.ge [sflag:s16], $0x80  }
0x4a: {  	[sflag:s16] =	ssyncset.done $0x0  }
0x4b: {  	[sflag:s16] =	ssyncadd.s32 $0xFFFFFF80  }
0x4c: {  	[tilespmem:s2], [sflag:$0x1] =	stream.indirect.gather [hbm4b:s3+s18], $0x80, s15, s18, $0xb8;
	[tilespmem:$0x10200] =	vst v63  }
0x4d: {  	s11 =	rddreg [dreg:$0x4]  }
0x4e: {  	[tilespmem:s19], [sflag:$0x3] =	stream.indirect.gather [hbm4b:s3+s18], $0x80, s17, s18, $0xb8;
	[tilespmem:$0x10200] =	vst v63  }
0x4f: {  	s6 =	sadd.s32 $0x0, s11  }
0x50: {  	[hbm4b:s6+s2] =	stream.linear.scatter [tilespmem:s24], [sflag:$0x5], $0x4000, $0x38;
	[tilespmem:$0x10200] =	vst v63  }
0x51: {  	_ =	swait.ge [sflag:s16], $0x4000  }
0x52: {  	[sflag:s16] =	ssyncset.done $0x0  }
0x53: {  	s13 =	sadd.s32 $0x0, s12;
	[sflag:s16] =	ssyncadd.s32 $0xFFFFC000  }
0x54: {  	[hbm4b:s13+s2] =	stream.linear.scatter [tilespmem:s25], [sflag:$0x5], $0x4000, $0x38;
	[tilespmem:$0x10200] =	vst v63  }
0x55: {  	s30 =	simm.s32 $0x1000;
	s31 =	sadd.s32 $0x20, s14;
	_ =	swait.ge [sflag:s16], $0x4000  }
0x56: {  	s11 =	smov.u32 s0;
	s13 =	smov.u32 s1;
	[sflag:s16] =	ssyncset.done $0x0  }
.LBB2_2:
0x57: {  	[sflag:s16] =	ssyncadd.s32 $0xFFFFC000  }
0x58: {  	_ =	swait.ge [sflag:s20], $0x4000  }
0x59: {  	[sflag:s20] =	ssyncset.done $0x0  }
0x5a: {  	[sflag:s20] =	ssyncadd.s32 $0xFFFFC000  }
0x5b: {  	_ =	swait.ge [sflag:s21], $0x4000  }
0x5c: {  	[sflag:s21] =	ssyncset.done $0x0  }
0x5d: {  	[sflag:s21] =	ssyncadd.s32 $0xFFFFC000  }
0x5e: {  	[tilespmem:s22], [sflag:$0x5] =	stream.linear.gather [hbm4b:s31+s2], $0x80, $0x38;
	[tilespmem:$0x10200] =	vst v63  }
0x5f: {  	_ =	swait.ge [sflag:s16], $0x80  }
0x60: {  	[sflag:s16] =	ssyncset.done $0x0  }
0x61: {  	s13 =	sadd.s32 $0x20, s13;
	[sflag:s16] =	ssyncadd.s32 $0xFFFFFF80  }
0x62: {  	[tilespmem:s23], [sflag:$0x5] =	stream.linear.gather [hbm4b:s13+s2], $0x80, $0x38;
	[tilespmem:$0x10200] =	vst v63  }
0x63: {  	_ =	swait.ge [sflag:s16], $0x80  }
0x64: {  	[sflag:s16] =	ssyncset.done $0x0  }
0x65: {  	[sflag:s16] =	ssyncadd.s32 $0xFFFFFF80  }
0x66: {  	[tilespmem:s24], [sflag:$0x2] =	stream.indirect.gather [hbm4b:s3+s18], $0x80, s22, s18, $0xb8;
	[tilespmem:$0x10200] =	vst v63  }
0x67: {  	s6 =	smov.u32 s30;
	s7 =	rddreg [dreg:$0x3]  }
0x68: {  	[tilespmem:s25], [sflag:$0x4] =	stream.indirect.gather [hbm4b:s3+s18], $0x80, s23, s18, $0xb8;
	[tilespmem:$0x10200] =	vst v63  }
0x69: {  	s7 =	sadd.s32 s6, s7  }
0x6a: {  	[hbm4b:s7+s2] =	stream.linear.scatter [tilespmem:s2], [sflag:$0x5], $0x4000, $0x38;
	[tilespmem:$0x10200] =	vst v63  }
0x6b: {  	_ =	swait.ge [sflag:s16], $0x4000  }
0x6c: {  	s8 =	rddreg [dreg:$0x2];
	[sflag:s16] =	ssyncset.done $0x0  }
0x6d: {  	[sflag:s16] =	ssyncadd.s32 $0xFFFFC000;
	s7 =	sadd.s32 s6, s8  }
0x6e: {  	[hbm4b:s7+s2] =	stream.linear.scatter [tilespmem:s19], [sflag:$0x5], $0x4000, $0x38;
	[tilespmem:$0x10200] =	vst v63  }
0x6f: {  	_ =	swait.ge [sflag:s16], $0x4000  }
0x70: {  	[sflag:s16] =	ssyncset.done $0x0  }
0x71: {  	[sflag:s16] =	ssyncadd.s32 $0xFFFFC000  }
0x72: {  	_ =	swait.ge [sflag:s26], $0x4000  }
0x73: {  	[sflag:s26] =	ssyncset.done $0x0  }
0x74: {  	[sflag:s26] =	ssyncadd.s32 $0xFFFFC000  }
0x75: {  	s11 =	sadd.s32 $0x100, s11;
	_ =	swait.ge [sflag:s28], $0x4000  }
0x76: {  	s7 =	sshrl.u32 s11, $0x3;
	[sflag:s28] =	ssyncset.done $0x0  }
0x77: {  	s8 =	sadd.s32 s4, s7;
	[sflag:s28] =	ssyncadd.s32 $0xFFFFC000  }
0x78: {  	[tilespmem:s15], [sflag:$0x5] =	stream.linear.gather [hbm4b:s8+s2], $0x80, $0x38;
	[tilespmem:$0x10200] =	vst v63  }
0x79: {  	_ =	swait.ge [sflag:s16], $0x80  }
0x7a: {  	[sflag:s16] =	ssyncset.done $0x0  }
0x7b: {  	s7 =	sadd.s32 s5, s7;
	[sflag:s16] =	ssyncadd.s32 $0xFFFFFF80  }
0x7c: {  	[tilespmem:s17], [sflag:$0x5] =	stream.linear.gather [hbm4b:s7+s2], $0x80, $0x38;
	[tilespmem:$0x10200] =	vst v63  }
0x7d: {  	_ =	swait.ge [sflag:s16], $0x80  }
0x7e: {  	[sflag:s16] =	ssyncset.done $0x0  }
0x7f: {  	[sflag:s16] =	ssyncadd.s32 $0xFFFFFF80  }
0x80: {  	[tilespmem:s2], [sflag:$0x1] =	stream.indirect.gather [hbm4b:s3+s18], $0x80, s15, s18, $0xb8;
	[tilespmem:$0x10200] =	vst v63  }
0x81: {  	s8 =	rddreg [dreg:$0x4]  }
0x82: {  	[tilespmem:s19], [sflag:$0x3] =	stream.indirect.gather [hbm4b:s3+s18], $0x80, s17, s18, $0xb8;
	[tilespmem:$0x10200] =	vst v63  }
0x83: {  	s7 =	sadd.s32 s6, s8  }
0x84: {  	[hbm4b:s7+s2] =	stream.linear.scatter [tilespmem:s24], [sflag:$0x5], $0x4000, $0x38;
	[tilespmem:$0x10200] =	vst v63  }
0x85: {  	p0 =	sne.s32 s30, $0x26000;
	_ =	swait.ge [sflag:s16], $0x4000  }
.Ltmp0:
0x86: {  	[sflag:s16] =	ssyncset.done $0x0;
	(pc) =	sbr.rel @p0 .LBB2_2-.Ltmp0, $4  }
0x87: {  	s6 =	sadd.s32 s6, s12;
	[sflag:s16] =	ssyncadd.s32 $0xFFFFC000  }
0x88: {  	[hbm4b:s6+s2] =	stream.linear.scatter [tilespmem:s25], [sflag:$0x5], $0x4000, $0x38;
	[tilespmem:$0x10200] =	vst v63  }
0x89: {  	_ =	swait.ge [sflag:s16], $0x4000  }
0x8a: {  	s30 =	sadd.s32 $0x1000, s30;
	s31 =	sadd.s32 $0x20, s31;
	[sflag:s16] =	ssyncset.done $0x0  }
0x8b: {  	[sflag:s16] =	ssyncadd.s32 $0xFFFFC000  }
0x8c: {  	_ =	swait.ge [sflag:s20], $0x4000  }
0x8d: {  	[sflag:s20] =	ssyncset.done $0x0  }
0x8e: {  	[sflag:s20] =	ssyncadd.s32 $0xFFFFC000  }
0x8f: {  	_ =	swait.ge [sflag:s21], $0x4000  }
0x90: {  	[sflag:s21] =	ssyncset.done $0x0  }
0x91: {  	s6 =	rddreg [dreg:$0x7];
	[sflag:s21] =	ssyncadd.s32 $0xFFFFC000  }
0x92: {  	[hbm4b:s6+s2] =	stream.linear.scatter [tilespmem:s2], [sflag:$0x5], $0x4000, $0x38;
	[tilespmem:$0x10200] =	vst v63  }
0x93: {  	s29 =	sadd.s32 $0x1, s29;
	_ =	swait.ge [sflag:s16], $0x4000  }
0x94: {  	p0 =	sne.s32 s29, s10;
	[sflag:s16] =	ssyncset.done $0x0  }
.Ltmp1:
0x95: {  	[sflag:s16] =	ssyncadd.s32 $0xFFFFC000;
	(pc) =	sbr.rel @p0 .LBB2_1-.Ltmp1, $4  }
0x96: {  	[hbm4b:s9+s2] =	stream.linear.scatter [tilespmem:s19], [sflag:$0x5], $0x4000, $0x38;
	[tilespmem:$0x10200] =	vst v63  }
0x97: {  	_ =	swait.ge [sflag:s16], $0x4000  }
0x98: {  	[sflag:s16] =	ssyncset.done $0x0  }
0x99: {  	[sflag:s16] =	ssyncadd.s32 $0xFFFFC000  }
0x9a: {  	_ =	sfence.sel $0x180000  }
0x9b: {  	[bflag:$0x0] =	sbarrier.arrive $0xFFFF  }
0x9c: {  	_ =	strace $0x90000050  }
0x9d: {  	s0 =	stileid.u32;
	[bflag:$0x2] =	sbarrier.arrive $0xFFFF  }
0x9e: {  	p0 =	sne.s32 s0, $0x0;
	s0 =	rddreg [dreg:$0x1]  }
0x9f: {  	s0 =	sadd.s32 @!p0 $0x100000, s0  }
0xa0: {  	[sflag:s0] =	ssyncadd.tile.s32 @!p0 $0x1;
	_ =	shalt  }
.Lfunc_end2:
_tile_overlayer_lowered:
.L_overlay_start_2:
0xa1: {  	(tag) =	ssettag $0x2  }
0xa2: {  	s0 =	rddreg [dreg:$0x0];
	s2 =	stileid.u32  }
0xa3: {  	s1 =	rddreg [dreg:$0x1];
	p0 =	sne.s32 s2, $0x0  }
0xa4: {  	s3 =	rddreg [dreg:$0x2];
	[bflag:$0x3] =	sbarrier.arrive $0xFFFF;
	s2 =	simm.s32 @!p0 $0x1C05  }
0xa5: {  	[timem:s3], [sflag:s2] =	dma.local @!p0 [hbm:s0], s1  }
0xa6: {  	s0 =	simm.s32 @!p0 $0x5  }
0xa7: {  	_ =	swait.ge @!p0 [sflag:s0], s1  }
0xa8: {  	s1 =	ssub.s32 @!p0 $0x0, s1;
	[sflag:s0] =	ssyncset.done @!p0 $0x0  }
0xa9: {  	[sflag:s0] =	ssyncadd.s32 @!p0 s1  }
0xaa: {  	[bflag:$0x3] =	sbarrier.arrive $0xFFFF  }
0xab: {  	_ =	shalt  }

</sc_bundles>
